<compile_context>
chip_gen: v7x
topology: tpu7x:2x2x1
jax: 0.10.2.dev20260603
libtpu: 0.0.44.dev20260713+nightly
codegen_flags: <defaults>
</compile_context>

<pallas_src>
import jax
import jax.numpy as jnp
from jax import lax
from jax.experimental import pallas as pl
from jax.experimental.pallas import tpu as pltpu
from jax.experimental.pallas import tpu_sc as plsc

N = 10000
NPAD = 10240
E = 320000
D = 128
NGRAPH = 64
NCLS = 10

NTILES = 16
CH = 128
EPT = 20480
EPAD = NTILES * EPT
NCHUNK = EPT // CH
ROWS_PT = NPAD // NTILES

_SC_MESH = plsc.VectorSubcoreMesh(core_axis_name="c", subcore_axis_name="s")


NBUF = 2
CPT = NCHUNK
G = 32
NGRP = CPT // G


def _edge_loop(src2d, dst2d, h_arr, shared, sbuf, dbuf, rows, sems, tile):
    base = tile * CPT

    def grp(g, _):
        off = base + g * G
        pltpu.sync_copy(src2d.at[pl.ds(off, G)], sbuf)
        pltpu.sync_copy(dst2d.at[pl.ds(off, G)], dbuf)
        for b in range(NBUF):
            pltpu.async_copy(h_arr.at[sbuf.at[b]], rows.at[b], sems[b])

        def inner(k, _):
            for b in range(NBUF):
                j = k * NBUF + b
                pltpu.make_async_copy(h_arr.at[sbuf.at[j]], rows.at[b],
                                      sems[b]).wait()
                pltpu.sync_copy(rows.at[b], shared.at[dbuf.at[j]], add=True)

                @pl.when(j + NBUF < G)
                def _():
                    pltpu.async_copy(h_arr.at[sbuf.at[j + NBUF]], rows.at[b],
                                     sems[b])
            return 0

        lax.fori_loop(0, G // NBUF, inner, 0)
        return 0

    lax.fori_loop(0, NGRP, grp, 0)


def _make_agg_call(with_counts):
    def _agg_body(hu, hi, su2i, du2i, si2u, di2u, zinit, ones_hbm, *rest):
        if with_counts:
            out_i, out_u, cnt_i, cnt_u, shared, sbuf, dbuf, rows = rest[:8]
            sems = rest[8:]
        else:
            out_i, out_u, shared, sbuf, dbuf, rows = rest[:6]
            sems = rest[6:]
        c = lax.axis_index("c")
        s = lax.axis_index("s")
        sl = pl.ds(s * ROWS_PT, ROWS_PT)
        pltpu.sync_copy(zinit.at[sl], shared.at[sl])
        plsc.subcore_barrier()

        @pl.when(c == 0)
        def _():
            _edge_loop(su2i, du2i, hu, shared, sbuf, dbuf, rows, sems, s)

        @pl.when(c == 1)
        def _():
            _edge_loop(si2u, di2u, hi, shared, sbuf, dbuf, rows, sems, s)

        plsc.subcore_barrier()

        @pl.when(c == 0)
        def _():
            pltpu.sync_copy(shared.at[sl], out_i.at[sl])

        @pl.when(c == 1)
        def _():
            pltpu.sync_copy(shared.at[sl], out_u.at[sl])

        if with_counts:
            pltpu.sync_copy(zinit.at[sl], shared.at[sl])
            pltpu.sync_copy(ones_hbm, rows.at[0])
            plsc.subcore_barrier()

            def cloop(dst2d):
                def grp(g, _):
                    pltpu.sync_copy(dst2d.at[pl.ds(s * CPT + g * G, G)], dbuf)

                    def inner(k, _):
                        pltpu.sync_copy(rows.at[0], shared.at[dbuf.at[k]],
                                        add=True)
                        return 0

                    lax.fori_loop(0, G, inner, 0)
                    return 0

                lax.fori_loop(0, NGRP, grp, 0)

            @pl.when(c == 0)
            def _():
                cloop(du2i)

            @pl.when(c == 1)
            def _():
                cloop(di2u)

            plsc.subcore_barrier()

            @pl.when(c == 0)
            def _():
                pltpu.sync_copy(shared.at[sl], cnt_i.at[sl])

            @pl.when(c == 1)
            def _():
                pltpu.sync_copy(shared.at[sl], cnt_u.at[sl])

    n_out = 4 if with_counts else 2
    return pl.kernel(
        _agg_body,
        out_type=tuple(jax.ShapeDtypeStruct((NPAD, D), jnp.float32)
                       for _ in range(n_out)),
        name="sc_edge_agg_cnt" if with_counts else "sc_edge_agg",
        mesh=_SC_MESH,
        scratch_types=[
            pltpu.VMEM_SHARED((NPAD, D), jnp.float32),
            pltpu.VMEM((G, CH), jnp.int32),
            pltpu.VMEM((G, CH), jnp.int32),
            pltpu.VMEM((NBUF, CH, D), jnp.float32),
        ] + [pltpu.SemaphoreType.DMA] * NBUF,
    )


_agg_call = _make_agg_call(False)


def _cnt_body(du2i, di2u, zinitw, ones_hbm, out_i, out_u, shared, dbuf, ones):
    c = lax.axis_index("c")
    s = lax.axis_index("s")
    pltpu.sync_copy(zinitw.at[pl.ds(s * ROWS_PT, ROWS_PT)],
                    shared.at[pl.ds(s * ROWS_PT, ROWS_PT)])
    pltpu.sync_copy(ones_hbm, ones)
    plsc.subcore_barrier()

    def count(dst2d):
        pltpu.sync_copy(dst2d.at[pl.ds(s * CPT, CPT)], dbuf)

        def chunk(i, _):
            pltpu.sync_copy(ones, shared.at[dbuf.at[i]], add=True)
            return 0

        lax.fori_loop(0, NCHUNK, chunk, 0)

    @pl.when(c == 0)
    def _():
        count(du2i)

    @pl.when(c == 1)
    def _():
        count(di2u)

    plsc.subcore_barrier()

    @pl.when(c == 0)
    def _():
        pltpu.sync_copy(shared.at[pl.ds(s * ROWS_PT, ROWS_PT)],
                        out_i.at[pl.ds(s * ROWS_PT, ROWS_PT)])

    @pl.when(c == 1)
    def _():
        pltpu.sync_copy(shared.at[pl.ds(s * ROWS_PT, ROWS_PT)],
                        out_u.at[pl.ds(s * ROWS_PT, ROWS_PT)])


_cnt_call = pl.kernel(
    _cnt_body,
    out_type=(jax.ShapeDtypeStruct((NPAD, D), jnp.float32),
              jax.ShapeDtypeStruct((NPAD, D), jnp.float32)),
    name="sc_edge_counts",
    mesh=_SC_MESH,
    scratch_types=[
        pltpu.VMEM_SHARED((NPAD, D), jnp.float32),
        pltpu.VMEM((CPT, CH), jnp.int32),
        pltpu.VMEM((CH, D), jnp.float32),
    ],
)


MBLK = 1000


def _layer_tc_body(hu, aggu, cu, hi, aggi, ci,
                   wsu, wiu, bu, wsi, wui, bi, outu, outi):
    def one(h, agg, cnt, ws, wm, b):
        recip = 1.0 / jnp.maximum(cnt[:, :1], 1.0)
        msg = agg[...] * recip
        acc = jax.lax.dot_general(h[...], ws[...], (((1,), (0,)), ((), ())),
                                  precision=lax.Precision.HIGHEST,
                                  preferred_element_type=jnp.float32)
        acc += jax.lax.dot_general(msg, wm[...], (((1,), (0,)), ((), ())),
                                   precision=lax.Precision.HIGHEST,
                                   preferred_element_type=jnp.float32)
        return jnp.maximum(acc + b[...], 0.0)

    outu[...] = one(hu[...], aggu, cu[...], wsu, wiu, bu)
    outi[...] = one(hi[...], aggi, ci[...], wsi, wui, bi)


def _layer_tc(hu, aggu, cu, hi, aggi, ci, wsu, wiu, bu, wsi, wui, bi):
    nblk = N // MBLK
    mspec = pl.BlockSpec((MBLK, D), lambda m: (m, 0))
    cspec = pl.BlockSpec((MBLK, D), lambda m: (m, 0))
    wspec = pl.BlockSpec((D, D), lambda m: (0, 0))
    bspec = pl.BlockSpec((1, D), lambda m: (0, 0))
    return pl.pallas_call(
        _layer_tc_body,
        grid=(nblk,),
        in_specs=[mspec, mspec, cspec, mspec, mspec, cspec,
                  wspec, wspec, bspec, wspec, wspec, bspec],
        out_specs=[mspec, mspec],
        out_shape=[jax.ShapeDtypeStruct((N, D), jnp.float32),
                   jax.ShapeDtypeStruct((N, D), jnp.float32)],
    )(hu, aggu, cu, hi, aggi, ci, wsu, wiu, bu, wsi, wui, bi)


def _head_body(hu, hi, bu, bi, wexp, bexp, wcls, bcls, out):
    ids = lax.broadcasted_iota(jnp.int32, (NGRAPH, N), 0)

    def pool(h, batch):
        oh = (batch[...] == ids).astype(jnp.float32)
        ssum = jax.lax.dot_general(oh, h[...], (((1,), (0,)), ((), ())),
                                   precision=lax.Precision.HIGHEST,
                                   preferred_element_type=jnp.float32)
        cnt = jnp.sum(oh, axis=1, keepdims=True)
        return ssum / jnp.maximum(cnt, 1.0)

    feat = 0.5 * (pool(hu, bu) + pool(hi, bi))
    e = jax.lax.dot_general(feat, wexp[...], (((1,), (0,)), ((), ())),
                            precision=lax.Precision.HIGHEST,
                            preferred_element_type=jnp.float32) + bexp[...]
    g = 0.5 * e * (1.0 + lax.erf(e * 0.7071067811865476))
    out[...] = jax.lax.dot_general(g, wcls[...], (((1,), (0,)), ((), ())),
                                   precision=lax.Precision.HIGHEST,
                                   preferred_element_type=jnp.float32) + bcls[...]


def _head(hu, hi, batch_u, batch_i, wexp, bexp, wcls, bcls):
    def full(shape):
        return pl.BlockSpec(shape, lambda: tuple(0 for _ in shape))

    return pl.pallas_call(
        _head_body,
        in_specs=[full((N, D)), full((N, D)),
                  full((1, N)), full((1, N)),
                  full((D, 256)), full((1, 256)),
                  full((256, NCLS)), full((1, NCLS))],
        out_specs=full((NGRAPH, NCLS)),
        out_shape=jax.ShapeDtypeStruct((NGRAPH, NCLS), jnp.float32),
    )(hu, hi, batch_u, batch_i, wexp, bexp, wcls, bcls)


def kernel(x_user, x_item, edge_index_u2i, edge_index_i2u, batch_user,
           batch_item, W_self_u, W_self_i, W_u2i, W_i2u, b_u, b_i,
           W_exp, b_exp, W_cls, b_cls):
    pad = EPAD - E
    su2i = jnp.concatenate([edge_index_u2i[0].astype(jnp.int32),
                            jnp.zeros((pad,), jnp.int32)])
    du2i = jnp.concatenate([edge_index_u2i[1].astype(jnp.int32),
                            jnp.full((pad,), N, jnp.int32)])
    si2u = jnp.concatenate([edge_index_i2u[0].astype(jnp.int32),
                            jnp.zeros((pad,), jnp.int32)])
    di2u = jnp.concatenate([edge_index_i2u[1].astype(jnp.int32),
                            jnp.full((pad,), N, jnp.int32)])
    zinit = jnp.zeros((NPAD, D), jnp.float32)

    su2i = su2i.reshape(EPAD // CH, CH)
    du2i = du2i.reshape(EPAD // CH, CH)
    si2u = si2u.reshape(EPAD // CH, CH)
    di2u = di2u.reshape(EPAD // CH, CH)

    ones = jnp.ones((CH, D), jnp.float32)
    cnt_i, cnt_u = _cnt_call(du2i, di2u, zinit, ones)

    h_u = x_user
    h_i = x_item
    for l in range(2):
        agg_i, agg_u = _agg_call(h_u, h_i, su2i, du2i, si2u, di2u,
                                 zinit, ones)
        h_u, h_i = _layer_tc(h_u, agg_u, cnt_u, h_i, agg_i, cnt_i,
                             W_self_u[l], W_i2u[l], b_u[l].reshape(1, D),
                             W_self_i[l], W_u2i[l], b_i[l].reshape(1, D))

    return _head(h_u, h_i, batch_user.astype(jnp.int32).reshape(1, N),
                 batch_item.astype(jnp.int32).reshape(1, N),
                 W_exp, b_exp.reshape(1, 256), W_cls, b_cls.reshape(1, NCLS))

# --- scband reference (transcript-rebuilt; emitter-appended) ---
"""Pipeline reference for scband-downstream-3831110828321 (READ-ONLY COPY).

The authoritative reference and input builder live on the scoring server;
editing this copy changes nothing except your own understanding.
"""

import jax, jax.numpy as jnp
import numpy as np

N_USER = 10000
N_ITEM = 10000
E = 320000
D_IN = 128
D_H = 128
D_OUT = 256
N_CLASSES = 10
N_GRAPHS = 64
L = 2


def setup_inputs(seed: int = 0) -> dict:
    key = jax.random.key(seed)
    ks = jax.random.split(key, 20)
    s = 1.0 / np.sqrt(D_H)
    inp = {
        "x_user": jax.random.normal(ks[0], (N_USER, D_IN), dtype=jnp.float32),
        "x_item": jax.random.normal(ks[1], (N_ITEM, D_IN), dtype=jnp.float32),
        "edge_index_u2i": jax.random.randint(ks[2], (2, E), 0, N_USER),
        "edge_index_i2u": jax.random.randint(ks[3], (2, E), 0, N_ITEM),
        "batch_user": jnp.sort(jax.random.randint(ks[4], (N_USER,), 0, N_GRAPHS)),
        "batch_item": jnp.sort(jax.random.randint(ks[5], (N_ITEM,), 0, N_GRAPHS)),
        "W_self_u": jax.random.normal(ks[6], (L, D_H, D_H), dtype=jnp.float32) * s,
        "W_self_i": jax.random.normal(ks[7], (L, D_H, D_H), dtype=jnp.float32) * s,
        "W_u2i": jax.random.normal(ks[8], (L, D_H, D_H), dtype=jnp.float32) * s,
        "W_i2u": jax.random.normal(ks[9], (L, D_H, D_H), dtype=jnp.float32) * s,
        "b_u": jnp.zeros((L, D_H), dtype=jnp.float32),
        "b_i": jnp.zeros((L, D_H), dtype=jnp.float32),
        "W_exp": jax.random.normal(ks[10], (D_H, D_OUT), dtype=jnp.float32) * s,
        "b_exp": jnp.zeros((D_OUT,), dtype=jnp.float32),
        "W_cls": jax.random.normal(ks[11], (D_OUT, N_CLASSES), dtype=jnp.float32) * (1.0 / np.sqrt(D_OUT)),
        "b_cls": jnp.zeros((N_CLASSES,), dtype=jnp.float32),
    }
    return inp


def _mean_agg(h_src, src_idx, dst_idx, num_dst):
    msg = jnp.take(h_src, src_idx, axis=0)
    agg = jax.ops.segment_sum(msg, dst_idx, num_segments=num_dst)
    cnt = jax.ops.segment_sum(jnp.ones((src_idx.shape[0], 1), dtype=h_src.dtype), dst_idx, num_segments=num_dst)
    return agg / jnp.clip(cnt, 1.0, None)


def _mean_pool(h, batch, num_graphs):
    summed = jax.ops.segment_sum(h, batch, num_segments=num_graphs)
    cnt = jax.ops.segment_sum(jnp.ones((h.shape[0], 1), dtype=h.dtype), batch, num_segments=num_graphs)
    return summed / jnp.clip(cnt, 1.0, None)


def reference(x_user, x_item, edge_index_u2i, edge_index_i2u, batch_user, batch_item,
              W_self_u, W_self_i, W_u2i, W_i2u, b_u, b_i, W_exp, b_exp, W_cls, b_cls):
    h_u, h_i = x_user, x_item
    for l in range(L):
        agg_i = _mean_agg(h_u, edge_index_u2i[0], edge_index_u2i[1], N_ITEM)
        agg_u = _mean_agg(h_i, edge_index_i2u[0], edge_index_i2u[1], N_USER)
        new_u = jax.nn.relu(h_u @ W_self_u[l] + agg_u @ W_i2u[l] + b_u[l])
        new_i = jax.nn.relu(h_i @ W_self_i[l] + agg_i @ W_u2i[l] + b_i[l])
        h_u, h_i = new_u, new_i
    pool_u = _mean_pool(h_u, batch_user, N_GRAPHS)
    pool_i = _mean_pool(h_i, batch_item, N_GRAPHS)
    feat_g = 0.5 * (pool_u + pool_i)
    exp_out = jax.nn.gelu(feat_g @ W_exp + b_exp, approximate=False)
    logits = exp_out @ W_cls + b_cls
    return logits

if __name__ == "__main__":
    import jax
    _d = setup_inputs()
    print(jax.jit(kernel)(*tuple(_d.values())))

</pallas_src>

<mosaic_0001>
#map = affine_map<(d0, d1) -> (0, 0)>
module attributes {stable_mosaic.version = 14 : i64} {
  func.func @sc_edge_agg(%arg0: i32, %arg1: i32, %arg2: memref<10000x128xf32, #tpu.memory_space<hbm>>, %arg3: memref<10000x128xf32, #tpu.memory_space<hbm>>, %arg4: memref<2560x128xi32, #tpu.memory_space<hbm>>, %arg5: memref<2560x128xi32, #tpu.memory_space<hbm>>, %arg6: memref<2560x128xi32, #tpu.memory_space<hbm>>, %arg7: memref<2560x128xi32, #tpu.memory_space<hbm>>, %arg8: memref<10240x128xf32, #tpu.memory_space<hbm>>, %arg9: memref<128x128xf32, #tpu.memory_space<hbm>>, %arg10: memref<10240x128xf32, #tpu.memory_space<hbm>>, %arg11: memref<10240x128xf32, #tpu.memory_space<hbm>>, %arg12: memref<10240x128xf32, #tpu.memory_space<vmem_shared>>, %arg13: memref<32x128xi32, #tpu.memory_space<vmem>>, %arg14: memref<32x128xi32, #tpu.memory_space<vmem>>, %arg15: memref<2x128x128xf32, #tpu.memory_space<vmem>>, %arg16: memref<!tpu.dma_semaphore, #tpu.memory_space<semaphore_mem>>, %arg17: memref<!tpu.dma_semaphore, #tpu.memory_space<semaphore_mem>>) attributes {dimension_semantics = [#tpu.dimension_semantics<core_parallel>, #tpu.dimension_semantics<subcore_parallel>], iteration_bounds = array<i64: 2, 16>, scalar_prefetch = 0 : i64, scratch_operands = 6 : i64, tpu.core_type = #tpu.core_type<sc_vector_subcore>, window_params = [{transform_indices = #map}, {transform_indices = #map}, {transform_indices = #map}, {transform_indices = #map}, {transform_indices = #map}, {transform_indices = #map}, {transform_indices = #map}, {transform_indices = #map}, {transform_indices = #map}, {transform_indices = #map}]} {
    %mul3A = arith.constant 640 : i32
    %mul3A_0 = arith.muli %arg1, %mul3A : i32
    "tpu.region"() ({
      %run_scoped3A = tpu.sem_alloc : memref<!tpu.dma_semaphore, #tpu.memory_space<semaphore_mem>>
      %dma_start3A = arith.constant 0 : i32
      %dma_start3A_19 = tpu.memref_slice %arg12[%mul3A_0, %dma_start3A] : memref<10240x128xf32, #tpu.memory_space<vmem_shared>> -> memref<640x128xf32, #tpu.memory_space<vmem_shared>>
      %dma_start3A_20 = arith.constant 0 : i32
      %dma_start3A_21 = tpu.memref_slice %arg8[%mul3A_0, %dma_start3A_20] : memref<10240x128xf32, #tpu.memory_space<hbm>> -> memref<640x128xf32, #tpu.memory_space<hbm>>
      tpu.enqueue_dma source(%dma_start3A_21 : memref<640x128xf32, #tpu.memory_space<hbm>>) target(%dma_start3A_19 : memref<640x128xf32, #tpu.memory_space<vmem_shared>>) target_semaphore(%run_scoped3A : memref<!tpu.dma_semaphore, #tpu.memory_space<semaphore_mem>>)
      %dma_wait3A = arith.constant 0 : i32
      %dma_wait3A_22 = tpu.memref_slice %arg12[%mul3A_0, %dma_wait3A] : memref<10240x128xf32, #tpu.memory_space<vmem_shared>> -> memref<640x128xf32, #tpu.memory_space<vmem_shared>>
      %dma_wait3A_23 = arith.constant 0 : i32
      %dma_wait3A_24 = tpu.memref_slice %arg8[%mul3A_0, %dma_wait3A_23] : memref<10240x128xf32, #tpu.memory_space<hbm>> -> memref<640x128xf32, #tpu.memory_space<hbm>>
      tpu.wait_dma2 semaphore(%run_scoped3A : memref<!tpu.dma_semaphore, #tpu.memory_space<semaphore_mem>>) src(%dma_wait3A_24 : memref<640x128xf32, #tpu.memory_space<hbm>>) dst(%dma_wait3A_22 : memref<640x128xf32, #tpu.memory_space<vmem_shared>>)
      tpu.yield
    }) : () -> ()
    %barrier3A = arith.constant 0 : index
    tpu.barrier barrier_id(%barrier3A)
    %eq3A = arith.constant 0 : i32
    %eq3A_1 = arith.cmpi eq, %arg0, %eq3A : i32
    %convert_element_type3A = arith.extui %eq3A_1 : i1 to i32
    %cond3A = arith.constant 0 : i32
    %cond3A_2 = arith.cmpi ne, %convert_element_type3A, %cond3A : i32
    scf.if %cond3A_2 {
      %mul3A_19 = arith.constant 160 : i32
      %mul3A_20 = arith.muli %arg1, %mul3A_19 : i32
      %scan3A = arith.constant 0 : i32
      %scan3A_21 = arith.constant 0 : i32
      %scan3A_22 = arith.constant 5 : i32
      %scan3A_23 = arith.addi %scan3A_21, %scan3A_22 : i32
      %scan3A_24 = arith.constant 1 : i32
      %scan3A_25 = scf.for %scan3A_27 = %scan3A_21 to %scan3A_23 step %scan3A_24 iter_args(%scan3A_28 = %scan3A) -> (i32)  : i32 {
        %mul3A_29 = arith.constant 32 : i32
        %mul3A_30 = arith.muli %scan3A_27, %mul3A_29 : i32
        %add3A = arith.addi %mul3A_20, %mul3A_30 : i32
        "tpu.region"() ({
          %run_scoped3A = tpu.sem_alloc : memref<!tpu.dma_semaphore, #tpu.memory_space<semaphore_mem>>
          %dma_start3A_62 = arith.constant 0 : i32
          %dma_start3A_63 = tpu.memref_slice %arg4[%add3A, %dma_start3A_62] : memref<2560x128xi32, #tpu.memory_space<hbm>> -> memref<32x128xi32, #tpu.memory_space<hbm>>
          %dma_start3A_64 = arith.constant 0 : i32
          %dma_start3A_65 = tpu.memref_slice %arg4[%add3A, %dma_start3A_64] : memref<2560x128xi32, #tpu.memory_space<hbm>> -> memref<32x128xi32, #tpu.memory_space<hbm>>
          tpu.enqueue_dma source(%dma_start3A_65 : memref<32x128xi32, #tpu.memory_space<hbm>>) target(%arg13 : memref<32x128xi32, #tpu.memory_space<vmem>>) target_semaphore(%run_scoped3A : memref<!tpu.dma_semaphore, #tpu.memory_space<semaphore_mem>>)
          %dma_wait3A = arith.constant 0 : i32
          %dma_wait3A_66 = tpu.memref_slice %arg4[%add3A, %dma_wait3A] : memref<2560x128xi32, #tpu.memory_space<hbm>> -> memref<32x128xi32, #tpu.memory_space<hbm>>
          %dma_wait3A_67 = arith.constant 0 : i32
          %dma_wait3A_68 = tpu.memref_slice %arg4[%add3A, %dma_wait3A_67] : memref<2560x128xi32, #tpu.memory_space<hbm>> -> memref<32x128xi32, #tpu.memory_space<hbm>>
          tpu.wait_dma2 semaphore(%run_scoped3A : memref<!tpu.dma_semaphore, #tpu.memory_space<semaphore_mem>>) src(%dma_wait3A_68 : memref<32x128xi32, #tpu.memory_space<hbm>>) dst(%arg13 : memref<32x128xi32, #tpu.memory_space<vmem>>)
          tpu.yield
        }) : () -> ()
        "tpu.region"() ({
          %run_scoped3A = tpu.sem_alloc : memref<!tpu.dma_semaphore, #tpu.memory_space<semaphore_mem>>
          %dma_start3A_62 = arith.constant 0 : i32
          %dma_start3A_63 = tpu.memref_slice %arg5[%add3A, %dma_start3A_62] : memref<2560x128xi32, #tpu.memory_space<hbm>> -> memref<32x128xi32, #tpu.memory_space<hbm>>
          %dma_start3A_64 = arith.constant 0 : i32
          %dma_start3A_65 = tpu.memref_slice %arg5[%add3A, %dma_start3A_64] : memref<2560x128xi32, #tpu.memory_space<hbm>> -> memref<32x128xi32, #tpu.memory_space<hbm>>
          tpu.enqueue_dma source(%dma_start3A_65 : memref<32x128xi32, #tpu.memory_space<hbm>>) target(%arg14 : memref<32x128xi32, #tpu.memory_space<vmem>>) target_semaphore(%run_scoped3A : memref<!tpu.dma_semaphore, #tpu.memory_space<semaphore_mem>>)
          %dma_wait3A = arith.constant 0 : i32
          %dma_wait3A_66 = tpu.memref_slice %arg5[%add3A, %dma_wait3A] : memref<2560x128xi32, #tpu.memory_space<hbm>> -> memref<32x128xi32, #tpu.memory_space<hbm>>
          %dma_wait3A_67 = arith.constant 0 : i32
          %dma_wait3A_68 = tpu.memref_slice %arg5[%add3A, %dma_wait3A_67] : memref<2560x128xi32, #tpu.memory_space<hbm>> -> memref<32x128xi32, #tpu.memory_space<hbm>>
          tpu.wait_dma2 semaphore(%run_scoped3A : memref<!tpu.dma_semaphore, #tpu.memory_space<semaphore_mem>>) src(%dma_wait3A_68 : memref<32x128xi32, #tpu.memory_space<hbm>>) dst(%arg14 : memref<32x128xi32, #tpu.memory_space<vmem>>)
          tpu.yield
        }) : () -> ()
        %dma_start3A = arith.constant 0 : i32
        %dma_start3A_31 = arith.constant 0 : i32
        %dma_start3A_32 = arith.constant 0 : i32
        %dma_start3A_33 = arith.constant 0 : i32
        %dma_start3A_34 = tpu.memref_slice %arg15[%dma_start3A_31, %dma_start3A_32, %dma_start3A_33] : memref<2x128x128xf32, #tpu.memory_space<vmem>> -> memref<1x128x128xf32, #tpu.memory_space<vmem>>
        %dma_start3A_35 = tpu.memref_squeeze %dma_start3A_34 : memref<1x128x128xf32, #tpu.memory_space<vmem>> -> memref<128x128xf32, #tpu.memory_space<vmem>>
        %dma_start3A_36 = arith.constant 0 : i32
        %dma_start3A_37 = tpu.memref_slice %arg13[%dma_start3A, %dma_start3A_36] : memref<32x128xi32, #tpu.memory_space<vmem>> -> memref<1x128xi32, #tpu.memory_space<vmem>>
        %dma_start3A_38 = tpu.memref_squeeze %dma_start3A_37 : memref<1x128xi32, #tpu.memory_space<vmem>> -> memref<128xi32, #tpu.memory_space<vmem>>
        %dma_start3A_39 = arith.constant 0 : i32
        %dma_start3A_40 = arith.constant 0 : i32
        %dma_start3A_41 = tpu.memref_slice %arg2[%dma_start3A_39, %dma_start3A_40] : memref<10000x128xf32, #tpu.memory_space<hbm>> -> memref<10000x128xf32, #tpu.memory_space<hbm>>
        tpu.enqueue_indirect_dma source(%dma_start3A_41 : memref<10000x128xf32, #tpu.memory_space<hbm>>) target(%dma_start3A_35 : memref<128x128xf32, #tpu.memory_space<vmem>>) offsets(%dma_start3A_38 : memref<128xi32, #tpu.memory_space<vmem>>) semaphore(%arg16 : memref<!tpu.dma_semaphore, #tpu.memory_space<semaphore_mem>>)
        %dma_start3A_42 = arith.constant 1 : i32
        %dma_start3A_43 = arith.constant 1 : i32
        %dma_start3A_44 = arith.constant 0 : i32
        %dma_start3A_45 = arith.constant 0 : i32
        %dma_start3A_46 = tpu.memref_slice %arg15[%dma_start3A_43, %dma_start3A_44, %dma_start3A_45] : memref<2x128x128xf32, #tpu.memory_space<vmem>> -> memref<1x128x128xf32, #tpu.memory_space<vmem>>
        %dma_start3A_47 = tpu.memref_squeeze %dma_start3A_46 : memref<1x128x128xf32, #tpu.memory_space<vmem>> -> memref<128x128xf32, #tpu.memory_space<vmem>>
        %dma_start3A_48 = arith.constant 0 : i32
        %dma_start3A_49 = tpu.memref_slice %arg13[%dma_start3A_42, %dma_start3A_48] : memref<32x128xi32, #tpu.memory_space<vmem>> -> memref<1x128xi32, #tpu.memory_space<vmem>>
        %dma_start3A_50 = tpu.memref_squeeze %dma_start3A_49 : memref<1x128xi32, #tpu.memory_space<vmem>> -> memref<128xi32, #tpu.memory_space<vmem>>
        %dma_start3A_51 = arith.constant 0 : i32
        %dma_start3A_52 = arith.constant 0 : i32
        %dma_start3A_53 = tpu.memref_slice %arg2[%dma_start3A_51, %dma_start3A_52] : memref<10000x128xf32, #tpu.memory_space<hbm>> -> memref<10000x128xf32, #tpu.memory_space<hbm>>
        tpu.enqueue_indirect_dma source(%dma_start3A_53 : memref<10000x128xf32, #tpu.memory_space<hbm>>) target(%dma_start3A_47 : memref<128x128xf32, #tpu.memory_space<vmem>>) offsets(%dma_start3A_50 : memref<128xi32, #tpu.memory_space<vmem>>) semaphore(%arg17 : memref<!tpu.dma_semaphore, #tpu.memory_space<semaphore_mem>>)
        %scan3A_54 = arith.constant 0 : i32
        %scan3A_55 = arith.constant 0 : i32
        %scan3A_56 = arith.constant 16 : i32
        %scan3A_57 = arith.addi %scan3A_55, %scan3A_56 : i32
        %scan3A_58 = arith.constant 1 : i32
        %scan3A_59 = scf.for %scan3A_62 = %scan3A_55 to %scan3A_57 step %scan3A_58 iter_args(%scan3A_63 = %scan3A_54) -> (i32)  : i32 {
          %mul3A_64 = arith.constant 2 : i32
          %mul3A_65 = arith.muli %scan3A_62, %mul3A_64 : i32
          %add3A_66 = arith.constant 0 : i32
          %add3A_67 = arith.addi %mul3A_65, %add3A_66 : i32
          %dma_wait3A = arith.constant 0 : i32
          %dma_wait3A_68 = arith.constant 0 : i32
          %dma_wait3A_69 = arith.constant 0 : i32
          %dma_wait3A_70 = tpu.memref_slice %arg15[%dma_wait3A, %dma_wait3A_68, %dma_wait3A_69] : memref<2x128x128xf32, #tpu.memory_space<vmem>> -> memref<1x128x128xf32, #tpu.memory_space<vmem>>
          %dma_wait3A_71 = tpu.memref_squeeze %dma_wait3A_70 : memref<1x128x128xf32, #tpu.memory_space<vmem>> -> memref<128x128xf32, #tpu.memory_space<vmem>>
          %dma_wait3A_72 = arith.constant 0 : i32
          %dma_wait3A_73 = tpu.memref_slice %arg13[%add3A_67, %dma_wait3A_72] : memref<32x128xi32, #tpu.memory_space<vmem>> -> memref<1x128xi32, #tpu.memory_space<vmem>>
          %dma_wait3A_74 = tpu.memref_squeeze %dma_wait3A_73 : memref<1x128xi32, #tpu.memory_space<vmem>> -> memref<128xi32, #tpu.memory_space<vmem>>
          %dma_wait3A_75 = arith.constant 0 : i32
          %dma_wait3A_76 = arith.constant 0 : i32
          %dma_wait3A_77 = tpu.memref_slice %arg2[%dma_wait3A_75, %dma_wait3A_76] : memref<10000x128xf32, #tpu.memory_space<hbm>> -> memref<10000x128xf32, #tpu.memory_space<hbm>>
          tpu.wait_indirect_dma semaphore(%arg16 : memref<!tpu.dma_semaphore, #tpu.memory_space<semaphore_mem>>) src(%dma_wait3A_77 : memref<10000x128xf32, #tpu.memory_space<hbm>>) dst(%dma_wait3A_71 : memref<128x128xf32, #tpu.memory_space<vmem>>)
          %run_scoped3A = arith.constant 0 : i32
          "tpu.region"() ({
            %run_scoped3A_108 = tpu.sem_alloc : memref<!tpu.dma_semaphore, #tpu.memory_space<semaphore_mem>>
            %dma_start3A_109 = arith.constant 0 : i32
            %dma_start3A_110 = arith.constant 0 : i32
            %dma_start3A_111 = tpu.memref_slice %arg15[%run_scoped3A, %dma_start3A_109, %dma_start3A_110] : memref<2x128x128xf32, #tpu.memory_space<vmem>> -> memref<1x128x128xf32, #tpu.memory_space<vmem>>
            %dma_start3A_112 = tpu.memref_squeeze %dma_start3A_111 : memref<1x128x128xf32, #tpu.memory_space<vmem>> -> memref<128x128xf32, #tpu.memory_space<vmem>>
            %dma_start3A_113 = arith.constant 0 : i32
            %dma_start3A_114 = tpu.memref_slice %arg14[%add3A_67, %dma_start3A_113] : memref<32x128xi32, #tpu.memory_space<vmem>> -> memref<1x128xi32, #tpu.memory_space<vmem>>
            %dma_start3A_115 = tpu.memref_squeeze %dma_start3A_114 : memref<1x128xi32, #tpu.memory_space<vmem>> -> memref<128xi32, #tpu.memory_space<vmem>>
            %dma_start3A_116 = arith.constant 0 : i32
            %dma_start3A_117 = arith.constant 0 : i32
            %dma_start3A_118 = tpu.memref_slice %arg12[%dma_start3A_116, %dma_start3A_117] : memref<10240x128xf32, #tpu.memory_space<vmem_shared>> -> memref<10240x128xf32, #tpu.memory_space<vmem_shared>>
            tpu.enqueue_indirect_dma source(%dma_start3A_112 : memref<128x128xf32, #tpu.memory_space<vmem>>) target(%dma_start3A_118 : memref<10240x128xf32, #tpu.memory_space<vmem_shared>>) offsets(%dma_start3A_115 : memref<128xi32, #tpu.memory_space<vmem>>) semaphore(%run_scoped3A_108 : memref<!tpu.dma_semaphore, #tpu.memory_space<semaphore_mem>>) {add = true}
            %dma_wait3A_119 = arith.constant 0 : i32
            %dma_wait3A_120 = arith.constant 0 : i32
            %dma_wait3A_121 = tpu.memref_slice %arg15[%run_scoped3A, %dma_wait3A_119, %dma_wait3A_120] : memref<2x128x128xf32, #tpu.memory_space<vmem>> -> memref<1x128x128xf32, #tpu.memory_space<vmem>>
            %dma_wait3A_122 = tpu.memref_squeeze %dma_wait3A_121 : memref<1x128x128xf32, #tpu.memory_space<vmem>> -> memref<128x128xf32, #tpu.memory_space<vmem>>
            %dma_wait3A_123 = arith.constant 0 : i32
            %dma_wait3A_124 = tpu.memref_slice %arg14[%add3A_67, %dma_wait3A_123] : memref<32x128xi32, #tpu.memory_space<vmem>> -> memref<1x128xi32, #tpu.memory_space<vmem>>
            %dma_wait3A_125 = tpu.memref_squeeze %dma_wait3A_124 : memref<1x128xi32, #tpu.memory_space<vmem>> -> memref<128xi32, #tpu.memory_space<vmem>>
            %dma_wait3A_126 = arith.constant 0 : i32
            %dma_wait3A_127 = arith.constant 0 : i32
            %dma_wait3A_128 = tpu.memref_slice %arg12[%dma_wait3A_126, %dma_wait3A_127] : memref<10240x128xf32, #tpu.memory_space<vmem_shared>> -> memref<10240x128xf32, #tpu.memory_space<vmem_shared>>
            tpu.wait_indirect_dma semaphore(%run_scoped3A_108 : memref<!tpu.dma_semaphore, #tpu.memory_space<semaphore_mem>>) src(%dma_wait3A_122 : memref<128x128xf32, #tpu.memory_space<vmem>>) dst(%dma_wait3A_128 : memref<10240x128xf32, #tpu.memory_space<vmem_shared>>)
            tpu.yield
          }) : () -> ()
          %add3A_78 = arith.constant 2 : i32
          %add3A_79 = arith.addi %add3A_67, %add3A_78 : i32
          %lt3A = arith.constant 32 : i32
          %lt3A_80 = arith.cmpi slt, %add3A_79, %lt3A : i32
          %convert_element_type3A_81 = arith.extui %lt3A_80 : i1 to i32
          %cond3A_82 = arith.constant 0 : i32
          %cond3A_83 = arith.cmpi ne, %convert_element_type3A_81, %cond3A_82 : i32
          scf.if %cond3A_83 {
            %add3A_108 = arith.constant 2 : i32
            %add3A_109 = arith.addi %add3A_67, %add3A_108 : i32
            %dma_start3A_110 = arith.constant 0 : i32
            %dma_start3A_111 = arith.constant 0 : i32
            %dma_start3A_112 = arith.constant 0 : i32
            %dma_start3A_113 = tpu.memref_slice %arg15[%dma_start3A_110, %dma_start3A_111, %dma_start3A_112] : memref<2x128x128xf32, #tpu.memory_space<vmem>> -> memref<1x128x128xf32, #tpu.memory_space<vmem>>
            %dma_start3A_114 = tpu.memref_squeeze %dma_start3A_113 : memref<1x128x128xf32, #tpu.memory_space<vmem>> -> memref<128x128xf32, #tpu.memory_space<vmem>>
            %dma_start3A_115 = arith.constant 0 : i32
            %dma_start3A_116 = tpu.memref_slice %arg13[%add3A_109, %dma_start3A_115] : memref<32x128xi32, #tpu.memory_space<vmem>> -> memref<1x128xi32, #tpu.memory_space<vmem>>
            %dma_start3A_117 = tpu.memref_squeeze %dma_start3A_116 : memref<1x128xi32, #tpu.memory_space<vmem>> -> memref<128xi32, #tpu.memory_space<vmem>>
            %dma_start3A_118 = arith.constant 0 : i32
            %dma_start3A_119 = arith.constant 0 : i32
            %dma_start3A_120 = tpu.memref_slice %arg2[%dma_start3A_118, %dma_start3A_119] : memref<10000x128xf32, #tpu.memory_space<hbm>> -> memref<10000x128xf32, #tpu.memory_space<hbm>>
            tpu.enqueue_indirect_dma source(%dma_start3A_120 : memref<10000x128xf32, #tpu.memory_space<hbm>>) target(%dma_start3A_114 : memref<128x128xf32, #tpu.memory_space<vmem>>) offsets(%dma_start3A_117 : memref<128xi32, #tpu.memory_space<vmem>>) semaphore(%arg16 : memref<!tpu.dma_semaphore, #tpu.memory_space<semaphore_mem>>)
          } else {
          }
          %mul3A_84 = arith.constant 2 : i32
          %mul3A_85 = arith.muli %scan3A_62, %mul3A_84 : i32
          %add3A_86 = arith.constant 1 : i32
          %add3A_87 = arith.addi %mul3A_85, %add3A_86 : i32
          %dma_wait3A_88 = arith.constant 1 : i32
          %dma_wait3A_89 = arith.constant 0 : i32
          %dma_wait3A_90 = arith.constant 0 : i32
          %dma_wait3A_91 = tpu.memref_slice %arg15[%dma_wait3A_88, %dma_wait3A_89, %dma_wait3A_90] : memref<2x128x128xf32, #tpu.memory_space<vmem>> -> memref<1x128x128xf32, #tpu.memory_space<vmem>>
          %dma_wait3A_92 = tpu.memref_squeeze %dma_wait3A_91 : memref<1x128x128xf32, #tpu.memory_space<vmem>> -> memref<128x128xf32, #tpu.memory_space<vmem>>
          %dma_wait3A_93 = arith.constant 0 : i32
          %dma_wait3A_94 = tpu.memref_slice %arg13[%add3A_87, %dma_wait3A_93] : memref<32x128xi32, #tpu.memory_space<vmem>> -> memref<1x128xi32, #tpu.memory_space<vmem>>
          %dma_wait3A_95 = tpu.memref_squeeze %dma_wait3A_94 : memref<1x128xi32, #tpu.memory_space<vmem>> -> memref<128xi32, #tpu.memory_space<vmem>>
          %dma_wait3A_96 = arith.constant 0 : i32
          %dma_wait3A_97 = arith.constant 0 : i32
          %dma_wait3A_98 = tpu.memref_slice %arg2[%dma_wait3A_96, %dma_wait3A_97] : memref<10000x128xf32, #tpu.memory_space<hbm>> -> memref<10000x128xf32, #tpu.memory_space<hbm>>
          tpu.wait_indirect_dma semaphore(%arg17 : memref<!tpu.dma_semaphore, #tpu.memory_space<semaphore_mem>>) src(%dma_wait3A_98 : memref<10000x128xf32, #tpu.memory_space<hbm>>) dst(%dma_wait3A_92 : memref<128x128xf32, #tpu.memory_space<vmem>>)
          %run_scoped3A_99 = arith.constant 1 : i32
          "tpu.region"() ({
            %run_scoped3A_108 = tpu.sem_alloc : memref<!tpu.dma_semaphore, #tpu.memory_space<semaphore_mem>>
            %dma_start3A_109 = arith.constant 0 : i32
            %dma_start3A_110 = arith.constant 0 : i32
            %dma_start3A_111 = tpu.memref_slice %arg15[%run_scoped3A_99, %dma_start3A_109, %dma_start3A_110] : memref<2x128x128xf32, #tpu.memory_space<vmem>> -> memref<1x128x128xf32, #tpu.memory_space<vmem>>
            %dma_start3A_112 = tpu.memref_squeeze %dma_start3A_111 : memref<1x128x128xf32, #tpu.memory_space<vmem>> -> memref<128x128xf32, #tpu.memory_space<vmem>>
            %dma_start3A_113 = arith.constant 0 : i32
            %dma_start3A_114 = tpu.memref_slice %arg14[%add3A_87, %dma_start3A_113] : memref<32x128xi32, #tpu.memory_space<vmem>> -> memref<1x128xi32, #tpu.memory_space<vmem>>
            %dma_start3A_115 = tpu.memref_squeeze %dma_start3A_114 : memref<1x128xi32, #tpu.memory_space<vmem>> -> memref<128xi32, #tpu.memory_space<vmem>>
            %dma_start3A_116 = arith.constant 0 : i32
            %dma_start3A_117 = arith.constant 0 : i32
            %dma_start3A_118 = tpu.memref_slice %arg12[%dma_start3A_116, %dma_start3A_117] : memref<10240x128xf32, #tpu.memory_space<vmem_shared>> -> memref<10240x128xf32, #tpu.memory_space<vmem_shared>>
            tpu.enqueue_indirect_dma source(%dma_start3A_112 : memref<128x128xf32, #tpu.memory_space<vmem>>) target(%dma_start3A_118 : memref<10240x128xf32, #tpu.memory_space<vmem_shared>>) offsets(%dma_start3A_115 : memref<128xi32, #tpu.memory_space<vmem>>) semaphore(%run_scoped3A_108 : memref<!tpu.dma_semaphore, #tpu.memory_space<semaphore_mem>>) {add = true}
            %dma_wait3A_119 = arith.constant 0 : i32
            %dma_wait3A_120 = arith.constant 0 : i32
            %dma_wait3A_121 = tpu.memref_slice %arg15[%run_scoped3A_99, %dma_wait3A_119, %dma_wait3A_120] : memref<2x128x128xf32, #tpu.memory_space<vmem>> -> memref<1x128x128xf32, #tpu.memory_space<vmem>>
            %dma_wait3A_122 = tpu.memref_squeeze %dma_wait3A_121 : memref<1x128x128xf32, #tpu.memory_space<vmem>> -> memref<128x128xf32, #tpu.memory_space<vmem>>
            %dma_wait3A_123 = arith.constant 0 : i32
            %dma_wait3A_124 = tpu.memref_slice %arg14[%add3A_87, %dma_wait3A_123] : memref<32x128xi32, #tpu.memory_space<vmem>> -> memref<1x128xi32, #tpu.memory_space<vmem>>
            %dma_wait3A_125 = tpu.memref_squeeze %dma_wait3A_124 : memref<1x128xi32, #tpu.memory_space<vmem>> -> memref<128xi32, #tpu.memory_space<vmem>>
            %dma_wait3A_126 = arith.constant 0 : i32
            %dma_wait3A_127 = arith.constant 0 : i32
            %dma_wait3A_128 = tpu.memref_slice %arg12[%dma_wait3A_126, %dma_wait3A_127] : memref<10240x128xf32, #tpu.memory_space<vmem_shared>> -> memref<10240x128xf32, #tpu.memory_space<vmem_shared>>
            tpu.wait_indirect_dma semaphore(%run_scoped3A_108 : memref<!tpu.dma_semaphore, #tpu.memory_space<semaphore_mem>>) src(%dma_wait3A_122 : memref<128x128xf32, #tpu.memory_space<vmem>>) dst(%dma_wait3A_128 : memref<10240x128xf32, #tpu.memory_space<vmem_shared>>)
            tpu.yield
          }) : () -> ()
          %add3A_100 = arith.constant 2 : i32
          %add3A_101 = arith.addi %add3A_87, %add3A_100 : i32
          %lt3A_102 = arith.constant 32 : i32
          %lt3A_103 = arith.cmpi slt, %add3A_101, %lt3A_102 : i32
          %convert_element_type3A_104 = arith.extui %lt3A_103 : i1 to i32
          %cond3A_105 = arith.constant 0 : i32
          %cond3A_106 = arith.cmpi ne, %convert_element_type3A_104, %cond3A_105 : i32
          scf.if %cond3A_106 {
            %add3A_108 = arith.constant 2 : i32
            %add3A_109 = arith.addi %add3A_87, %add3A_108 : i32
            %dma_start3A_110 = arith.constant 1 : i32
            %dma_start3A_111 = arith.constant 0 : i32
            %dma_start3A_112 = arith.constant 0 : i32
            %dma_start3A_113 = tpu.memref_slice %arg15[%dma_start3A_110, %dma_start3A_111, %dma_start3A_112] : memref<2x128x128xf32, #tpu.memory_space<vmem>> -> memref<1x128x128xf32, #tpu.memory_space<vmem>>
            %dma_start3A_114 = tpu.memref_squeeze %dma_start3A_113 : memref<1x128x128xf32, #tpu.memory_space<vmem>> -> memref<128x128xf32, #tpu.memory_space<vmem>>
            %dma_start3A_115 = arith.constant 0 : i32
            %dma_start3A_116 = tpu.memref_slice %arg13[%add3A_109, %dma_start3A_115] : memref<32x128xi32, #tpu.memory_space<vmem>> -> memref<1x128xi32, #tpu.memory_space<vmem>>
            %dma_start3A_117 = tpu.memref_squeeze %dma_start3A_116 : memref<1x128xi32, #tpu.memory_space<vmem>> -> memref<128xi32, #tpu.memory_space<vmem>>
            %dma_start3A_118 = arith.constant 0 : i32
            %dma_start3A_119 = arith.constant 0 : i32
            %dma_start3A_120 = tpu.memref_slice %arg2[%dma_start3A_118, %dma_start3A_119] : memref<10000x128xf32, #tpu.memory_space<hbm>> -> memref<10000x128xf32, #tpu.memory_space<hbm>>
            tpu.enqueue_indirect_dma source(%dma_start3A_120 : memref<10000x128xf32, #tpu.memory_space<hbm>>) target(%dma_start3A_114 : memref<128x128xf32, #tpu.memory_space<vmem>>) offsets(%dma_start3A_117 : memref<128xi32, #tpu.memory_space<vmem>>) semaphore(%arg17 : memref<!tpu.dma_semaphore, #tpu.memory_space<semaphore_mem>>)
          } else {
          }
          %scan3A_107 = arith.constant 0 : i32
          scf.yield %scan3A_107 : i32
        }
        %scan3A_60 = arith.constant 16 : i32
        %scan3A_61 = arith.constant 0 : i32
        scf.yield %scan3A_61 : i32
      }
      %scan3A_26 = arith.constant 5 : i32
    } else {
    }
    %eq3A_3 = arith.constant 1 : i32
    %eq3A_4 = arith.cmpi eq, %arg0, %eq3A_3 : i32
    %convert_element_type3A_5 = arith.extui %eq3A_4 : i1 to i32
    %cond3A_6 = arith.constant 0 : i32
    %cond3A_7 = arith.cmpi ne, %convert_element_type3A_5, %cond3A_6 : i32
    scf.if %cond3A_7 {
      %mul3A_19 = arith.constant 160 : i32
      %mul3A_20 = arith.muli %arg1, %mul3A_19 : i32
      %scan3A = arith.constant 0 : i32
      %scan3A_21 = arith.constant 0 : i32
      %scan3A_22 = arith.constant 5 : i32
      %scan3A_23 = arith.addi %scan3A_21, %scan3A_22 : i32
      %scan3A_24 = arith.constant 1 : i32
      %scan3A_25 = scf.for %scan3A_27 = %scan3A_21 to %scan3A_23 step %scan3A_24 iter_args(%scan3A_28 = %scan3A) -> (i32)  : i32 {
        %mul3A_29 = arith.constant 32 : i32
        %mul3A_30 = arith.muli %scan3A_27, %mul3A_29 : i32
        %add3A = arith.addi %mul3A_20, %mul3A_30 : i32
        "tpu.region"() ({
          %run_scoped3A = tpu.sem_alloc : memref<!tpu.dma_semaphore, #tpu.memory_space<semaphore_mem>>
          %dma_start3A_62 = arith.constant 0 : i32
          %dma_start3A_63 = tpu.memref_slice %arg6[%add3A, %dma_start3A_62] : memref<2560x128xi32, #tpu.memory_space<hbm>> -> memref<32x128xi32, #tpu.memory_space<hbm>>
          %dma_start3A_64 = arith.constant 0 : i32
          %dma_start3A_65 = tpu.memref_slice %arg6[%add3A, %dma_start3A_64] : memref<2560x128xi32, #tpu.memory_space<hbm>> -> memref<32x128xi32, #tpu.memory_space<hbm>>
          tpu.enqueue_dma source(%dma_start3A_65 : memref<32x128xi32, #tpu.memory_space<hbm>>) target(%arg13 : memref<32x128xi32, #tpu.memory_space<vmem>>) target_semaphore(%run_scoped3A : memref<!tpu.dma_semaphore, #tpu.memory_space<semaphore_mem>>)
          %dma_wait3A = arith.constant 0 : i32
          %dma_wait3A_66 = tpu.memref_slice %arg6[%add3A, %dma_wait3A] : memref<2560x128xi32, #tpu.memory_space<hbm>> -> memref<32x128xi32, #tpu.memory_space<hbm>>
          %dma_wait3A_67 = arith.constant 0 : i32
          %dma_wait3A_68 = tpu.memref_slice %arg6[%add3A, %dma_wait3A_67] : memref<2560x128xi32, #tpu.memory_space<hbm>> -> memref<32x128xi32, #tpu.memory_space<hbm>>
          tpu.wait_dma2 semaphore(%run_scoped3A : memref<!tpu.dma_semaphore, #tpu.memory_space<semaphore_mem>>) src(%dma_wait3A_68 : memref<32x128xi32, #tpu.memory_space<hbm>>) dst(%arg13 : memref<32x128xi32, #tpu.memory_space<vmem>>)
          tpu.yield
        }) : () -> ()
        "tpu.region"() ({
          %run_scoped3A = tpu.sem_alloc : memref<!tpu.dma_semaphore, #tpu.memory_space<semaphore_mem>>
          %dma_start3A_62 = arith.constant 0 : i32
          %dma_start3A_63 = tpu.memref_slice %arg7[%add3A, %dma_start3A_62] : memref<2560x128xi32, #tpu.memory_space<hbm>> -> memref<32x128xi32, #tpu.memory_space<hbm>>
          %dma_start3A_64 = arith.constant 0 : i32
          %dma_start3A_65 = tpu.memref_slice %arg7[%add3A, %dma_start3A_64] : memref<2560x128xi32, #tpu.memory_space<hbm>> -> memref<32x128xi32, #tpu.memory_space<hbm>>
          tpu.enqueue_dma source(%dma_start3A_65 : memref<32x128xi32, #tpu.memory_space<hbm>>) target(%arg14 : memref<32x128xi32, #tpu.memory_space<vmem>>) target_semaphore(%run_scoped3A : memref<!tpu.dma_semaphore, #tpu.memory_space<semaphore_mem>>)
          %dma_wait3A = arith.constant 0 : i32
          %dma_wait3A_66 = tpu.memref_slice %arg7[%add3A, %dma_wait3A] : memref<2560x128xi32, #tpu.memory_space<hbm>> -> memref<32x128xi32, #tpu.memory_space<hbm>>
          %dma_wait3A_67 = arith.constant 0 : i32
          %dma_wait3A_68 = tpu.memref_slice %arg7[%add3A, %dma_wait3A_67] : memref<2560x128xi32, #tpu.memory_space<hbm>> -> memref<32x128xi32, #tpu.memory_space<hbm>>
          tpu.wait_dma2 semaphore(%run_scoped3A : memref<!tpu.dma_semaphore, #tpu.memory_space<semaphore_mem>>) src(%dma_wait3A_68 : memref<32x128xi32, #tpu.memory_space<hbm>>) dst(%arg14 : memref<32x128xi32, #tpu.memory_space<vmem>>)
          tpu.yield
        }) : () -> ()
        %dma_start3A = arith.constant 0 : i32
        %dma_start3A_31 = arith.constant 0 : i32
        %dma_start3A_32 = arith.constant 0 : i32
        %dma_start3A_33 = arith.constant 0 : i32
        %dma_start3A_34 = tpu.memref_slice %arg15[%dma_start3A_31, %dma_start3A_32, %dma_start3A_33] : memref<2x128x128xf32, #tpu.memory_space<vmem>> -> memref<1x128x128xf32, #tpu.memory_space<vmem>>
        %dma_start3A_35 = tpu.memref_squeeze %dma_start3A_34 : memref<1x128x128xf32, #tpu.memory_space<vmem>> -> memref<128x128xf32, #tpu.memory_space<vmem>>
        %dma_start3A_36 = arith.constant 0 : i32
        %dma_start3A_37 = tpu.memref_slice %arg13[%dma_start3A, %dma_start3A_36] : memref<32x128xi32, #tpu.memory_space<vmem>> -> memref<1x128xi32, #tpu.memory_space<vmem>>
        %dma_start3A_38 = tpu.memref_squeeze %dma_start3A_37 : memref<1x128xi32, #tpu.memory_space<vmem>> -> memref<128xi32, #tpu.memory_space<vmem>>
        %dma_start3A_39 = arith.constant 0 : i32
        %dma_start3A_40 = arith.constant 0 : i32
        %dma_start3A_41 = tpu.memref_slice %arg3[%dma_start3A_39, %dma_start3A_40] : memref<10000x128xf32, #tpu.memory_space<hbm>> -> memref<10000x128xf32, #tpu.memory_space<hbm>>
        tpu.enqueue_indirect_dma source(%dma_start3A_41 : memref<10000x128xf32, #tpu.memory_space<hbm>>) target(%dma_start3A_35 : memref<128x128xf32, #tpu.memory_space<vmem>>) offsets(%dma_start3A_38 : memref<128xi32, #tpu.memory_space<vmem>>) semaphore(%arg16 : memref<!tpu.dma_semaphore, #tpu.memory_space<semaphore_mem>>)
        %dma_start3A_42 = arith.constant 1 : i32
        %dma_start3A_43 = arith.constant 1 : i32
        %dma_start3A_44 = arith.constant 0 : i32
        %dma_start3A_45 = arith.constant 0 : i32
        %dma_start3A_46 = tpu.memref_slice %arg15[%dma_start3A_43, %dma_start3A_44, %dma_start3A_45] : memref<2x128x128xf32, #tpu.memory_space<vmem>> -> memref<1x128x128xf32, #tpu.memory_space<vmem>>
        %dma_start3A_47 = tpu.memref_squeeze %dma_start3A_46 : memref<1x128x128xf32, #tpu.memory_space<vmem>> -> memref<128x128xf32, #tpu.memory_space<vmem>>
        %dma_start3A_48 = arith.constant 0 : i32
        %dma_start3A_49 = tpu.memref_slice %arg13[%dma_start3A_42, %dma_start3A_48] : memref<32x128xi32, #tpu.memory_space<vmem>> -> memref<1x128xi32, #tpu.memory_space<vmem>>
        %dma_start3A_50 = tpu.memref_squeeze %dma_start3A_49 : memref<1x128xi32, #tpu.memory_space<vmem>> -> memref<128xi32, #tpu.memory_space<vmem>>
        %dma_start3A_51 = arith.constant 0 : i32
        %dma_start3A_52 = arith.constant 0 : i32
        %dma_start3A_53 = tpu.memref_slice %arg3[%dma_start3A_51, %dma_start3A_52] : memref<10000x128xf32, #tpu.memory_space<hbm>> -> memref<10000x128xf32, #tpu.memory_space<hbm>>
        tpu.enqueue_indirect_dma source(%dma_start3A_53 : memref<10000x128xf32, #tpu.memory_space<hbm>>) target(%dma_start3A_47 : memref<128x128xf32, #tpu.memory_space<vmem>>) offsets(%dma_start3A_50 : memref<128xi32, #tpu.memory_space<vmem>>) semaphore(%arg17 : memref<!tpu.dma_semaphore, #tpu.memory_space<semaphore_mem>>)
        %scan3A_54 = arith.constant 0 : i32
        %scan3A_55 = arith.constant 0 : i32
        %scan3A_56 = arith.constant 16 : i32
        %scan3A_57 = arith.addi %scan3A_55, %scan3A_56 : i32
        %scan3A_58 = arith.constant 1 : i32
        %scan3A_59 = scf.for %scan3A_62 = %scan3A_55 to %scan3A_57 step %scan3A_58 iter_args(%scan3A_63 = %scan3A_54) -> (i32)  : i32 {
          %mul3A_64 = arith.constant 2 : i32
          %mul3A_65 = arith.muli %scan3A_62, %mul3A_64 : i32
          %add3A_66 = arith.constant 0 : i32
          %add3A_67 = arith.addi %mul3A_65, %add3A_66 : i32
          %dma_wait3A = arith.constant 0 : i32
          %dma_wait3A_68 = arith.constant 0 : i32
          %dma_wait3A_69 = arith.constant 0 : i32
          %dma_wait3A_70 = tpu.memref_slice %arg15[%dma_wait3A, %dma_wait3A_68, %dma_wait3A_69] : memref<2x128x128xf32, #tpu.memory_space<vmem>> -> memref<1x128x128xf32, #tpu.memory_space<vmem>>
          %dma_wait3A_71 = tpu.memref_squeeze %dma_wait3A_70 : memref<1x128x128xf32, #tpu.memory_space<vmem>> -> memref<128x128xf32, #tpu.memory_space<vmem>>
          %dma_wait3A_72 = arith.constant 0 : i32
          %dma_wait3A_73 = tpu.memref_slice %arg13[%add3A_67, %dma_wait3A_72] : memref<32x128xi32, #tpu.memory_space<vmem>> -> memref<1x128xi32, #tpu.memory_space<vmem>>
          %dma_wait3A_74 = tpu.memref_squeeze %dma_wait3A_73 : memref<1x128xi32, #tpu.memory_space<vmem>> -> memref<128xi32, #tpu.memory_space<vmem>>
          %dma_wait3A_75 = arith.constant 0 : i32
          %dma_wait3A_76 = arith.constant 0 : i32
          %dma_wait3A_77 = tpu.memref_slice %arg3[%dma_wait3A_75, %dma_wait3A_76] : memref<10000x128xf32, #tpu.memory_space<hbm>> -> memref<10000x128xf32, #tpu.memory_space<hbm>>
          tpu.wait_indirect_dma semaphore(%arg16 : memref<!tpu.dma_semaphore, #tpu.memory_space<semaphore_mem>>) src(%dma_wait3A_77 : memref<10000x128xf32, #tpu.memory_space<hbm>>) dst(%dma_wait3A_71 : memref<128x128xf32, #tpu.memory_space<vmem>>)
          %run_scoped3A = arith.constant 0 : i32
          "tpu.region"() ({
            %run_scoped3A_108 = tpu.sem_alloc : memref<!tpu.dma_semaphore, #tpu.memory_space<semaphore_mem>>
            %dma_start3A_109 = arith.constant 0 : i32
            %dma_start3A_110 = arith.constant 0 : i32
            %dma_start3A_111 = tpu.memref_slice %arg15[%run_scoped3A, %dma_start3A_109, %dma_start3A_110] : memref<2x128x128xf32, #tpu.memory_space<vmem>> -> memref<1x128x128xf32, #tpu.memory_space<vmem>>
            %dma_start3A_112 = tpu.memref_squeeze %dma_start3A_111 : memref<1x128x128xf32, #tpu.memory_space<vmem>> -> memref<128x128xf32, #tpu.memory_space<vmem>>
            %dma_start3A_113 = arith.constant 0 : i32
            %dma_start3A_114 = tpu.memref_slice %arg14[%add3A_67, %dma_start3A_113] : memref<32x128xi32, #tpu.memory_space<vmem>> -> memref<1x128xi32, #tpu.memory_space<vmem>>
            %dma_start3A_115 = tpu.memref_squeeze %dma_start3A_114 : memref<1x128xi32, #tpu.memory_space<vmem>> -> memref<128xi32, #tpu.memory_space<vmem>>
            %dma_start3A_116 = arith.constant 0 : i32
            %dma_start3A_117 = arith.constant 0 : i32
            %dma_start3A_118 = tpu.memref_slice %arg12[%dma_start3A_116, %dma_start3A_117] : memref<10240x128xf32, #tpu.memory_space<vmem_shared>> -> memref<10240x128xf32, #tpu.memory_space<vmem_shared>>
            tpu.enqueue_indirect_dma source(%dma_start3A_112 : memref<128x128xf32, #tpu.memory_space<vmem>>) target(%dma_start3A_118 : memref<10240x128xf32, #tpu.memory_space<vmem_shared>>) offsets(%dma_start3A_115 : memref<128xi32, #tpu.memory_space<vmem>>) semaphore(%run_scoped3A_108 : memref<!tpu.dma_semaphore, #tpu.memory_space<semaphore_mem>>) {add = true}
            %dma_wait3A_119 = arith.constant 0 : i32
            %dma_wait3A_120 = arith.constant 0 : i32
            %dma_wait3A_121 = tpu.memref_slice %arg15[%run_scoped3A, %dma_wait3A_119, %dma_wait3A_120] : memref<2x128x128xf32, #tpu.memory_space<vmem>> -> memref<1x128x128xf32, #tpu.memory_space<vmem>>
            %dma_wait3A_122 = tpu.memref_squeeze %dma_wait3A_121 : memref<1x128x128xf32, #tpu.memory_space<vmem>> -> memref<128x128xf32, #tpu.memory_space<vmem>>
            %dma_wait3A_123 = arith.constant 0 : i32
            %dma_wait3A_124 = tpu.memref_slice %arg14[%add3A_67, %dma_wait3A_123] : memref<32x128xi32, #tpu.memory_space<vmem>> -> memref<1x128xi32, #tpu.memory_space<vmem>>
            %dma_wait3A_125 = tpu.memref_squeeze %dma_wait3A_124 : memref<1x128xi32, #tpu.memory_space<vmem>> -> memref<128xi32, #tpu.memory_space<vmem>>
            %dma_wait3A_126 = arith.constant 0 : i32
            %dma_wait3A_127 = arith.constant 0 : i32
            %dma_wait3A_128 = tpu.memref_slice %arg12[%dma_wait3A_126, %dma_wait3A_127] : memref<10240x128xf32, #tpu.memory_space<vmem_shared>> -> memref<10240x128xf32, #tpu.memory_space<vmem_shared>>
            tpu.wait_indirect_dma semaphore(%run_scoped3A_108 : memref<!tpu.dma_semaphore, #tpu.memory_space<semaphore_mem>>) src(%dma_wait3A_122 : memref<128x128xf32, #tpu.memory_space<vmem>>) dst(%dma_wait3A_128 : memref<10240x128xf32, #tpu.memory_space<vmem_shared>>)
            tpu.yield
          }) : () -> ()
          %add3A_78 = arith.constant 2 : i32
          %add3A_79 = arith.addi %add3A_67, %add3A_78 : i32
          %lt3A = arith.constant 32 : i32
          %lt3A_80 = arith.cmpi slt, %add3A_79, %lt3A : i32
          %convert_element_type3A_81 = arith.extui %lt3A_80 : i1 to i32
          %cond3A_82 = arith.constant 0 : i32
          %cond3A_83 = arith.cmpi ne, %convert_element_type3A_81, %cond3A_82 : i32
          scf.if %cond3A_83 {
            %add3A_108 = arith.constant 2 : i32
            %add3A_109 = arith.addi %add3A_67, %add3A_108 : i32
            %dma_start3A_110 = arith.constant 0 : i32
            %dma_start3A_111 = arith.constant 0 : i32
            %dma_start3A_112 = arith.constant 0 : i32
            %dma_start3A_113 = tpu.memref_slice %arg15[%dma_start3A_110, %dma_start3A_111, %dma_start3A_112] : memref<2x128x128xf32, #tpu.memory_space<vmem>> -> memref<1x128x128xf32, #tpu.memory_space<vmem>>
            %dma_start3A_114 = tpu.memref_squeeze %dma_start3A_113 : memref<1x128x128xf32, #tpu.memory_space<vmem>> -> memref<128x128xf32, #tpu.memory_space<vmem>>
            %dma_start3A_115 = arith.constant 0 : i32
            %dma_start3A_116 = tpu.memref_slice %arg13[%add3A_109, %dma_start3A_115] : memref<32x128xi32, #tpu.memory_space<vmem>> -> memref<1x128xi32, #tpu.memory_space<vmem>>
            %dma_start3A_117 = tpu.memref_squeeze %dma_start3A_116 : memref<1x128xi32, #tpu.memory_space<vmem>> -> memref<128xi32, #tpu.memory_space<vmem>>
            %dma_start3A_118 = arith.constant 0 : i32
            %dma_start3A_119 = arith.constant 0 : i32
            %dma_start3A_120 = tpu.memref_slice %arg3[%dma_start3A_118, %dma_start3A_119] : memref<10000x128xf32, #tpu.memory_space<hbm>> -> memref<10000x128xf32, #tpu.memory_space<hbm>>
            tpu.enqueue_indirect_dma source(%dma_start3A_120 : memref<10000x128xf32, #tpu.memory_space<hbm>>) target(%dma_start3A_114 : memref<128x128xf32, #tpu.memory_space<vmem>>) offsets(%dma_start3A_117 : memref<128xi32, #tpu.memory_space<vmem>>) semaphore(%arg16 : memref<!tpu.dma_semaphore, #tpu.memory_space<semaphore_mem>>)
          } else {
          }
          %mul3A_84 = arith.constant 2 : i32
          %mul3A_85 = arith.muli %scan3A_62, %mul3A_84 : i32
          %add3A_86 = arith.constant 1 : i32
          %add3A_87 = arith.addi %mul3A_85, %add3A_86 : i32
          %dma_wait3A_88 = arith.constant 1 : i32
          %dma_wait3A_89 = arith.constant 0 : i32
          %dma_wait3A_90 = arith.constant 0 : i32
          %dma_wait3A_91 = tpu.memref_slice %arg15[%dma_wait3A_88, %dma_wait3A_89, %dma_wait3A_90] : memref<2x128x128xf32, #tpu.memory_space<vmem>> -> memref<1x128x128xf32, #tpu.memory_space<vmem>>
          %dma_wait3A_92 = tpu.memref_squeeze %dma_wait3A_91 : memref<1x128x128xf32, #tpu.memory_space<vmem>> -> memref<128x128xf32, #tpu.memory_space<vmem>>
          %dma_wait3A_93 = arith.constant 0 : i32
          %dma_wait3A_94 = tpu.memref_slice %arg13[%add3A_87, %dma_wait3A_93] : memref<32x128xi32, #tpu.memory_space<vmem>> -> memref<1x128xi32, #tpu.memory_space<vmem>>
          %dma_wait3A_95 = tpu.memref_squeeze %dma_wait3A_94 : memref<1x128xi32, #tpu.memory_space<vmem>> -> memref<128xi32, #tpu.memory_space<vmem>>
          %dma_wait3A_96 = arith.constant 0 : i32
          %dma_wait3A_97 = arith.constant 0 : i32
          %dma_wait3A_98 = tpu.memref_slice %arg3[%dma_wait3A_96, %dma_wait3A_97] : memref<10000x128xf32, #tpu.memory_space<hbm>> -> memref<10000x128xf32, #tpu.memory_space<hbm>>
          tpu.wait_indirect_dma semaphore(%arg17 : memref<!tpu.dma_semaphore, #tpu.memory_space<semaphore_mem>>) src(%dma_wait3A_98 : memref<10000x128xf32, #tpu.memory_space<hbm>>) dst(%dma_wait3A_92 : memref<128x128xf32, #tpu.memory_space<vmem>>)
          %run_scoped3A_99 = arith.constant 1 : i32
          "tpu.region"() ({
            %run_scoped3A_108 = tpu.sem_alloc : memref<!tpu.dma_semaphore, #tpu.memory_space<semaphore_mem>>
            %dma_start3A_109 = arith.constant 0 : i32
            %dma_start3A_110 = arith.constant 0 : i32
            %dma_start3A_111 = tpu.memref_slice %arg15[%run_scoped3A_99, %dma_start3A_109, %dma_start3A_110] : memref<2x128x128xf32, #tpu.memory_space<vmem>> -> memref<1x128x128xf32, #tpu.memory_space<vmem>>
            %dma_start3A_112 = tpu.memref_squeeze %dma_start3A_111 : memref<1x128x128xf32, #tpu.memory_space<vmem>> -> memref<128x128xf32, #tpu.memory_space<vmem>>
            %dma_start3A_113 = arith.constant 0 : i32
            %dma_start3A_114 = tpu.memref_slice %arg14[%add3A_87, %dma_start3A_113] : memref<32x128xi32, #tpu.memory_space<vmem>> -> memref<1x128xi32, #tpu.memory_space<vmem>>
            %dma_start3A_115 = tpu.memref_squeeze %dma_start3A_114 : memref<1x128xi32, #tpu.memory_space<vmem>> -> memref<128xi32, #tpu.memory_space<vmem>>
            %dma_start3A_116 = arith.constant 0 : i32
            %dma_start3A_117 = arith.constant 0 : i32
            %dma_start3A_118 = tpu.memref_slice %arg12[%dma_start3A_116, %dma_start3A_117] : memref<10240x128xf32, #tpu.memory_space<vmem_shared>> -> memref<10240x128xf32, #tpu.memory_space<vmem_shared>>
            tpu.enqueue_indirect_dma source(%dma_start3A_112 : memref<128x128xf32, #tpu.memory_space<vmem>>) target(%dma_start3A_118 : memref<10240x128xf32, #tpu.memory_space<vmem_shared>>) offsets(%dma_start3A_115 : memref<128xi32, #tpu.memory_space<vmem>>) semaphore(%run_scoped3A_108 : memref<!tpu.dma_semaphore, #tpu.memory_space<semaphore_mem>>) {add = true}
            %dma_wait3A_119 = arith.constant 0 : i32
            %dma_wait3A_120 = arith.constant 0 : i32
            %dma_wait3A_121 = tpu.memref_slice %arg15[%run_scoped3A_99, %dma_wait3A_119, %dma_wait3A_120] : memref<2x128x128xf32, #tpu.memory_space<vmem>> -> memref<1x128x128xf32, #tpu.memory_space<vmem>>
            %dma_wait3A_122 = tpu.memref_squeeze %dma_wait3A_121 : memref<1x128x128xf32, #tpu.memory_space<vmem>> -> memref<128x128xf32, #tpu.memory_space<vmem>>
            %dma_wait3A_123 = arith.constant 0 : i32
            %dma_wait3A_124 = tpu.memref_slice %arg14[%add3A_87, %dma_wait3A_123] : memref<32x128xi32, #tpu.memory_space<vmem>> -> memref<1x128xi32, #tpu.memory_space<vmem>>
            %dma_wait3A_125 = tpu.memref_squeeze %dma_wait3A_124 : memref<1x128xi32, #tpu.memory_space<vmem>> -> memref<128xi32, #tpu.memory_space<vmem>>
            %dma_wait3A_126 = arith.constant 0 : i32
            %dma_wait3A_127 = arith.constant 0 : i32
            %dma_wait3A_128 = tpu.memref_slice %arg12[%dma_wait3A_126, %dma_wait3A_127] : memref<10240x128xf32, #tpu.memory_space<vmem_shared>> -> memref<10240x128xf32, #tpu.memory_space<vmem_shared>>
            tpu.wait_indirect_dma semaphore(%run_scoped3A_108 : memref<!tpu.dma_semaphore, #tpu.memory_space<semaphore_mem>>) src(%dma_wait3A_122 : memref<128x128xf32, #tpu.memory_space<vmem>>) dst(%dma_wait3A_128 : memref<10240x128xf32, #tpu.memory_space<vmem_shared>>)
            tpu.yield
          }) : () -> ()
          %add3A_100 = arith.constant 2 : i32
          %add3A_101 = arith.addi %add3A_87, %add3A_100 : i32
          %lt3A_102 = arith.constant 32 : i32
          %lt3A_103 = arith.cmpi slt, %add3A_101, %lt3A_102 : i32
          %convert_element_type3A_104 = arith.extui %lt3A_103 : i1 to i32
          %cond3A_105 = arith.constant 0 : i32
          %cond3A_106 = arith.cmpi ne, %convert_element_type3A_104, %cond3A_105 : i32
          scf.if %cond3A_106 {
            %add3A_108 = arith.constant 2 : i32
            %add3A_109 = arith.addi %add3A_87, %add3A_108 : i32
            %dma_start3A_110 = arith.constant 1 : i32
            %dma_start3A_111 = arith.constant 0 : i32
            %dma_start3A_112 = arith.constant 0 : i32
            %dma_start3A_113 = tpu.memref_slice %arg15[%dma_start3A_110, %dma_start3A_111, %dma_start3A_112] : memref<2x128x128xf32, #tpu.memory_space<vmem>> -> memref<1x128x128xf32, #tpu.memory_space<vmem>>
            %dma_start3A_114 = tpu.memref_squeeze %dma_start3A_113 : memref<1x128x128xf32, #tpu.memory_space<vmem>> -> memref<128x128xf32, #tpu.memory_space<vmem>>
            %dma_start3A_115 = arith.constant 0 : i32
            %dma_start3A_116 = tpu.memref_slice %arg13[%add3A_109, %dma_start3A_115] : memref<32x128xi32, #tpu.memory_space<vmem>> -> memref<1x128xi32, #tpu.memory_space<vmem>>
            %dma_start3A_117 = tpu.memref_squeeze %dma_start3A_116 : memref<1x128xi32, #tpu.memory_space<vmem>> -> memref<128xi32, #tpu.memory_space<vmem>>
            %dma_start3A_118 = arith.constant 0 : i32
            %dma_start3A_119 = arith.constant 0 : i32
            %dma_start3A_120 = tpu.memref_slice %arg3[%dma_start3A_118, %dma_start3A_119] : memref<10000x128xf32, #tpu.memory_space<hbm>> -> memref<10000x128xf32, #tpu.memory_space<hbm>>
            tpu.enqueue_indirect_dma source(%dma_start3A_120 : memref<10000x128xf32, #tpu.memory_space<hbm>>) target(%dma_start3A_114 : memref<128x128xf32, #tpu.memory_space<vmem>>) offsets(%dma_start3A_117 : memref<128xi32, #tpu.memory_space<vmem>>) semaphore(%arg17 : memref<!tpu.dma_semaphore, #tpu.memory_space<semaphore_mem>>)
          } else {
          }
          %scan3A_107 = arith.constant 0 : i32
          scf.yield %scan3A_107 : i32
        }
        %scan3A_60 = arith.constant 16 : i32
        %scan3A_61 = arith.constant 0 : i32
        scf.yield %scan3A_61 : i32
      }
      %scan3A_26 = arith.constant 5 : i32
    } else {
    }
    %barrier3A_8 = arith.constant 0 : index
    tpu.barrier barrier_id(%barrier3A_8)
    %eq3A_9 = arith.constant 0 : i32
    %eq3A_10 = arith.cmpi eq, %arg0, %eq3A_9 : i32
    %convert_element_type3A_11 = arith.extui %eq3A_10 : i1 to i32
    %cond3A_12 = arith.constant 0 : i32
    %cond3A_13 = arith.cmpi ne, %convert_element_type3A_11, %cond3A_12 : i32
    scf.if %cond3A_13 {
      "tpu.region"() ({
        %run_scoped3A = tpu.sem_alloc : memref<!tpu.dma_semaphore, #tpu.memory_space<semaphore_mem>>
        %dma_start3A = arith.constant 0 : i32
        %dma_start3A_19 = tpu.memref_slice %arg10[%mul3A_0, %dma_start3A] : memref<10240x128xf32, #tpu.memory_space<hbm>> -> memref<640x128xf32, #tpu.memory_space<hbm>>
        %dma_start3A_20 = arith.constant 0 : i32
        %dma_start3A_21 = tpu.memref_slice %arg12[%mul3A_0, %dma_start3A_20] : memref<10240x128xf32, #tpu.memory_space<vmem_shared>> -> memref<640x128xf32, #tpu.memory_space<vmem_shared>>
        tpu.enqueue_dma source(%dma_start3A_21 : memref<640x128xf32, #tpu.memory_space<vmem_shared>>) target(%dma_start3A_19 : memref<640x128xf32, #tpu.memory_space<hbm>>) target_semaphore(%run_scoped3A : memref<!tpu.dma_semaphore, #tpu.memory_space<semaphore_mem>>)
        %dma_wait3A = arith.constant 0 : i32
        %dma_wait3A_22 = tpu.memref_slice %arg10[%mul3A_0, %dma_wait3A] : memref<10240x128xf32, #tpu.memory_space<hbm>> -> memref<640x128xf32, #tpu.memory_space<hbm>>
        %dma_wait3A_23 = arith.constant 0 : i32
        %dma_wait3A_24 = tpu.memref_slice %arg12[%mul3A_0, %dma_wait3A_23] : memref<10240x128xf32, #tpu.memory_space<vmem_shared>> -> memref<640x128xf32, #tpu.memory_space<vmem_shared>>
        tpu.wait_dma2 semaphore(%run_scoped3A : memref<!tpu.dma_semaphore, #tpu.memory_space<semaphore_mem>>) src(%dma_wait3A_24 : memref<640x128xf32, #tpu.memory_space<vmem_shared>>) dst(%dma_wait3A_22 : memref<640x128xf32, #tpu.memory_space<hbm>>)
        tpu.yield
      }) : () -> ()
    } else {
    }
    %eq3A_14 = arith.constant 1 : i32
    %eq3A_15 = arith.cmpi eq, %arg0, %eq3A_14 : i32
    %convert_element_type3A_16 = arith.extui %eq3A_15 : i1 to i32
    %cond3A_17 = arith.constant 0 : i32
    %cond3A_18 = arith.cmpi ne, %convert_element_type3A_16, %cond3A_17 : i32
    scf.if %cond3A_18 {
      "tpu.region"() ({
        %run_scoped3A = tpu.sem_alloc : memref<!tpu.dma_semaphore, #tpu.memory_space<semaphore_mem>>
        %dma_start3A = arith.constant 0 : i32
        %dma_start3A_19 = tpu.memref_slice %arg11[%mul3A_0, %dma_start3A] : memref<10240x128xf32, #tpu.memory_space<hbm>> -> memref<640x128xf32, #tpu.memory_space<hbm>>
        %dma_start3A_20 = arith.constant 0 : i32
        %dma_start3A_21 = tpu.memref_slice %arg12[%mul3A_0, %dma_start3A_20] : memref<10240x128xf32, #tpu.memory_space<vmem_shared>> -> memref<640x128xf32, #tpu.memory_space<vmem_shared>>
        tpu.enqueue_dma source(%dma_start3A_21 : memref<640x128xf32, #tpu.memory_space<vmem_shared>>) target(%dma_start3A_19 : memref<640x128xf32, #tpu.memory_space<hbm>>) target_semaphore(%run_scoped3A : memref<!tpu.dma_semaphore, #tpu.memory_space<semaphore_mem>>)
        %dma_wait3A = arith.constant 0 : i32
        %dma_wait3A_22 = tpu.memref_slice %arg11[%mul3A_0, %dma_wait3A] : memref<10240x128xf32, #tpu.memory_space<hbm>> -> memref<640x128xf32, #tpu.memory_space<hbm>>
        %dma_wait3A_23 = arith.constant 0 : i32
        %dma_wait3A_24 = tpu.memref_slice %arg12[%mul3A_0, %dma_wait3A_23] : memref<10240x128xf32, #tpu.memory_space<vmem_shared>> -> memref<640x128xf32, #tpu.memory_space<vmem_shared>>
        tpu.wait_dma2 semaphore(%run_scoped3A : memref<!tpu.dma_semaphore, #tpu.memory_space<semaphore_mem>>) src(%dma_wait3A_24 : memref<640x128xf32, #tpu.memory_space<vmem_shared>>) dst(%dma_wait3A_22 : memref<640x128xf32, #tpu.memory_space<hbm>>)
        tpu.yield
      }) : () -> ()
    } else {
    }
    return
  }
}

#map = affine_map<(d0, d1) -> (0, 0)>
module attributes {stable_mosaic.version = 14 : i64} {
  func.func @sc_edge_counts(%arg0: i32, %arg1: i32, %arg2: memref<2560x128xi32, #tpu.memory_space<hbm>>, %arg3: memref<2560x128xi32, #tpu.memory_space<hbm>>, %arg4: memref<10240x128xf32, #tpu.memory_space<hbm>>, %arg5: memref<128x128xf32, #tpu.memory_space<hbm>>, %arg6: memref<10240x128xf32, #tpu.memory_space<hbm>>, %arg7: memref<10240x128xf32, #tpu.memory_space<hbm>>, %arg8: memref<10240x128xf32, #tpu.memory_space<vmem_shared>>, %arg9: memref<160x128xi32, #tpu.memory_space<vmem>>, %arg10: memref<128x128xf32, #tpu.memory_space<vmem>>) attributes {dimension_semantics = [#tpu.dimension_semantics<core_parallel>, #tpu.dimension_semantics<subcore_parallel>], iteration_bounds = array<i64: 2, 16>, scalar_prefetch = 0 : i64, scratch_operands = 3 : i64, tpu.core_type = #tpu.core_type<sc_vector_subcore>, window_params = [{transform_indices = #map}, {transform_indices = #map}, {transform_indices = #map}, {transform_indices = #map}, {transform_indices = #map}, {transform_indices = #map}]} {
    %mul3A = arith.constant 640 : i32
    %mul3A_0 = arith.muli %arg1, %mul3A : i32
    %mul3A_1 = arith.constant 640 : i32
    %mul3A_2 = arith.muli %arg1, %mul3A_1 : i32
    "tpu.region"() ({
      %run_scoped3A = tpu.sem_alloc : memref<!tpu.dma_semaphore, #tpu.memory_space<semaphore_mem>>
      %dma_start3A = arith.constant 0 : i32
      %dma_start3A_21 = tpu.memref_slice %arg8[%mul3A_2, %dma_start3A] : memref<10240x128xf32, #tpu.memory_space<vmem_shared>> -> memref<640x128xf32, #tpu.memory_space<vmem_shared>>
      %dma_start3A_22 = arith.constant 0 : i32
      %dma_start3A_23 = tpu.memref_slice %arg4[%mul3A_0, %dma_start3A_22] : memref<10240x128xf32, #tpu.memory_space<hbm>> -> memref<640x128xf32, #tpu.memory_space<hbm>>
      tpu.enqueue_dma source(%dma_start3A_23 : memref<640x128xf32, #tpu.memory_space<hbm>>) target(%dma_start3A_21 : memref<640x128xf32, #tpu.memory_space<vmem_shared>>) target_semaphore(%run_scoped3A : memref<!tpu.dma_semaphore, #tpu.memory_space<semaphore_mem>>)
      %dma_wait3A = arith.constant 0 : i32
      %dma_wait3A_24 = tpu.memref_slice %arg8[%mul3A_2, %dma_wait3A] : memref<10240x128xf32, #tpu.memory_space<vmem_shared>> -> memref<640x128xf32, #tpu.memory_space<vmem_shared>>
      %dma_wait3A_25 = arith.constant 0 : i32
      %dma_wait3A_26 = tpu.memref_slice %arg4[%mul3A_0, %dma_wait3A_25] : memref<10240x128xf32, #tpu.memory_space<hbm>> -> memref<640x128xf32, #tpu.memory_space<hbm>>
      tpu.wait_dma2 semaphore(%run_scoped3A : memref<!tpu.dma_semaphore, #tpu.memory_space<semaphore_mem>>) src(%dma_wait3A_26 : memref<640x128xf32, #tpu.memory_space<hbm>>) dst(%dma_wait3A_24 : memref<640x128xf32, #tpu.memory_space<vmem_shared>>)
      tpu.yield
    }) : () -> ()
    "tpu.region"() ({
      %run_scoped3A = tpu.sem_alloc : memref<!tpu.dma_semaphore, #tpu.memory_space<semaphore_mem>>
      tpu.enqueue_dma source(%arg5 : memref<128x128xf32, #tpu.memory_space<hbm>>) target(%arg10 : memref<128x128xf32, #tpu.memory_space<vmem>>) target_semaphore(%run_scoped3A : memref<!tpu.dma_semaphore, #tpu.memory_space<semaphore_mem>>)
      tpu.wait_dma2 semaphore(%run_scoped3A : memref<!tpu.dma_semaphore, #tpu.memory_space<semaphore_mem>>) src(%arg5 : memref<128x128xf32, #tpu.memory_space<hbm>>) dst(%arg10 : memref<128x128xf32, #tpu.memory_space<vmem>>)
      tpu.yield
    }) : () -> ()
    %barrier3A = arith.constant 0 : index
    tpu.barrier barrier_id(%barrier3A)
    %eq3A = arith.constant 0 : i32
    %eq3A_3 = arith.cmpi eq, %arg0, %eq3A : i32
    %convert_element_type3A = arith.extui %eq3A_3 : i1 to i32
    %cond3A = arith.constant 0 : i32
    %cond3A_4 = arith.cmpi ne, %convert_element_type3A, %cond3A : i32
    scf.if %cond3A_4 {
      %mul3A_21 = arith.constant 160 : i32
      %mul3A_22 = arith.muli %arg1, %mul3A_21 : i32
      "tpu.region"() ({
        %run_scoped3A = tpu.sem_alloc : memref<!tpu.dma_semaphore, #tpu.memory_space<semaphore_mem>>
        %dma_start3A = arith.constant 0 : i32
        %dma_start3A_29 = tpu.memref_slice %arg2[%mul3A_22, %dma_start3A] : memref<2560x128xi32, #tpu.memory_space<hbm>> -> memref<160x128xi32, #tpu.memory_space<hbm>>
        %dma_start3A_30 = arith.constant 0 : i32
        %dma_start3A_31 = tpu.memref_slice %arg2[%mul3A_22, %dma_start3A_30] : memref<2560x128xi32, #tpu.memory_space<hbm>> -> memref<160x128xi32, #tpu.memory_space<hbm>>
        tpu.enqueue_dma source(%dma_start3A_31 : memref<160x128xi32, #tpu.memory_space<hbm>>) target(%arg9 : memref<160x128xi32, #tpu.memory_space<vmem>>) target_semaphore(%run_scoped3A : memref<!tpu.dma_semaphore, #tpu.memory_space<semaphore_mem>>)
        %dma_wait3A = arith.constant 0 : i32
        %dma_wait3A_32 = tpu.memref_slice %arg2[%mul3A_22, %dma_wait3A] : memref<2560x128xi32, #tpu.memory_space<hbm>> -> memref<160x128xi32, #tpu.memory_space<hbm>>
        %dma_wait3A_33 = arith.constant 0 : i32
        %dma_wait3A_34 = tpu.memref_slice %arg2[%mul3A_22, %dma_wait3A_33] : memref<2560x128xi32, #tpu.memory_space<hbm>> -> memref<160x128xi32, #tpu.memory_space<hbm>>
        tpu.wait_dma2 semaphore(%run_scoped3A : memref<!tpu.dma_semaphore, #tpu.memory_space<semaphore_mem>>) src(%dma_wait3A_34 : memref<160x128xi32, #tpu.memory_space<hbm>>) dst(%arg9 : memref<160x128xi32, #tpu.memory_space<vmem>>)
        tpu.yield
      }) : () -> ()
      %scan3A = arith.constant 0 : i32
      %scan3A_23 = arith.constant 0 : i32
      %scan3A_24 = arith.constant 160 : i32
      %scan3A_25 = arith.addi %scan3A_23, %scan3A_24 : i32
      %scan3A_26 = arith.constant 1 : i32
      %scan3A_27 = scf.for %scan3A_29 = %scan3A_23 to %scan3A_25 step %scan3A_26 iter_args(%scan3A_30 = %scan3A) -> (i32)  : i32 {
        "tpu.region"() ({
          %run_scoped3A = tpu.sem_alloc : memref<!tpu.dma_semaphore, #tpu.memory_space<semaphore_mem>>
          %dma_start3A = arith.constant 0 : i32
          %dma_start3A_32 = tpu.memref_slice %arg9[%scan3A_29, %dma_start3A] : memref<160x128xi32, #tpu.memory_space<vmem>> -> memref<1x128xi32, #tpu.memory_space<vmem>>
          %dma_start3A_33 = tpu.memref_squeeze %dma_start3A_32 : memref<1x128xi32, #tpu.memory_space<vmem>> -> memref<128xi32, #tpu.memory_space<vmem>>
          %dma_start3A_34 = arith.constant 0 : i32
          %dma_start3A_35 = arith.constant 0 : i32
          %dma_start3A_36 = tpu.memref_slice %arg8[%dma_start3A_34, %dma_start3A_35] : memref<10240x128xf32, #tpu.memory_space<vmem_shared>> -> memref<10240x128xf32, #tpu.memory_space<vmem_shared>>
          tpu.enqueue_indirect_dma source(%arg10 : memref<128x128xf32, #tpu.memory_space<vmem>>) target(%dma_start3A_36 : memref<10240x128xf32, #tpu.memory_space<vmem_shared>>) offsets(%dma_start3A_33 : memref<128xi32, #tpu.memory_space<vmem>>) semaphore(%run_scoped3A : memref<!tpu.dma_semaphore, #tpu.memory_space<semaphore_mem>>) {add = true}
          %dma_wait3A = arith.constant 0 : i32
          %dma_wait3A_37 = tpu.memref_slice %arg9[%scan3A_29, %dma_wait3A] : memref<160x128xi32, #tpu.memory_space<vmem>> -> memref<1x128xi32, #tpu.memory_space<vmem>>
          %dma_wait3A_38 = tpu.memref_squeeze %dma_wait3A_37 : memref<1x128xi32, #tpu.memory_space<vmem>> -> memref<128xi32, #tpu.memory_space<vmem>>
          %dma_wait3A_39 = arith.constant 0 : i32
          %dma_wait3A_40 = arith.constant 0 : i32
          %dma_wait3A_41 = tpu.memref_slice %arg8[%dma_wait3A_39, %dma_wait3A_40] : memref<10240x128xf32, #tpu.memory_space<vmem_shared>> -> memref<10240x128xf32, #tpu.memory_space<vmem_shared>>
          tpu.wait_indirect_dma semaphore(%run_scoped3A : memref<!tpu.dma_semaphore, #tpu.memory_space<semaphore_mem>>) src(%arg10 : memref<128x128xf32, #tpu.memory_space<vmem>>) dst(%dma_wait3A_41 : memref<10240x128xf32, #tpu.memory_space<vmem_shared>>)
          tpu.yield
        }) : () -> ()
        %scan3A_31 = arith.constant 0 : i32
        scf.yield %scan3A_31 : i32
      }
      %scan3A_28 = arith.constant 160 : i32
    } else {
    }
    %eq3A_5 = arith.constant 1 : i32
    %eq3A_6 = arith.cmpi eq, %arg0, %eq3A_5 : i32
    %convert_element_type3A_7 = arith.extui %eq3A_6 : i1 to i32
    %cond3A_8 = arith.constant 0 : i32
    %cond3A_9 = arith.cmpi ne, %convert_element_type3A_7, %cond3A_8 : i32
    scf.if %cond3A_9 {
      %mul3A_21 = arith.constant 160 : i32
      %mul3A_22 = arith.muli %arg1, %mul3A_21 : i32
      "tpu.region"() ({
        %run_scoped3A = tpu.sem_alloc : memref<!tpu.dma_semaphore, #tpu.memory_space<semaphore_mem>>
        %dma_start3A = arith.constant 0 : i32
        %dma_start3A_29 = tpu.memref_slice %arg3[%mul3A_22, %dma_start3A] : memref<2560x128xi32, #tpu.memory_space<hbm>> -> memref<160x128xi32, #tpu.memory_space<hbm>>
        %dma_start3A_30 = arith.constant 0 : i32
        %dma_start3A_31 = tpu.memref_slice %arg3[%mul3A_22, %dma_start3A_30] : memref<2560x128xi32, #tpu.memory_space<hbm>> -> memref<160x128xi32, #tpu.memory_space<hbm>>
        tpu.enqueue_dma source(%dma_start3A_31 : memref<160x128xi32, #tpu.memory_space<hbm>>) target(%arg9 : memref<160x128xi32, #tpu.memory_space<vmem>>) target_semaphore(%run_scoped3A : memref<!tpu.dma_semaphore, #tpu.memory_space<semaphore_mem>>)
        %dma_wait3A = arith.constant 0 : i32
        %dma_wait3A_32 = tpu.memref_slice %arg3[%mul3A_22, %dma_wait3A] : memref<2560x128xi32, #tpu.memory_space<hbm>> -> memref<160x128xi32, #tpu.memory_space<hbm>>
        %dma_wait3A_33 = arith.constant 0 : i32
        %dma_wait3A_34 = tpu.memref_slice %arg3[%mul3A_22, %dma_wait3A_33] : memref<2560x128xi32, #tpu.memory_space<hbm>> -> memref<160x128xi32, #tpu.memory_space<hbm>>
        tpu.wait_dma2 semaphore(%run_scoped3A : memref<!tpu.dma_semaphore, #tpu.memory_space<semaphore_mem>>) src(%dma_wait3A_34 : memref<160x128xi32, #tpu.memory_space<hbm>>) dst(%arg9 : memref<160x128xi32, #tpu.memory_space<vmem>>)
        tpu.yield
      }) : () -> ()
      %scan3A = arith.constant 0 : i32
      %scan3A_23 = arith.constant 0 : i32
      %scan3A_24 = arith.constant 160 : i32
      %scan3A_25 = arith.addi %scan3A_23, %scan3A_24 : i32
      %scan3A_26 = arith.constant 1 : i32
      %scan3A_27 = scf.for %scan3A_29 = %scan3A_23 to %scan3A_25 step %scan3A_26 iter_args(%scan3A_30 = %scan3A) -> (i32)  : i32 {
        "tpu.region"() ({
          %run_scoped3A = tpu.sem_alloc : memref<!tpu.dma_semaphore, #tpu.memory_space<semaphore_mem>>
          %dma_start3A = arith.constant 0 : i32
          %dma_start3A_32 = tpu.memref_slice %arg9[%scan3A_29, %dma_start3A] : memref<160x128xi32, #tpu.memory_space<vmem>> -> memref<1x128xi32, #tpu.memory_space<vmem>>
          %dma_start3A_33 = tpu.memref_squeeze %dma_start3A_32 : memref<1x128xi32, #tpu.memory_space<vmem>> -> memref<128xi32, #tpu.memory_space<vmem>>
          %dma_start3A_34 = arith.constant 0 : i32
          %dma_start3A_35 = arith.constant 0 : i32
          %dma_start3A_36 = tpu.memref_slice %arg8[%dma_start3A_34, %dma_start3A_35] : memref<10240x128xf32, #tpu.memory_space<vmem_shared>> -> memref<10240x128xf32, #tpu.memory_space<vmem_shared>>
          tpu.enqueue_indirect_dma source(%arg10 : memref<128x128xf32, #tpu.memory_space<vmem>>) target(%dma_start3A_36 : memref<10240x128xf32, #tpu.memory_space<vmem_shared>>) offsets(%dma_start3A_33 : memref<128xi32, #tpu.memory_space<vmem>>) semaphore(%run_scoped3A : memref<!tpu.dma_semaphore, #tpu.memory_space<semaphore_mem>>) {add = true}
          %dma_wait3A = arith.constant 0 : i32
          %dma_wait3A_37 = tpu.memref_slice %arg9[%scan3A_29, %dma_wait3A] : memref<160x128xi32, #tpu.memory_space<vmem>> -> memref<1x128xi32, #tpu.memory_space<vmem>>
          %dma_wait3A_38 = tpu.memref_squeeze %dma_wait3A_37 : memref<1x128xi32, #tpu.memory_space<vmem>> -> memref<128xi32, #tpu.memory_space<vmem>>
          %dma_wait3A_39 = arith.constant 0 : i32
          %dma_wait3A_40 = arith.constant 0 : i32
          %dma_wait3A_41 = tpu.memref_slice %arg8[%dma_wait3A_39, %dma_wait3A_40] : memref<10240x128xf32, #tpu.memory_space<vmem_shared>> -> memref<10240x128xf32, #tpu.memory_space<vmem_shared>>
          tpu.wait_indirect_dma semaphore(%run_scoped3A : memref<!tpu.dma_semaphore, #tpu.memory_space<semaphore_mem>>) src(%arg10 : memref<128x128xf32, #tpu.memory_space<vmem>>) dst(%dma_wait3A_41 : memref<10240x128xf32, #tpu.memory_space<vmem_shared>>)
          tpu.yield
        }) : () -> ()
        %scan3A_31 = arith.constant 0 : i32
        scf.yield %scan3A_31 : i32
      }
      %scan3A_28 = arith.constant 160 : i32
    } else {
    }
    %barrier3A_10 = arith.constant 0 : index
    tpu.barrier barrier_id(%barrier3A_10)
    %eq3A_11 = arith.constant 0 : i32
    %eq3A_12 = arith.cmpi eq, %arg0, %eq3A_11 : i32
    %convert_element_type3A_13 = arith.extui %eq3A_12 : i1 to i32
    %cond3A_14 = arith.constant 0 : i32
    %cond3A_15 = arith.cmpi ne, %convert_element_type3A_13, %cond3A_14 : i32
    scf.if %cond3A_15 {
      %mul3A_21 = arith.constant 640 : i32
      %mul3A_22 = arith.muli %arg1, %mul3A_21 : i32
      %mul3A_23 = arith.constant 640 : i32
      %mul3A_24 = arith.muli %arg1, %mul3A_23 : i32
      "tpu.region"() ({
        %run_scoped3A = tpu.sem_alloc : memref<!tpu.dma_semaphore, #tpu.memory_space<semaphore_mem>>
        %dma_start3A = arith.constant 0 : i32
        %dma_start3A_25 = tpu.memref_slice %arg6[%mul3A_24, %dma_start3A] : memref<10240x128xf32, #tpu.memory_space<hbm>> -> memref<640x128xf32, #tpu.memory_space<hbm>>
        %dma_start3A_26 = arith.constant 0 : i32
        %dma_start3A_27 = tpu.memref_slice %arg8[%mul3A_22, %dma_start3A_26] : memref<10240x128xf32, #tpu.memory_space<vmem_shared>> -> memref<640x128xf32, #tpu.memory_space<vmem_shared>>
        tpu.enqueue_dma source(%dma_start3A_27 : memref<640x128xf32, #tpu.memory_space<vmem_shared>>) target(%dma_start3A_25 : memref<640x128xf32, #tpu.memory_space<hbm>>) target_semaphore(%run_scoped3A : memref<!tpu.dma_semaphore, #tpu.memory_space<semaphore_mem>>)
        %dma_wait3A = arith.constant 0 : i32
        %dma_wait3A_28 = tpu.memref_slice %arg6[%mul3A_24, %dma_wait3A] : memref<10240x128xf32, #tpu.memory_space<hbm>> -> memref<640x128xf32, #tpu.memory_space<hbm>>
        %dma_wait3A_29 = arith.constant 0 : i32
        %dma_wait3A_30 = tpu.memref_slice %arg8[%mul3A_22, %dma_wait3A_29] : memref<10240x128xf32, #tpu.memory_space<vmem_shared>> -> memref<640x128xf32, #tpu.memory_space<vmem_shared>>
        tpu.wait_dma2 semaphore(%run_scoped3A : memref<!tpu.dma_semaphore, #tpu.memory_space<semaphore_mem>>) src(%dma_wait3A_30 : memref<640x128xf32, #tpu.memory_space<vmem_shared>>) dst(%dma_wait3A_28 : memref<640x128xf32, #tpu.memory_space<hbm>>)
        tpu.yield
      }) : () -> ()
    } else {
    }
    %eq3A_16 = arith.constant 1 : i32
    %eq3A_17 = arith.cmpi eq, %arg0, %eq3A_16 : i32
    %convert_element_type3A_18 = arith.extui %eq3A_17 : i1 to i32
    %cond3A_19 = arith.constant 0 : i32
    %cond3A_20 = arith.cmpi ne, %convert_element_type3A_18, %cond3A_19 : i32
    scf.if %cond3A_20 {
      %mul3A_21 = arith.constant 640 : i32
      %mul3A_22 = arith.muli %arg1, %mul3A_21 : i32
      %mul3A_23 = arith.constant 640 : i32
      %mul3A_24 = arith.muli %arg1, %mul3A_23 : i32
      "tpu.region"() ({
        %run_scoped3A = tpu.sem_alloc : memref<!tpu.dma_semaphore, #tpu.memory_space<semaphore_mem>>
        %dma_start3A = arith.constant 0 : i32
        %dma_start3A_25 = tpu.memref_slice %arg7[%mul3A_24, %dma_start3A] : memref<10240x128xf32, #tpu.memory_space<hbm>> -> memref<640x128xf32, #tpu.memory_space<hbm>>
        %dma_start3A_26 = arith.constant 0 : i32
        %dma_start3A_27 = tpu.memref_slice %arg8[%mul3A_22, %dma_start3A_26] : memref<10240x128xf32, #tpu.memory_space<vmem_shared>> -> memref<640x128xf32, #tpu.memory_space<vmem_shared>>
        tpu.enqueue_dma source(%dma_start3A_27 : memref<640x128xf32, #tpu.memory_space<vmem_shared>>) target(%dma_start3A_25 : memref<640x128xf32, #tpu.memory_space<hbm>>) target_semaphore(%run_scoped3A : memref<!tpu.dma_semaphore, #tpu.memory_space<semaphore_mem>>)
        %dma_wait3A = arith.constant 0 : i32
        %dma_wait3A_28 = tpu.memref_slice %arg7[%mul3A_24, %dma_wait3A] : memref<10240x128xf32, #tpu.memory_space<hbm>> -> memref<640x128xf32, #tpu.memory_space<hbm>>
        %dma_wait3A_29 = arith.constant 0 : i32
        %dma_wait3A_30 = tpu.memref_slice %arg8[%mul3A_22, %dma_wait3A_29] : memref<10240x128xf32, #tpu.memory_space<vmem_shared>> -> memref<640x128xf32, #tpu.memory_space<vmem_shared>>
        tpu.wait_dma2 semaphore(%run_scoped3A : memref<!tpu.dma_semaphore, #tpu.memory_space<semaphore_mem>>) src(%dma_wait3A_30 : memref<640x128xf32, #tpu.memory_space<vmem_shared>>) dst(%dma_wait3A_28 : memref<640x128xf32, #tpu.memory_space<hbm>>)
        tpu.yield
      }) : () -> ()
    } else {
    }
    return
  }
}

#map = affine_map<(d0, d1) -> (0, 0)>
module attributes {stable_mosaic.version = 14 : i64} {
  func.func @sc_edge_agg(%arg0: i32, %arg1: i32, %arg2: memref<10000x128xf32, #tpu.memory_space<hbm>>, %arg3: memref<10000x128xf32, #tpu.memory_space<hbm>>, %arg4: memref<2560x128xi32, #tpu.memory_space<hbm>>, %arg5: memref<2560x128xi32, #tpu.memory_space<hbm>>, %arg6: memref<2560x128xi32, #tpu.memory_space<hbm>>, %arg7: memref<2560x128xi32, #tpu.memory_space<hbm>>, %arg8: memref<10240x128xf32, #tpu.memory_space<hbm>>, %arg9: memref<128x128xf32, #tpu.memory_space<hbm>>, %arg10: memref<10240x128xf32, #tpu.memory_space<hbm>>, %arg11: memref<10240x128xf32, #tpu.memory_space<hbm>>, %arg12: memref<10240x128xf32, #tpu.memory_space<vmem_shared>>, %arg13: memref<32x128xi32, #tpu.memory_space<vmem>>, %arg14: memref<32x128xi32, #tpu.memory_space<vmem>>, %arg15: memref<2x128x128xf32, #tpu.memory_space<vmem>>, %arg16: memref<!tpu.dma_semaphore, #tpu.memory_space<semaphore_mem>>, %arg17: memref<!tpu.dma_semaphore, #tpu.memory_space<semaphore_mem>>) attributes {dimension_semantics = [#tpu.dimension_semantics<core_parallel>, #tpu.dimension_semantics<subcore_parallel>], iteration_bounds = array<i64: 2, 16>, scalar_prefetch = 0 : i64, scratch_operands = 6 : i64, tpu.core_type = #tpu.core_type<sc_vector_subcore>, window_params = [{transform_indices = #map}, {transform_indices = #map}, {transform_indices = #map}, {transform_indices = #map}, {transform_indices = #map}, {transform_indices = #map}, {transform_indices = #map}, {transform_indices = #map}, {transform_indices = #map}, {transform_indices = #map}]} {
    %mul3A = arith.constant 640 : i32
    %mul3A_0 = arith.muli %arg1, %mul3A : i32
    "tpu.region"() ({
      %run_scoped3A = tpu.sem_alloc : memref<!tpu.dma_semaphore, #tpu.memory_space<semaphore_mem>>
      %dma_start3A = arith.constant 0 : i32
      %dma_start3A_19 = tpu.memref_slice %arg12[%mul3A_0, %dma_start3A] : memref<10240x128xf32, #tpu.memory_space<vmem_shared>> -> memref<640x128xf32, #tpu.memory_space<vmem_shared>>
      %dma_start3A_20 = arith.constant 0 : i32
      %dma_start3A_21 = tpu.memref_slice %arg8[%mul3A_0, %dma_start3A_20] : memref<10240x128xf32, #tpu.memory_space<hbm>> -> memref<640x128xf32, #tpu.memory_space<hbm>>
      tpu.enqueue_dma source(%dma_start3A_21 : memref<640x128xf32, #tpu.memory_space<hbm>>) target(%dma_start3A_19 : memref<640x128xf32, #tpu.memory_space<vmem_shared>>) target_semaphore(%run_scoped3A : memref<!tpu.dma_semaphore, #tpu.memory_space<semaphore_mem>>)
      %dma_wait3A = arith.constant 0 : i32
      %dma_wait3A_22 = tpu.memref_slice %arg12[%mul3A_0, %dma_wait3A] : memref<10240x128xf32, #tpu.memory_space<vmem_shared>> -> memref<640x128xf32, #tpu.memory_space<vmem_shared>>
      %dma_wait3A_23 = arith.constant 0 : i32
      %dma_wait3A_24 = tpu.memref_slice %arg8[%mul3A_0, %dma_wait3A_23] : memref<10240x128xf32, #tpu.memory_space<hbm>> -> memref<640x128xf32, #tpu.memory_space<hbm>>
      tpu.wait_dma2 semaphore(%run_scoped3A : memref<!tpu.dma_semaphore, #tpu.memory_space<semaphore_mem>>) src(%dma_wait3A_24 : memref<640x128xf32, #tpu.memory_space<hbm>>) dst(%dma_wait3A_22 : memref<640x128xf32, #tpu.memory_space<vmem_shared>>)
      tpu.yield
    }) : () -> ()
    %barrier3A = arith.constant 0 : index
    tpu.barrier barrier_id(%barrier3A)
    %eq3A = arith.constant 0 : i32
    %eq3A_1 = arith.cmpi eq, %arg0, %eq3A : i32
    %convert_element_type3A = arith.extui %eq3A_1 : i1 to i32
    %cond3A = arith.constant 0 : i32
    %cond3A_2 = arith.cmpi ne, %convert_element_type3A, %cond3A : i32
    scf.if %cond3A_2 {
      %mul3A_19 = arith.constant 160 : i32
      %mul3A_20 = arith.muli %arg1, %mul3A_19 : i32
      %scan3A = arith.constant 0 : i32
      %scan3A_21 = arith.constant 0 : i32
      %scan3A_22 = arith.constant 5 : i32
      %scan3A_23 = arith.addi %scan3A_21, %scan3A_22 : i32
      %scan3A_24 = arith.constant 1 : i32
      %scan3A_25 = scf.for %scan3A_27 = %scan3A_21 to %scan3A_23 step %scan3A_24 iter_args(%scan3A_28 = %scan3A) -> (i32)  : i32 {
        %mul3A_29 = arith.constant 32 : i32
        %mul3A_30 = arith.muli %scan3A_27, %mul3A_29 : i32
        %add3A = arith.addi %mul3A_20, %mul3A_30 : i32
        "tpu.region"() ({
          %run_scoped3A = tpu.sem_alloc : memref<!tpu.dma_semaphore, #tpu.memory_space<semaphore_mem>>
          %dma_start3A_62 = arith.constant 0 : i32
          %dma_start3A_63 = tpu.memref_slice %arg4[%add3A, %dma_start3A_62] : memref<2560x128xi32, #tpu.memory_space<hbm>> -> memref<32x128xi32, #tpu.memory_space<hbm>>
          %dma_start3A_64 = arith.constant 0 : i32
          %dma_start3A_65 = tpu.memref_slice %arg4[%add3A, %dma_start3A_64] : memref<2560x128xi32, #tpu.memory_space<hbm>> -> memref<32x128xi32, #tpu.memory_space<hbm>>
          tpu.enqueue_dma source(%dma_start3A_65 : memref<32x128xi32, #tpu.memory_space<hbm>>) target(%arg13 : memref<32x128xi32, #tpu.memory_space<vmem>>) target_semaphore(%run_scoped3A : memref<!tpu.dma_semaphore, #tpu.memory_space<semaphore_mem>>)
          %dma_wait3A = arith.constant 0 : i32
          %dma_wait3A_66 = tpu.memref_slice %arg4[%add3A, %dma_wait3A] : memref<2560x128xi32, #tpu.memory_space<hbm>> -> memref<32x128xi32, #tpu.memory_space<hbm>>
          %dma_wait3A_67 = arith.constant 0 : i32
          %dma_wait3A_68 = tpu.memref_slice %arg4[%add3A, %dma_wait3A_67] : memref<2560x128xi32, #tpu.memory_space<hbm>> -> memref<32x128xi32, #tpu.memory_space<hbm>>
          tpu.wait_dma2 semaphore(%run_scoped3A : memref<!tpu.dma_semaphore, #tpu.memory_space<semaphore_mem>>) src(%dma_wait3A_68 : memref<32x128xi32, #tpu.memory_space<hbm>>) dst(%arg13 : memref<32x128xi32, #tpu.memory_space<vmem>>)
          tpu.yield
        }) : () -> ()
        "tpu.region"() ({
          %run_scoped3A = tpu.sem_alloc : memref<!tpu.dma_semaphore, #tpu.memory_space<semaphore_mem>>
          %dma_start3A_62 = arith.constant 0 : i32
          %dma_start3A_63 = tpu.memref_slice %arg5[%add3A, %dma_start3A_62] : memref<2560x128xi32, #tpu.memory_space<hbm>> -> memref<32x128xi32, #tpu.memory_space<hbm>>
          %dma_start3A_64 = arith.constant 0 : i32
          %dma_start3A_65 = tpu.memref_slice %arg5[%add3A, %dma_start3A_64] : memref<2560x128xi32, #tpu.memory_space<hbm>> -> memref<32x128xi32, #tpu.memory_space<hbm>>
          tpu.enqueue_dma source(%dma_start3A_65 : memref<32x128xi32, #tpu.memory_space<hbm>>) target(%arg14 : memref<32x128xi32, #tpu.memory_space<vmem>>) target_semaphore(%run_scoped3A : memref<!tpu.dma_semaphore, #tpu.memory_space<semaphore_mem>>)
          %dma_wait3A = arith.constant 0 : i32
          %dma_wait3A_66 = tpu.memref_slice %arg5[%add3A, %dma_wait3A] : memref<2560x128xi32, #tpu.memory_space<hbm>> -> memref<32x128xi32, #tpu.memory_space<hbm>>
          %dma_wait3A_67 = arith.constant 0 : i32
          %dma_wait3A_68 = tpu.memref_slice %arg5[%add3A, %dma_wait3A_67] : memref<2560x128xi32, #tpu.memory_space<hbm>> -> memref<32x128xi32, #tpu.memory_space<hbm>>
          tpu.wait_dma2 semaphore(%run_scoped3A : memref<!tpu.dma_semaphore, #tpu.memory_space<semaphore_mem>>) src(%dma_wait3A_68 : memref<32x128xi32, #tpu.memory_space<hbm>>) dst(%arg14 : memref<32x128xi32, #tpu.memory_space<vmem>>)
          tpu.yield
        }) : () -> ()
        %dma_start3A = arith.constant 0 : i32
        %dma_start3A_31 = arith.constant 0 : i32
        %dma_start3A_32 = arith.constant 0 : i32
        %dma_start3A_33 = arith.constant 0 : i32
        %dma_start3A_34 = tpu.memref_slice %arg15[%dma_start3A_31, %dma_start3A_32, %dma_start3A_33] : memref<2x128x128xf32, #tpu.memory_space<vmem>> -> memref<1x128x128xf32, #tpu.memory_space<vmem>>
        %dma_start3A_35 = tpu.memref_squeeze %dma_start3A_34 : memref<1x128x128xf32, #tpu.memory_space<vmem>> -> memref<128x128xf32, #tpu.memory_space<vmem>>
        %dma_start3A_36 = arith.constant 0 : i32
        %dma_start3A_37 = tpu.memref_slice %arg13[%dma_start3A, %dma_start3A_36] : memref<32x128xi32, #tpu.memory_space<vmem>> -> memref<1x128xi32, #tpu.memory_space<vmem>>
        %dma_start3A_38 = tpu.memref_squeeze %dma_start3A_37 : memref<1x128xi32, #tpu.memory_space<vmem>> -> memref<128xi32, #tpu.memory_space<vmem>>
        %dma_start3A_39 = arith.constant 0 : i32
        %dma_start3A_40 = arith.constant 0 : i32
        %dma_start3A_41 = tpu.memref_slice %arg2[%dma_start3A_39, %dma_start3A_40] : memref<10000x128xf32, #tpu.memory_space<hbm>> -> memref<10000x128xf32, #tpu.memory_space<hbm>>
        tpu.enqueue_indirect_dma source(%dma_start3A_41 : memref<10000x128xf32, #tpu.memory_space<hbm>>) target(%dma_start3A_35 : memref<128x128xf32, #tpu.memory_space<vmem>>) offsets(%dma_start3A_38 : memref<128xi32, #tpu.memory_space<vmem>>) semaphore(%arg16 : memref<!tpu.dma_semaphore, #tpu.memory_space<semaphore_mem>>)
        %dma_start3A_42 = arith.constant 1 : i32
        %dma_start3A_43 = arith.constant 1 : i32
        %dma_start3A_44 = arith.constant 0 : i32
        %dma_start3A_45 = arith.constant 0 : i32
        %dma_start3A_46 = tpu.memref_slice %arg15[%dma_start3A_43, %dma_start3A_44, %dma_start3A_45] : memref<2x128x128xf32, #tpu.memory_space<vmem>> -> memref<1x128x128xf32, #tpu.memory_space<vmem>>
        %dma_start3A_47 = tpu.memref_squeeze %dma_start3A_46 : memref<1x128x128xf32, #tpu.memory_space<vmem>> -> memref<128x128xf32, #tpu.memory_space<vmem>>
        %dma_start3A_48 = arith.constant 0 : i32
        %dma_start3A_49 = tpu.memref_slice %arg13[%dma_start3A_42, %dma_start3A_48] : memref<32x128xi32, #tpu.memory_space<vmem>> -> memref<1x128xi32, #tpu.memory_space<vmem>>
        %dma_start3A_50 = tpu.memref_squeeze %dma_start3A_49 : memref<1x128xi32, #tpu.memory_space<vmem>> -> memref<128xi32, #tpu.memory_space<vmem>>
        %dma_start3A_51 = arith.constant 0 : i32
        %dma_start3A_52 = arith.constant 0 : i32
        %dma_start3A_53 = tpu.memref_slice %arg2[%dma_start3A_51, %dma_start3A_52] : memref<10000x128xf32, #tpu.memory_space<hbm>> -> memref<10000x128xf32, #tpu.memory_space<hbm>>
        tpu.enqueue_indirect_dma source(%dma_start3A_53 : memref<10000x128xf32, #tpu.memory_space<hbm>>) target(%dma_start3A_47 : memref<128x128xf32, #tpu.memory_space<vmem>>) offsets(%dma_start3A_50 : memref<128xi32, #tpu.memory_space<vmem>>) semaphore(%arg17 : memref<!tpu.dma_semaphore, #tpu.memory_space<semaphore_mem>>)
        %scan3A_54 = arith.constant 0 : i32
        %scan3A_55 = arith.constant 0 : i32
        %scan3A_56 = arith.constant 16 : i32
        %scan3A_57 = arith.addi %scan3A_55, %scan3A_56 : i32
        %scan3A_58 = arith.constant 1 : i32
        %scan3A_59 = scf.for %scan3A_62 = %scan3A_55 to %scan3A_57 step %scan3A_58 iter_args(%scan3A_63 = %scan3A_54) -> (i32)  : i32 {
          %mul3A_64 = arith.constant 2 : i32
          %mul3A_65 = arith.muli %scan3A_62, %mul3A_64 : i32
          %add3A_66 = arith.constant 0 : i32
          %add3A_67 = arith.addi %mul3A_65, %add3A_66 : i32
          %dma_wait3A = arith.constant 0 : i32
          %dma_wait3A_68 = arith.constant 0 : i32
          %dma_wait3A_69 = arith.constant 0 : i32
          %dma_wait3A_70 = tpu.memref_slice %arg15[%dma_wait3A, %dma_wait3A_68, %dma_wait3A_69] : memref<2x128x128xf32, #tpu.memory_space<vmem>> -> memref<1x128x128xf32, #tpu.memory_space<vmem>>
          %dma_wait3A_71 = tpu.memref_squeeze %dma_wait3A_70 : memref<1x128x128xf32, #tpu.memory_space<vmem>> -> memref<128x128xf32, #tpu.memory_space<vmem>>
          %dma_wait3A_72 = arith.constant 0 : i32
          %dma_wait3A_73 = tpu.memref_slice %arg13[%add3A_67, %dma_wait3A_72] : memref<32x128xi32, #tpu.memory_space<vmem>> -> memref<1x128xi32, #tpu.memory_space<vmem>>
          %dma_wait3A_74 = tpu.memref_squeeze %dma_wait3A_73 : memref<1x128xi32, #tpu.memory_space<vmem>> -> memref<128xi32, #tpu.memory_space<vmem>>
          %dma_wait3A_75 = arith.constant 0 : i32
          %dma_wait3A_76 = arith.constant 0 : i32
          %dma_wait3A_77 = tpu.memref_slice %arg2[%dma_wait3A_75, %dma_wait3A_76] : memref<10000x128xf32, #tpu.memory_space<hbm>> -> memref<10000x128xf32, #tpu.memory_space<hbm>>
          tpu.wait_indirect_dma semaphore(%arg16 : memref<!tpu.dma_semaphore, #tpu.memory_space<semaphore_mem>>) src(%dma_wait3A_77 : memref<10000x128xf32, #tpu.memory_space<hbm>>) dst(%dma_wait3A_71 : memref<128x128xf32, #tpu.memory_space<vmem>>)
          %run_scoped3A = arith.constant 0 : i32
          "tpu.region"() ({
            %run_scoped3A_108 = tpu.sem_alloc : memref<!tpu.dma_semaphore, #tpu.memory_space<semaphore_mem>>
            %dma_start3A_109 = arith.constant 0 : i32
            %dma_start3A_110 = arith.constant 0 : i32
            %dma_start3A_111 = tpu.memref_slice %arg15[%run_scoped3A, %dma_start3A_109, %dma_start3A_110] : memref<2x128x128xf32, #tpu.memory_space<vmem>> -> memref<1x128x128xf32, #tpu.memory_space<vmem>>
            %dma_start3A_112 = tpu.memref_squeeze %dma_start3A_111 : memref<1x128x128xf32, #tpu.memory_space<vmem>> -> memref<128x128xf32, #tpu.memory_space<vmem>>
            %dma_start3A_113 = arith.constant 0 : i32
            %dma_start3A_114 = tpu.memref_slice %arg14[%add3A_67, %dma_start3A_113] : memref<32x128xi32, #tpu.memory_space<vmem>> -> memref<1x128xi32, #tpu.memory_space<vmem>>
            %dma_start3A_115 = tpu.memref_squeeze %dma_start3A_114 : memref<1x128xi32, #tpu.memory_space<vmem>> -> memref<128xi32, #tpu.memory_space<vmem>>
            %dma_start3A_116 = arith.constant 0 : i32
            %dma_start3A_117 = arith.constant 0 : i32
            %dma_start3A_118 = tpu.memref_slice %arg12[%dma_start3A_116, %dma_start3A_117] : memref<10240x128xf32, #tpu.memory_space<vmem_shared>> -> memref<10240x128xf32, #tpu.memory_space<vmem_shared>>
            tpu.enqueue_indirect_dma source(%dma_start3A_112 : memref<128x128xf32, #tpu.memory_space<vmem>>) target(%dma_start3A_118 : memref<10240x128xf32, #tpu.memory_space<vmem_shared>>) offsets(%dma_start3A_115 : memref<128xi32, #tpu.memory_space<vmem>>) semaphore(%run_scoped3A_108 : memref<!tpu.dma_semaphore, #tpu.memory_space<semaphore_mem>>) {add = true}
            %dma_wait3A_119 = arith.constant 0 : i32
            %dma_wait3A_120 = arith.constant 0 : i32
            %dma_wait3A_121 = tpu.memref_slice %arg15[%run_scoped3A, %dma_wait3A_119, %dma_wait3A_120] : memref<2x128x128xf32, #tpu.memory_space<vmem>> -> memref<1x128x128xf32, #tpu.memory_space<vmem>>
            %dma_wait3A_122 = tpu.memref_squeeze %dma_wait3A_121 : memref<1x128x128xf32, #tpu.memory_space<vmem>> -> memref<128x128xf32, #tpu.memory_space<vmem>>
            %dma_wait3A_123 = arith.constant 0 : i32
            %dma_wait3A_124 = tpu.memref_slice %arg14[%add3A_67, %dma_wait3A_123] : memref<32x128xi32, #tpu.memory_space<vmem>> -> memref<1x128xi32, #tpu.memory_space<vmem>>
            %dma_wait3A_125 = tpu.memref_squeeze %dma_wait3A_124 : memref<1x128xi32, #tpu.memory_space<vmem>> -> memref<128xi32, #tpu.memory_space<vmem>>
            %dma_wait3A_126 = arith.constant 0 : i32
            %dma_wait3A_127 = arith.constant 0 : i32
            %dma_wait3A_128 = tpu.memref_slice %arg12[%dma_wait3A_126, %dma_wait3A_127] : memref<10240x128xf32, #tpu.memory_space<vmem_shared>> -> memref<10240x128xf32, #tpu.memory_space<vmem_shared>>
            tpu.wait_indirect_dma semaphore(%run_scoped3A_108 : memref<!tpu.dma_semaphore, #tpu.memory_space<semaphore_mem>>) src(%dma_wait3A_122 : memref<128x128xf32, #tpu.memory_space<vmem>>) dst(%dma_wait3A_128 : memref<10240x128xf32, #tpu.memory_space<vmem_shared>>)
            tpu.yield
          }) : () -> ()
          %add3A_78 = arith.constant 2 : i32
          %add3A_79 = arith.addi %add3A_67, %add3A_78 : i32
          %lt3A = arith.constant 32 : i32
          %lt3A_80 = arith.cmpi slt, %add3A_79, %lt3A : i32
          %convert_element_type3A_81 = arith.extui %lt3A_80 : i1 to i32
          %cond3A_82 = arith.constant 0 : i32
          %cond3A_83 = arith.cmpi ne, %convert_element_type3A_81, %cond3A_82 : i32
          scf.if %cond3A_83 {
            %add3A_108 = arith.constant 2 : i32
            %add3A_109 = arith.addi %add3A_67, %add3A_108 : i32
            %dma_start3A_110 = arith.constant 0 : i32
            %dma_start3A_111 = arith.constant 0 : i32
            %dma_start3A_112 = arith.constant 0 : i32
            %dma_start3A_113 = tpu.memref_slice %arg15[%dma_start3A_110, %dma_start3A_111, %dma_start3A_112] : memref<2x128x128xf32, #tpu.memory_space<vmem>> -> memref<1x128x128xf32, #tpu.memory_space<vmem>>
            %dma_start3A_114 = tpu.memref_squeeze %dma_start3A_113 : memref<1x128x128xf32, #tpu.memory_space<vmem>> -> memref<128x128xf32, #tpu.memory_space<vmem>>
            %dma_start3A_115 = arith.constant 0 : i32
            %dma_start3A_116 = tpu.memref_slice %arg13[%add3A_109, %dma_start3A_115] : memref<32x128xi32, #tpu.memory_space<vmem>> -> memref<1x128xi32, #tpu.memory_space<vmem>>
            %dma_start3A_117 = tpu.memref_squeeze %dma_start3A_116 : memref<1x128xi32, #tpu.memory_space<vmem>> -> memref<128xi32, #tpu.memory_space<vmem>>
            %dma_start3A_118 = arith.constant 0 : i32
            %dma_start3A_119 = arith.constant 0 : i32
            %dma_start3A_120 = tpu.memref_slice %arg2[%dma_start3A_118, %dma_start3A_119] : memref<10000x128xf32, #tpu.memory_space<hbm>> -> memref<10000x128xf32, #tpu.memory_space<hbm>>
            tpu.enqueue_indirect_dma source(%dma_start3A_120 : memref<10000x128xf32, #tpu.memory_space<hbm>>) target(%dma_start3A_114 : memref<128x128xf32, #tpu.memory_space<vmem>>) offsets(%dma_start3A_117 : memref<128xi32, #tpu.memory_space<vmem>>) semaphore(%arg16 : memref<!tpu.dma_semaphore, #tpu.memory_space<semaphore_mem>>)
          } else {
          }
          %mul3A_84 = arith.constant 2 : i32
          %mul3A_85 = arith.muli %scan3A_62, %mul3A_84 : i32
          %add3A_86 = arith.constant 1 : i32
          %add3A_87 = arith.addi %mul3A_85, %add3A_86 : i32
          %dma_wait3A_88 = arith.constant 1 : i32
          %dma_wait3A_89 = arith.constant 0 : i32
          %dma_wait3A_90 = arith.constant 0 : i32
          %dma_wait3A_91 = tpu.memref_slice %arg15[%dma_wait3A_88, %dma_wait3A_89, %dma_wait3A_90] : memref<2x128x128xf32, #tpu.memory_space<vmem>> -> memref<1x128x128xf32, #tpu.memory_space<vmem>>
          %dma_wait3A_92 = tpu.memref_squeeze %dma_wait3A_91 : memref<1x128x128xf32, #tpu.memory_space<vmem>> -> memref<128x128xf32, #tpu.memory_space<vmem>>
          %dma_wait3A_93 = arith.constant 0 : i32
          %dma_wait3A_94 = tpu.memref_slice %arg13[%add3A_87, %dma_wait3A_93] : memref<32x128xi32, #tpu.memory_space<vmem>> -> memref<1x128xi32, #tpu.memory_space<vmem>>
          %dma_wait3A_95 = tpu.memref_squeeze %dma_wait3A_94 : memref<1x128xi32, #tpu.memory_space<vmem>> -> memref<128xi32, #tpu.memory_space<vmem>>
          %dma_wait3A_96 = arith.constant 0 : i32
          %dma_wait3A_97 = arith.constant 0 : i32
          %dma_wait3A_98 = tpu.memref_slice %arg2[%dma_wait3A_96, %dma_wait3A_97] : memref<10000x128xf32, #tpu.memory_space<hbm>> -> memref<10000x128xf32, #tpu.memory_space<hbm>>
          tpu.wait_indirect_dma semaphore(%arg17 : memref<!tpu.dma_semaphore, #tpu.memory_space<semaphore_mem>>) src(%dma_wait3A_98 : memref<10000x128xf32, #tpu.memory_space<hbm>>) dst(%dma_wait3A_92 : memref<128x128xf32, #tpu.memory_space<vmem>>)
          %run_scoped3A_99 = arith.constant 1 : i32
          "tpu.region"() ({
            %run_scoped3A_108 = tpu.sem_alloc : memref<!tpu.dma_semaphore, #tpu.memory_space<semaphore_mem>>
            %dma_start3A_109 = arith.constant 0 : i32
            %dma_start3A_110 = arith.constant 0 : i32
            %dma_start3A_111 = tpu.memref_slice %arg15[%run_scoped3A_99, %dma_start3A_109, %dma_start3A_110] : memref<2x128x128xf32, #tpu.memory_space<vmem>> -> memref<1x128x128xf32, #tpu.memory_space<vmem>>
            %dma_start3A_112 = tpu.memref_squeeze %dma_start3A_111 : memref<1x128x128xf32, #tpu.memory_space<vmem>> -> memref<128x128xf32, #tpu.memory_space<vmem>>
            %dma_start3A_113 = arith.constant 0 : i32
            %dma_start3A_114 = tpu.memref_slice %arg14[%add3A_87, %dma_start3A_113] : memref<32x128xi32, #tpu.memory_space<vmem>> -> memref<1x128xi32, #tpu.memory_space<vmem>>
            %dma_start3A_115 = tpu.memref_squeeze %dma_start3A_114 : memref<1x128xi32, #tpu.memory_space<vmem>> -> memref<128xi32, #tpu.memory_space<vmem>>
            %dma_start3A_116 = arith.constant 0 : i32
            %dma_start3A_117 = arith.constant 0 : i32
            %dma_start3A_118 = tpu.memref_slice %arg12[%dma_start3A_116, %dma_start3A_117] : memref<10240x128xf32, #tpu.memory_space<vmem_shared>> -> memref<10240x128xf32, #tpu.memory_space<vmem_shared>>
            tpu.enqueue_indirect_dma source(%dma_start3A_112 : memref<128x128xf32, #tpu.memory_space<vmem>>) target(%dma_start3A_118 : memref<10240x128xf32, #tpu.memory_space<vmem_shared>>) offsets(%dma_start3A_115 : memref<128xi32, #tpu.memory_space<vmem>>) semaphore(%run_scoped3A_108 : memref<!tpu.dma_semaphore, #tpu.memory_space<semaphore_mem>>) {add = true}
            %dma_wait3A_119 = arith.constant 0 : i32
            %dma_wait3A_120 = arith.constant 0 : i32
            %dma_wait3A_121 = tpu.memref_slice %arg15[%run_scoped3A_99, %dma_wait3A_119, %dma_wait3A_120] : memref<2x128x128xf32, #tpu.memory_space<vmem>> -> memref<1x128x128xf32, #tpu.memory_space<vmem>>
            %dma_wait3A_122 = tpu.memref_squeeze %dma_wait3A_121 : memref<1x128x128xf32, #tpu.memory_space<vmem>> -> memref<128x128xf32, #tpu.memory_space<vmem>>
            %dma_wait3A_123 = arith.constant 0 : i32
            %dma_wait3A_124 = tpu.memref_slice %arg14[%add3A_87, %dma_wait3A_123] : memref<32x128xi32, #tpu.memory_space<vmem>> -> memref<1x128xi32, #tpu.memory_space<vmem>>
            %dma_wait3A_125 = tpu.memref_squeeze %dma_wait3A_124 : memref<1x128xi32, #tpu.memory_space<vmem>> -> memref<128xi32, #tpu.memory_space<vmem>>
            %dma_wait3A_126 = arith.constant 0 : i32
            %dma_wait3A_127 = arith.constant 0 : i32
            %dma_wait3A_128 = tpu.memref_slice %arg12[%dma_wait3A_126, %dma_wait3A_127] : memref<10240x128xf32, #tpu.memory_space<vmem_shared>> -> memref<10240x128xf32, #tpu.memory_space<vmem_shared>>
            tpu.wait_indirect_dma semaphore(%run_scoped3A_108 : memref<!tpu.dma_semaphore, #tpu.memory_space<semaphore_mem>>) src(%dma_wait3A_122 : memref<128x128xf32, #tpu.memory_space<vmem>>) dst(%dma_wait3A_128 : memref<10240x128xf32, #tpu.memory_space<vmem_shared>>)
            tpu.yield
          }) : () -> ()
          %add3A_100 = arith.constant 2 : i32
          %add3A_101 = arith.addi %add3A_87, %add3A_100 : i32
          %lt3A_102 = arith.constant 32 : i32
          %lt3A_103 = arith.cmpi slt, %add3A_101, %lt3A_102 : i32
          %convert_element_type3A_104 = arith.extui %lt3A_103 : i1 to i32
          %cond3A_105 = arith.constant 0 : i32
          %cond3A_106 = arith.cmpi ne, %convert_element_type3A_104, %cond3A_105 : i32
          scf.if %cond3A_106 {
            %add3A_108 = arith.constant 2 : i32
            %add3A_109 = arith.addi %add3A_87, %add3A_108 : i32
            %dma_start3A_110 = arith.constant 1 : i32
            %dma_start3A_111 = arith.constant 0 : i32
            %dma_start3A_112 = arith.constant 0 : i32
            %dma_start3A_113 = tpu.memref_slice %arg15[%dma_start3A_110, %dma_start3A_111, %dma_start3A_112] : memref<2x128x128xf32, #tpu.memory_space<vmem>> -> memref<1x128x128xf32, #tpu.memory_space<vmem>>
            %dma_start3A_114 = tpu.memref_squeeze %dma_start3A_113 : memref<1x128x128xf32, #tpu.memory_space<vmem>> -> memref<128x128xf32, #tpu.memory_space<vmem>>
            %dma_start3A_115 = arith.constant 0 : i32
            %dma_start3A_116 = tpu.memref_slice %arg13[%add3A_109, %dma_start3A_115] : memref<32x128xi32, #tpu.memory_space<vmem>> -> memref<1x128xi32, #tpu.memory_space<vmem>>
            %dma_start3A_117 = tpu.memref_squeeze %dma_start3A_116 : memref<1x128xi32, #tpu.memory_space<vmem>> -> memref<128xi32, #tpu.memory_space<vmem>>
            %dma_start3A_118 = arith.constant 0 : i32
            %dma_start3A_119 = arith.constant 0 : i32
            %dma_start3A_120 = tpu.memref_slice %arg2[%dma_start3A_118, %dma_start3A_119] : memref<10000x128xf32, #tpu.memory_space<hbm>> -> memref<10000x128xf32, #tpu.memory_space<hbm>>
            tpu.enqueue_indirect_dma source(%dma_start3A_120 : memref<10000x128xf32, #tpu.memory_space<hbm>>) target(%dma_start3A_114 : memref<128x128xf32, #tpu.memory_space<vmem>>) offsets(%dma_start3A_117 : memref<128xi32, #tpu.memory_space<vmem>>) semaphore(%arg17 : memref<!tpu.dma_semaphore, #tpu.memory_space<semaphore_mem>>)
          } else {
          }
          %scan3A_107 = arith.constant 0 : i32
          scf.yield %scan3A_107 : i32
        }
        %scan3A_60 = arith.constant 16 : i32
        %scan3A_61 = arith.constant 0 : i32
        scf.yield %scan3A_61 : i32
      }
      %scan3A_26 = arith.constant 5 : i32
    } else {
    }
    %eq3A_3 = arith.constant 1 : i32
    %eq3A_4 = arith.cmpi eq, %arg0, %eq3A_3 : i32
    %convert_element_type3A_5 = arith.extui %eq3A_4 : i1 to i32
    %cond3A_6 = arith.constant 0 : i32
    %cond3A_7 = arith.cmpi ne, %convert_element_type3A_5, %cond3A_6 : i32
    scf.if %cond3A_7 {
      %mul3A_19 = arith.constant 160 : i32
      %mul3A_20 = arith.muli %arg1, %mul3A_19 : i32
      %scan3A = arith.constant 0 : i32
      %scan3A_21 = arith.constant 0 : i32
      %scan3A_22 = arith.constant 5 : i32
      %scan3A_23 = arith.addi %scan3A_21, %scan3A_22 : i32
      %scan3A_24 = arith.constant 1 : i32
      %scan3A_25 = scf.for %scan3A_27 = %scan3A_21 to %scan3A_23 step %scan3A_24 iter_args(%scan3A_28 = %scan3A) -> (i32)  : i32 {
        %mul3A_29 = arith.constant 32 : i32
        %mul3A_30 = arith.muli %scan3A_27, %mul3A_29 : i32
        %add3A = arith.addi %mul3A_20, %mul3A_30 : i32
        "tpu.region"() ({
          %run_scoped3A = tpu.sem_alloc : memref<!tpu.dma_semaphore, #tpu.memory_space<semaphore_mem>>
          %dma_start3A_62 = arith.constant 0 : i32
          %dma_start3A_63 = tpu.memref_slice %arg6[%add3A, %dma_start3A_62] : memref<2560x128xi32, #tpu.memory_space<hbm>> -> memref<32x128xi32, #tpu.memory_space<hbm>>
          %dma_start3A_64 = arith.constant 0 : i32
          %dma_start3A_65 = tpu.memref_slice %arg6[%add3A, %dma_start3A_64] : memref<2560x128xi32, #tpu.memory_space<hbm>> -> memref<32x128xi32, #tpu.memory_space<hbm>>
          tpu.enqueue_dma source(%dma_start3A_65 : memref<32x128xi32, #tpu.memory_space<hbm>>) target(%arg13 : memref<32x128xi32, #tpu.memory_space<vmem>>) target_semaphore(%run_scoped3A : memref<!tpu.dma_semaphore, #tpu.memory_space<semaphore_mem>>)
          %dma_wait3A = arith.constant 0 : i32
          %dma_wait3A_66 = tpu.memref_slice %arg6[%add3A, %dma_wait3A] : memref<2560x128xi32, #tpu.memory_space<hbm>> -> memref<32x128xi32, #tpu.memory_space<hbm>>
          %dma_wait3A_67 = arith.constant 0 : i32
          %dma_wait3A_68 = tpu.memref_slice %arg6[%add3A, %dma_wait3A_67] : memref<2560x128xi32, #tpu.memory_space<hbm>> -> memref<32x128xi32, #tpu.memory_space<hbm>>
          tpu.wait_dma2 semaphore(%run_scoped3A : memref<!tpu.dma_semaphore, #tpu.memory_space<semaphore_mem>>) src(%dma_wait3A_68 : memref<32x128xi32, #tpu.memory_space<hbm>>) dst(%arg13 : memref<32x128xi32, #tpu.memory_space<vmem>>)
          tpu.yield
        }) : () -> ()
        "tpu.region"() ({
          %run_scoped3A = tpu.sem_alloc : memref<!tpu.dma_semaphore, #tpu.memory_space<semaphore_mem>>
          %dma_start3A_62 = arith.constant 0 : i32
          %dma_start3A_63 = tpu.memref_slice %arg7[%add3A, %dma_start3A_62] : memref<2560x128xi32, #tpu.memory_space<hbm>> -> memref<32x128xi32, #tpu.memory_space<hbm>>
          %dma_start3A_64 = arith.constant 0 : i32
          %dma_start3A_65 = tpu.memref_slice %arg7[%add3A, %dma_start3A_64] : memref<2560x128xi32, #tpu.memory_space<hbm>> -> memref<32x128xi32, #tpu.memory_space<hbm>>
          tpu.enqueue_dma source(%dma_start3A_65 : memref<32x128xi32, #tpu.memory_space<hbm>>) target(%arg14 : memref<32x128xi32, #tpu.memory_space<vmem>>) target_semaphore(%run_scoped3A : memref<!tpu.dma_semaphore, #tpu.memory_space<semaphore_mem>>)
          %dma_wait3A = arith.constant 0 : i32
          %dma_wait3A_66 = tpu.memref_slice %arg7[%add3A, %dma_wait3A] : memref<2560x128xi32, #tpu.memory_space<hbm>> -> memref<32x128xi32, #tpu.memory_space<hbm>>
          %dma_wait3A_67 = arith.constant 0 : i32
          %dma_wait3A_68 = tpu.memref_slice %arg7[%add3A, %dma_wait3A_67] : memref<2560x128xi32, #tpu.memory_space<hbm>> -> memref<32x128xi32, #tpu.memory_space<hbm>>
          tpu.wait_dma2 semaphore(%run_scoped3A : memref<!tpu.dma_semaphore, #tpu.memory_space<semaphore_mem>>) src(%dma_wait3A_68 : memref<32x128xi32, #tpu.memory_space<hbm>>) dst(%arg14 : memref<32x128xi32, #tpu.memory_space<vmem>>)
          tpu.yield
        }) : () -> ()
        %dma_start3A = arith.constant 0 : i32
        %dma_start3A_31 = arith.constant 0 : i32
        %dma_start3A_32 = arith.constant 0 : i32
        %dma_start3A_33 = arith.constant 0 : i32
        %dma_start3A_34 = tpu.memref_slice %arg15[%dma_start3A_31, %dma_start3A_32, %dma_start3A_33] : memref<2x128x128xf32, #tpu.memory_space<vmem>> -> memref<1x128x128xf32, #tpu.memory_space<vmem>>
        %dma_start3A_35 = tpu.memref_squeeze %dma_start3A_34 : memref<1x128x128xf32, #tpu.memory_space<vmem>> -> memref<128x128xf32, #tpu.memory_space<vmem>>
        %dma_start3A_36 = arith.constant 0 : i32
        %dma_start3A_37 = tpu.memref_slice %arg13[%dma_start3A, %dma_start3A_36] : memref<32x128xi32, #tpu.memory_space<vmem>> -> memref<1x128xi32, #tpu.memory_space<vmem>>
        %dma_start3A_38 = tpu.memref_squeeze %dma_start3A_37 : memref<1x128xi32, #tpu.memory_space<vmem>> -> memref<128xi32, #tpu.memory_space<vmem>>
        %dma_start3A_39 = arith.constant 0 : i32
        %dma_start3A_40 = arith.constant 0 : i32
        %dma_start3A_41 = tpu.memref_slice %arg3[%dma_start3A_39, %dma_start3A_40] : memref<10000x128xf32, #tpu.memory_space<hbm>> -> memref<10000x128xf32, #tpu.memory_space<hbm>>
        tpu.enqueue_indirect_dma source(%dma_start3A_41 : memref<10000x128xf32, #tpu.memory_space<hbm>>) target(%dma_start3A_35 : memref<128x128xf32, #tpu.memory_space<vmem>>) offsets(%dma_start3A_38 : memref<128xi32, #tpu.memory_space<vmem>>) semaphore(%arg16 : memref<!tpu.dma_semaphore, #tpu.memory_space<semaphore_mem>>)
        %dma_start3A_42 = arith.constant 1 : i32
        %dma_start3A_43 = arith.constant 1 : i32
        %dma_start3A_44 = arith.constant 0 : i32
        %dma_start3A_45 = arith.constant 0 : i32
        %dma_start3A_46 = tpu.memref_slice %arg15[%dma_start3A_43, %dma_start3A_44, %dma_start3A_45] : memref<2x128x128xf32, #tpu.memory_space<vmem>> -> memref<1x128x128xf32, #tpu.memory_space<vmem>>
        %dma_start3A_47 = tpu.memref_squeeze %dma_start3A_46 : memref<1x128x128xf32, #tpu.memory_space<vmem>> -> memref<128x128xf32, #tpu.memory_space<vmem>>
        %dma_start3A_48 = arith.constant 0 : i32
        %dma_start3A_49 = tpu.memref_slice %arg13[%dma_start3A_42, %dma_start3A_48] : memref<32x128xi32, #tpu.memory_space<vmem>> -> memref<1x128xi32, #tpu.memory_space<vmem>>
        %dma_start3A_50 = tpu.memref_squeeze %dma_start3A_49 : memref<1x128xi32, #tpu.memory_space<vmem>> -> memref<128xi32, #tpu.memory_space<vmem>>
        %dma_start3A_51 = arith.constant 0 : i32
        %dma_start3A_52 = arith.constant 0 : i32
        %dma_start3A_53 = tpu.memref_slice %arg3[%dma_start3A_51, %dma_start3A_52] : memref<10000x128xf32, #tpu.memory_space<hbm>> -> memref<10000x128xf32, #tpu.memory_space<hbm>>
        tpu.enqueue_indirect_dma source(%dma_start3A_53 : memref<10000x128xf32, #tpu.memory_space<hbm>>) target(%dma_start3A_47 : memref<128x128xf32, #tpu.memory_space<vmem>>) offsets(%dma_start3A_50 : memref<128xi32, #tpu.memory_space<vmem>>) semaphore(%arg17 : memref<!tpu.dma_semaphore, #tpu.memory_space<semaphore_mem>>)
        %scan3A_54 = arith.constant 0 : i32
        %scan3A_55 = arith.constant 0 : i32
        %scan3A_56 = arith.constant 16 : i32
        %scan3A_57 = arith.addi %scan3A_55, %scan3A_56 : i32
        %scan3A_58 = arith.constant 1 : i32
        %scan3A_59 = scf.for %scan3A_62 = %scan3A_55 to %scan3A_57 step %scan3A_58 iter_args(%scan3A_63 = %scan3A_54) -> (i32)  : i32 {
          %mul3A_64 = arith.constant 2 : i32
          %mul3A_65 = arith.muli %scan3A_62, %mul3A_64 : i32
          %add3A_66 = arith.constant 0 : i32
          %add3A_67 = arith.addi %mul3A_65, %add3A_66 : i32
          %dma_wait3A = arith.constant 0 : i32
          %dma_wait3A_68 = arith.constant 0 : i32
          %dma_wait3A_69 = arith.constant 0 : i32
          %dma_wait3A_70 = tpu.memref_slice %arg15[%dma_wait3A, %dma_wait3A_68, %dma_wait3A_69] : memref<2x128x128xf32, #tpu.memory_space<vmem>> -> memref<1x128x128xf32, #tpu.memory_space<vmem>>
          %dma_wait3A_71 = tpu.memref_squeeze %dma_wait3A_70 : memref<1x128x128xf32, #tpu.memory_space<vmem>> -> memref<128x128xf32, #tpu.memory_space<vmem>>
          %dma_wait3A_72 = arith.constant 0 : i32
          %dma_wait3A_73 = tpu.memref_slice %arg13[%add3A_67, %dma_wait3A_72] : memref<32x128xi32, #tpu.memory_space<vmem>> -> memref<1x128xi32, #tpu.memory_space<vmem>>
          %dma_wait3A_74 = tpu.memref_squeeze %dma_wait3A_73 : memref<1x128xi32, #tpu.memory_space<vmem>> -> memref<128xi32, #tpu.memory_space<vmem>>
          %dma_wait3A_75 = arith.constant 0 : i32
          %dma_wait3A_76 = arith.constant 0 : i32
          %dma_wait3A_77 = tpu.memref_slice %arg3[%dma_wait3A_75, %dma_wait3A_76] : memref<10000x128xf32, #tpu.memory_space<hbm>> -> memref<10000x128xf32, #tpu.memory_space<hbm>>
          tpu.wait_indirect_dma semaphore(%arg16 : memref<!tpu.dma_semaphore, #tpu.memory_space<semaphore_mem>>) src(%dma_wait3A_77 : memref<10000x128xf32, #tpu.memory_space<hbm>>) dst(%dma_wait3A_71 : memref<128x128xf32, #tpu.memory_space<vmem>>)
          %run_scoped3A = arith.constant 0 : i32
          "tpu.region"() ({
            %run_scoped3A_108 = tpu.sem_alloc : memref<!tpu.dma_semaphore, #tpu.memory_space<semaphore_mem>>
            %dma_start3A_109 = arith.constant 0 : i32
            %dma_start3A_110 = arith.constant 0 : i32
            %dma_start3A_111 = tpu.memref_slice %arg15[%run_scoped3A, %dma_start3A_109, %dma_start3A_110] : memref<2x128x128xf32, #tpu.memory_space<vmem>> -> memref<1x128x128xf32, #tpu.memory_space<vmem>>
            %dma_start3A_112 = tpu.memref_squeeze %dma_start3A_111 : memref<1x128x128xf32, #tpu.memory_space<vmem>> -> memref<128x128xf32, #tpu.memory_space<vmem>>
            %dma_start3A_113 = arith.constant 0 : i32
            %dma_start3A_114 = tpu.memref_slice %arg14[%add3A_67, %dma_start3A_113] : memref<32x128xi32, #tpu.memory_space<vmem>> -> memref<1x128xi32, #tpu.memory_space<vmem>>
            %dma_start3A_115 = tpu.memref_squeeze %dma_start3A_114 : memref<1x128xi32, #tpu.memory_space<vmem>> -> memref<128xi32, #tpu.memory_space<vmem>>
            %dma_start3A_116 = arith.constant 0 : i32
            %dma_start3A_117 = arith.constant 0 : i32
            %dma_start3A_118 = tpu.memref_slice %arg12[%dma_start3A_116, %dma_start3A_117] : memref<10240x128xf32, #tpu.memory_space<vmem_shared>> -> memref<10240x128xf32, #tpu.memory_space<vmem_shared>>
            tpu.enqueue_indirect_dma source(%dma_start3A_112 : memref<128x128xf32, #tpu.memory_space<vmem>>) target(%dma_start3A_118 : memref<10240x128xf32, #tpu.memory_space<vmem_shared>>) offsets(%dma_start3A_115 : memref<128xi32, #tpu.memory_space<vmem>>) semaphore(%run_scoped3A_108 : memref<!tpu.dma_semaphore, #tpu.memory_space<semaphore_mem>>) {add = true}
            %dma_wait3A_119 = arith.constant 0 : i32
            %dma_wait3A_120 = arith.constant 0 : i32
            %dma_wait3A_121 = tpu.memref_slice %arg15[%run_scoped3A, %dma_wait3A_119, %dma_wait3A_120] : memref<2x128x128xf32, #tpu.memory_space<vmem>> -> memref<1x128x128xf32, #tpu.memory_space<vmem>>
            %dma_wait3A_122 = tpu.memref_squeeze %dma_wait3A_121 : memref<1x128x128xf32, #tpu.memory_space<vmem>> -> memref<128x128xf32, #tpu.memory_space<vmem>>
            %dma_wait3A_123 = arith.constant 0 : i32
            %dma_wait3A_124 = tpu.memref_slice %arg14[%add3A_67, %dma_wait3A_123] : memref<32x128xi32, #tpu.memory_space<vmem>> -> memref<1x128xi32, #tpu.memory_space<vmem>>
            %dma_wait3A_125 = tpu.memref_squeeze %dma_wait3A_124 : memref<1x128xi32, #tpu.memory_space<vmem>> -> memref<128xi32, #tpu.memory_space<vmem>>
            %dma_wait3A_126 = arith.constant 0 : i32
            %dma_wait3A_127 = arith.constant 0 : i32
            %dma_wait3A_128 = tpu.memref_slice %arg12[%dma_wait3A_126, %dma_wait3A_127] : memref<10240x128xf32, #tpu.memory_space<vmem_shared>> -> memref<10240x128xf32, #tpu.memory_space<vmem_shared>>
            tpu.wait_indirect_dma semaphore(%run_scoped3A_108 : memref<!tpu.dma_semaphore, #tpu.memory_space<semaphore_mem>>) src(%dma_wait3A_122 : memref<128x128xf32, #tpu.memory_space<vmem>>) dst(%dma_wait3A_128 : memref<10240x128xf32, #tpu.memory_space<vmem_shared>>)
            tpu.yield
          }) : () -> ()
          %add3A_78 = arith.constant 2 : i32
          %add3A_79 = arith.addi %add3A_67, %add3A_78 : i32
          %lt3A = arith.constant 32 : i32
          %lt3A_80 = arith.cmpi slt, %add3A_79, %lt3A : i32
          %convert_element_type3A_81 = arith.extui %lt3A_80 : i1 to i32
          %cond3A_82 = arith.constant 0 : i32
          %cond3A_83 = arith.cmpi ne, %convert_element_type3A_81, %cond3A_82 : i32
          scf.if %cond3A_83 {
            %add3A_108 = arith.constant 2 : i32
            %add3A_109 = arith.addi %add3A_67, %add3A_108 : i32
            %dma_start3A_110 = arith.constant 0 : i32
            %dma_start3A_111 = arith.constant 0 : i32
            %dma_start3A_112 = arith.constant 0 : i32
            %dma_start3A_113 = tpu.memref_slice %arg15[%dma_start3A_110, %dma_start3A_111, %dma_start3A_112] : memref<2x128x128xf32, #tpu.memory_space<vmem>> -> memref<1x128x128xf32, #tpu.memory_space<vmem>>
            %dma_start3A_114 = tpu.memref_squeeze %dma_start3A_113 : memref<1x128x128xf32, #tpu.memory_space<vmem>> -> memref<128x128xf32, #tpu.memory_space<vmem>>
            %dma_start3A_115 = arith.constant 0 : i32
            %dma_start3A_116 = tpu.memref_slice %arg13[%add3A_109, %dma_start3A_115] : memref<32x128xi32, #tpu.memory_space<vmem>> -> memref<1x128xi32, #tpu.memory_space<vmem>>
            %dma_start3A_117 = tpu.memref_squeeze %dma_start3A_116 : memref<1x128xi32, #tpu.memory_space<vmem>> -> memref<128xi32, #tpu.memory_space<vmem>>
            %dma_start3A_118 = arith.constant 0 : i32
            %dma_start3A_119 = arith.constant 0 : i32
            %dma_start3A_120 = tpu.memref_slice %arg3[%dma_start3A_118, %dma_start3A_119] : memref<10000x128xf32, #tpu.memory_space<hbm>> -> memref<10000x128xf32, #tpu.memory_space<hbm>>
            tpu.enqueue_indirect_dma source(%dma_start3A_120 : memref<10000x128xf32, #tpu.memory_space<hbm>>) target(%dma_start3A_114 : memref<128x128xf32, #tpu.memory_space<vmem>>) offsets(%dma_start3A_117 : memref<128xi32, #tpu.memory_space<vmem>>) semaphore(%arg16 : memref<!tpu.dma_semaphore, #tpu.memory_space<semaphore_mem>>)
          } else {
          }
          %mul3A_84 = arith.constant 2 : i32
          %mul3A_85 = arith.muli %scan3A_62, %mul3A_84 : i32
          %add3A_86 = arith.constant 1 : i32
          %add3A_87 = arith.addi %mul3A_85, %add3A_86 : i32
          %dma_wait3A_88 = arith.constant 1 : i32
          %dma_wait3A_89 = arith.constant 0 : i32
          %dma_wait3A_90 = arith.constant 0 : i32
          %dma_wait3A_91 = tpu.memref_slice %arg15[%dma_wait3A_88, %dma_wait3A_89, %dma_wait3A_90] : memref<2x128x128xf32, #tpu.memory_space<vmem>> -> memref<1x128x128xf32, #tpu.memory_space<vmem>>
          %dma_wait3A_92 = tpu.memref_squeeze %dma_wait3A_91 : memref<1x128x128xf32, #tpu.memory_space<vmem>> -> memref<128x128xf32, #tpu.memory_space<vmem>>
          %dma_wait3A_93 = arith.constant 0 : i32
          %dma_wait3A_94 = tpu.memref_slice %arg13[%add3A_87, %dma_wait3A_93] : memref<32x128xi32, #tpu.memory_space<vmem>> -> memref<1x128xi32, #tpu.memory_space<vmem>>
          %dma_wait3A_95 = tpu.memref_squeeze %dma_wait3A_94 : memref<1x128xi32, #tpu.memory_space<vmem>> -> memref<128xi32, #tpu.memory_space<vmem>>
          %dma_wait3A_96 = arith.constant 0 : i32
          %dma_wait3A_97 = arith.constant 0 : i32
          %dma_wait3A_98 = tpu.memref_slice %arg3[%dma_wait3A_96, %dma_wait3A_97] : memref<10000x128xf32, #tpu.memory_space<hbm>> -> memref<10000x128xf32, #tpu.memory_space<hbm>>
          tpu.wait_indirect_dma semaphore(%arg17 : memref<!tpu.dma_semaphore, #tpu.memory_space<semaphore_mem>>) src(%dma_wait3A_98 : memref<10000x128xf32, #tpu.memory_space<hbm>>) dst(%dma_wait3A_92 : memref<128x128xf32, #tpu.memory_space<vmem>>)
          %run_scoped3A_99 = arith.constant 1 : i32
          "tpu.region"() ({
            %run_scoped3A_108 = tpu.sem_alloc : memref<!tpu.dma_semaphore, #tpu.memory_space<semaphore_mem>>
            %dma_start3A_109 = arith.constant 0 : i32
            %dma_start3A_110 = arith.constant 0 : i32
            %dma_start3A_111 = tpu.memref_slice %arg15[%run_scoped3A_99, %dma_start3A_109, %dma_start3A_110] : memref<2x128x128xf32, #tpu.memory_space<vmem>> -> memref<1x128x128xf32, #tpu.memory_space<vmem>>
            %dma_start3A_112 = tpu.memref_squeeze %dma_start3A_111 : memref<1x128x128xf32, #tpu.memory_space<vmem>> -> memref<128x128xf32, #tpu.memory_space<vmem>>
            %dma_start3A_113 = arith.constant 0 : i32
            %dma_start3A_114 = tpu.memref_slice %arg14[%add3A_87, %dma_start3A_113] : memref<32x128xi32, #tpu.memory_space<vmem>> -> memref<1x128xi32, #tpu.memory_space<vmem>>
            %dma_start3A_115 = tpu.memref_squeeze %dma_start3A_114 : memref<1x128xi32, #tpu.memory_space<vmem>> -> memref<128xi32, #tpu.memory_space<vmem>>
            %dma_start3A_116 = arith.constant 0 : i32
            %dma_start3A_117 = arith.constant 0 : i32
            %dma_start3A_118 = tpu.memref_slice %arg12[%dma_start3A_116, %dma_start3A_117] : memref<10240x128xf32, #tpu.memory_space<vmem_shared>> -> memref<10240x128xf32, #tpu.memory_space<vmem_shared>>
            tpu.enqueue_indirect_dma source(%dma_start3A_112 : memref<128x128xf32, #tpu.memory_space<vmem>>) target(%dma_start3A_118 : memref<10240x128xf32, #tpu.memory_space<vmem_shared>>) offsets(%dma_start3A_115 : memref<128xi32, #tpu.memory_space<vmem>>) semaphore(%run_scoped3A_108 : memref<!tpu.dma_semaphore, #tpu.memory_space<semaphore_mem>>) {add = true}
            %dma_wait3A_119 = arith.constant 0 : i32
            %dma_wait3A_120 = arith.constant 0 : i32
            %dma_wait3A_121 = tpu.memref_slice %arg15[%run_scoped3A_99, %dma_wait3A_119, %dma_wait3A_120] : memref<2x128x128xf32, #tpu.memory_space<vmem>> -> memref<1x128x128xf32, #tpu.memory_space<vmem>>
            %dma_wait3A_122 = tpu.memref_squeeze %dma_wait3A_121 : memref<1x128x128xf32, #tpu.memory_space<vmem>> -> memref<128x128xf32, #tpu.memory_space<vmem>>
            %dma_wait3A_123 = arith.constant 0 : i32
            %dma_wait3A_124 = tpu.memref_slice %arg14[%add3A_87, %dma_wait3A_123] : memref<32x128xi32, #tpu.memory_space<vmem>> -> memref<1x128xi32, #tpu.memory_space<vmem>>
            %dma_wait3A_125 = tpu.memref_squeeze %dma_wait3A_124 : memref<1x128xi32, #tpu.memory_space<vmem>> -> memref<128xi32, #tpu.memory_space<vmem>>
            %dma_wait3A_126 = arith.constant 0 : i32
            %dma_wait3A_127 = arith.constant 0 : i32
            %dma_wait3A_128 = tpu.memref_slice %arg12[%dma_wait3A_126, %dma_wait3A_127] : memref<10240x128xf32, #tpu.memory_space<vmem_shared>> -> memref<10240x128xf32, #tpu.memory_space<vmem_shared>>
            tpu.wait_indirect_dma semaphore(%run_scoped3A_108 : memref<!tpu.dma_semaphore, #tpu.memory_space<semaphore_mem>>) src(%dma_wait3A_122 : memref<128x128xf32, #tpu.memory_space<vmem>>) dst(%dma_wait3A_128 : memref<10240x128xf32, #tpu.memory_space<vmem_shared>>)
            tpu.yield
          }) : () -> ()
          %add3A_100 = arith.constant 2 : i32
          %add3A_101 = arith.addi %add3A_87, %add3A_100 : i32
          %lt3A_102 = arith.constant 32 : i32
          %lt3A_103 = arith.cmpi slt, %add3A_101, %lt3A_102 : i32
          %convert_element_type3A_104 = arith.extui %lt3A_103 : i1 to i32
          %cond3A_105 = arith.constant 0 : i32
          %cond3A_106 = arith.cmpi ne, %convert_element_type3A_104, %cond3A_105 : i32
          scf.if %cond3A_106 {
            %add3A_108 = arith.constant 2 : i32
            %add3A_109 = arith.addi %add3A_87, %add3A_108 : i32
            %dma_start3A_110 = arith.constant 1 : i32
            %dma_start3A_111 = arith.constant 0 : i32
            %dma_start3A_112 = arith.constant 0 : i32
            %dma_start3A_113 = tpu.memref_slice %arg15[%dma_start3A_110, %dma_start3A_111, %dma_start3A_112] : memref<2x128x128xf32, #tpu.memory_space<vmem>> -> memref<1x128x128xf32, #tpu.memory_space<vmem>>
            %dma_start3A_114 = tpu.memref_squeeze %dma_start3A_113 : memref<1x128x128xf32, #tpu.memory_space<vmem>> -> memref<128x128xf32, #tpu.memory_space<vmem>>
            %dma_start3A_115 = arith.constant 0 : i32
            %dma_start3A_116 = tpu.memref_slice %arg13[%add3A_109, %dma_start3A_115] : memref<32x128xi32, #tpu.memory_space<vmem>> -> memref<1x128xi32, #tpu.memory_space<vmem>>
            %dma_start3A_117 = tpu.memref_squeeze %dma_start3A_116 : memref<1x128xi32, #tpu.memory_space<vmem>> -> memref<128xi32, #tpu.memory_space<vmem>>
            %dma_start3A_118 = arith.constant 0 : i32
            %dma_start3A_119 = arith.constant 0 : i32
            %dma_start3A_120 = tpu.memref_slice %arg3[%dma_start3A_118, %dma_start3A_119] : memref<10000x128xf32, #tpu.memory_space<hbm>> -> memref<10000x128xf32, #tpu.memory_space<hbm>>
            tpu.enqueue_indirect_dma source(%dma_start3A_120 : memref<10000x128xf32, #tpu.memory_space<hbm>>) target(%dma_start3A_114 : memref<128x128xf32, #tpu.memory_space<vmem>>) offsets(%dma_start3A_117 : memref<128xi32, #tpu.memory_space<vmem>>) semaphore(%arg17 : memref<!tpu.dma_semaphore, #tpu.memory_space<semaphore_mem>>)
          } else {
          }
          %scan3A_107 = arith.constant 0 : i32
          scf.yield %scan3A_107 : i32
        }
        %scan3A_60 = arith.constant 16 : i32
        %scan3A_61 = arith.constant 0 : i32
        scf.yield %scan3A_61 : i32
      }
      %scan3A_26 = arith.constant 5 : i32
    } else {
    }
    %barrier3A_8 = arith.constant 0 : index
    tpu.barrier barrier_id(%barrier3A_8)
    %eq3A_9 = arith.constant 0 : i32
    %eq3A_10 = arith.cmpi eq, %arg0, %eq3A_9 : i32
    %convert_element_type3A_11 = arith.extui %eq3A_10 : i1 to i32
    %cond3A_12 = arith.constant 0 : i32
    %cond3A_13 = arith.cmpi ne, %convert_element_type3A_11, %cond3A_12 : i32
    scf.if %cond3A_13 {
      "tpu.region"() ({
        %run_scoped3A = tpu.sem_alloc : memref<!tpu.dma_semaphore, #tpu.memory_space<semaphore_mem>>
        %dma_start3A = arith.constant 0 : i32
        %dma_start3A_19 = tpu.memref_slice %arg10[%mul3A_0, %dma_start3A] : memref<10240x128xf32, #tpu.memory_space<hbm>> -> memref<640x128xf32, #tpu.memory_space<hbm>>
        %dma_start3A_20 = arith.constant 0 : i32
        %dma_start3A_21 = tpu.memref_slice %arg12[%mul3A_0, %dma_start3A_20] : memref<10240x128xf32, #tpu.memory_space<vmem_shared>> -> memref<640x128xf32, #tpu.memory_space<vmem_shared>>
        tpu.enqueue_dma source(%dma_start3A_21 : memref<640x128xf32, #tpu.memory_space<vmem_shared>>) target(%dma_start3A_19 : memref<640x128xf32, #tpu.memory_space<hbm>>) target_semaphore(%run_scoped3A : memref<!tpu.dma_semaphore, #tpu.memory_space<semaphore_mem>>)
        %dma_wait3A = arith.constant 0 : i32
        %dma_wait3A_22 = tpu.memref_slice %arg10[%mul3A_0, %dma_wait3A] : memref<10240x128xf32, #tpu.memory_space<hbm>> -> memref<640x128xf32, #tpu.memory_space<hbm>>
        %dma_wait3A_23 = arith.constant 0 : i32
        %dma_wait3A_24 = tpu.memref_slice %arg12[%mul3A_0, %dma_wait3A_23] : memref<10240x128xf32, #tpu.memory_space<vmem_shared>> -> memref<640x128xf32, #tpu.memory_space<vmem_shared>>
        tpu.wait_dma2 semaphore(%run_scoped3A : memref<!tpu.dma_semaphore, #tpu.memory_space<semaphore_mem>>) src(%dma_wait3A_24 : memref<640x128xf32, #tpu.memory_space<vmem_shared>>) dst(%dma_wait3A_22 : memref<640x128xf32, #tpu.memory_space<hbm>>)
        tpu.yield
      }) : () -> ()
    } else {
    }
    %eq3A_14 = arith.constant 1 : i32
    %eq3A_15 = arith.cmpi eq, %arg0, %eq3A_14 : i32
    %convert_element_type3A_16 = arith.extui %eq3A_15 : i1 to i32
    %cond3A_17 = arith.constant 0 : i32
    %cond3A_18 = arith.cmpi ne, %convert_element_type3A_16, %cond3A_17 : i32
    scf.if %cond3A_18 {
      "tpu.region"() ({
        %run_scoped3A = tpu.sem_alloc : memref<!tpu.dma_semaphore, #tpu.memory_space<semaphore_mem>>
        %dma_start3A = arith.constant 0 : i32
        %dma_start3A_19 = tpu.memref_slice %arg11[%mul3A_0, %dma_start3A] : memref<10240x128xf32, #tpu.memory_space<hbm>> -> memref<640x128xf32, #tpu.memory_space<hbm>>
        %dma_start3A_20 = arith.constant 0 : i32
        %dma_start3A_21 = tpu.memref_slice %arg12[%mul3A_0, %dma_start3A_20] : memref<10240x128xf32, #tpu.memory_space<vmem_shared>> -> memref<640x128xf32, #tpu.memory_space<vmem_shared>>
        tpu.enqueue_dma source(%dma_start3A_21 : memref<640x128xf32, #tpu.memory_space<vmem_shared>>) target(%dma_start3A_19 : memref<640x128xf32, #tpu.memory_space<hbm>>) target_semaphore(%run_scoped3A : memref<!tpu.dma_semaphore, #tpu.memory_space<semaphore_mem>>)
        %dma_wait3A = arith.constant 0 : i32
        %dma_wait3A_22 = tpu.memref_slice %arg11[%mul3A_0, %dma_wait3A] : memref<10240x128xf32, #tpu.memory_space<hbm>> -> memref<640x128xf32, #tpu.memory_space<hbm>>
        %dma_wait3A_23 = arith.constant 0 : i32
        %dma_wait3A_24 = tpu.memref_slice %arg12[%mul3A_0, %dma_wait3A_23] : memref<10240x128xf32, #tpu.memory_space<vmem_shared>> -> memref<640x128xf32, #tpu.memory_space<vmem_shared>>
        tpu.wait_dma2 semaphore(%run_scoped3A : memref<!tpu.dma_semaphore, #tpu.memory_space<semaphore_mem>>) src(%dma_wait3A_24 : memref<640x128xf32, #tpu.memory_space<vmem_shared>>) dst(%dma_wait3A_22 : memref<640x128xf32, #tpu.memory_space<hbm>>)
        tpu.yield
      }) : () -> ()
    } else {
    }
    return
  }
}

module attributes {stable_mosaic.version = 14 : i64} {
  func.func @_layer_tc_body(%arg0: i32, %arg1: memref<1000x128xf32, #tpu.memory_space<vmem>>, %arg2: memref<1000x128xf32, #tpu.memory_space<vmem>>, %arg3: memref<1000x128xf32, #tpu.memory_space<vmem>>, %arg4: memref<1000x128xf32, #tpu.memory_space<vmem>>, %arg5: memref<1000x128xf32, #tpu.memory_space<vmem>>, %arg6: memref<1000x128xf32, #tpu.memory_space<vmem>>, %arg7: memref<128x128xf32, #tpu.memory_space<vmem>>, %arg8: memref<128x128xf32, #tpu.memory_space<vmem>>, %arg9: memref<1x128xf32, #tpu.memory_space<vmem>>, %arg10: memref<128x128xf32, #tpu.memory_space<vmem>>, %arg11: memref<128x128xf32, #tpu.memory_space<vmem>>, %arg12: memref<1x128xf32, #tpu.memory_space<vmem>>, %arg13: memref<1000x128xf32, #tpu.memory_space<vmem>>, %arg14: memref<1000x128xf32, #tpu.memory_space<vmem>>) attributes {dimension_semantics = [#tpu.dimension_semantics<arbitrary>], iteration_bounds = array<i64: 10>, scalar_prefetch = 0 : i64, scratch_operands = 0 : i64, tpu.core_type = #tpu.core_type<tc>, window_params = [{transform_indices = @transform_0, window_bounds = array<i64: 1000, 128>}, {transform_indices = @transform_1, window_bounds = array<i64: 1000, 128>}, {transform_indices = @transform_2, window_bounds = array<i64: 1000, 128>}, {transform_indices = @transform_3, window_bounds = array<i64: 1000, 128>}, {transform_indices = @transform_4, window_bounds = array<i64: 1000, 128>}, {transform_indices = @transform_5, window_bounds = array<i64: 1000, 128>}, {pipeline_mode = #tpu.pipeline_mode<synchronous>, transform_indices = @transform_6, window_bounds = array<i64: 128, 128>}, {pipeline_mode = #tpu.pipeline_mode<synchronous>, transform_indices = @transform_7, window_bounds = array<i64: 128, 128>}, {pipeline_mode = #tpu.pipeline_mode<synchronous>, transform_indices = @transform_8, window_bounds = array<i64: 1, 128>}, {pipeline_mode = #tpu.pipeline_mode<synchronous>, transform_indices = @transform_9, window_bounds = array<i64: 128, 128>}, {pipeline_mode = #tpu.pipeline_mode<synchronous>, transform_indices = @transform_10, window_bounds = array<i64: 128, 128>}, {pipeline_mode = #tpu.pipeline_mode<synchronous>, transform_indices = @transform_11, window_bounds = array<i64: 1, 128>}, {transform_indices = @transform_12, window_bounds = array<i64: 1000, 128>}, {transform_indices = @transform_13, window_bounds = array<i64: 1000, 128>}]} {
    %get3A = arith.constant 0 : index
    %get3A_0 = arith.constant 0 : index
    %get3A_1 = vector.load %arg1[%get3A, %get3A_0] : memref<1000x128xf32, #tpu.memory_space<vmem>>, vector<1000x128xf32>
    %get3A_2 = arith.constant 0 : index
    %get3A_3 = arith.constant 0 : index
    %get3A_4 = vector.load %arg3[%get3A_2, %get3A_3] : memref<1000x128xf32, #tpu.memory_space<vmem>>, vector<1000x128xf32>
    %slice3A = vector.extract_strided_slice %get3A_4 {offsets = [0, 0], sizes = [1000, 1], strides = [1, 1]} : vector<1000x128xf32> to vector<1000x1xf32>
    %max3A = arith.constant 1.000000e+00 : f32
    %max3A_5 = vector.broadcast %max3A : f32 to vector<1000x1xf32>
    %max3A_6 = arith.maximumf %slice3A, %max3A_5 : vector<1000x1xf32>
    %div3A = arith.constant 1.000000e+00 : f32
    %div3A_7 = vector.broadcast %div3A : f32 to vector<1000x1xf32>
    %div3A_8 = arith.divf %div3A_7, %max3A_6 : vector<1000x1xf32>
    %get3A_9 = arith.constant 0 : index
    %get3A_10 = arith.constant 0 : index
    %get3A_11 = vector.load %arg2[%get3A_9, %get3A_10] : memref<1000x128xf32, #tpu.memory_space<vmem>>, vector<1000x128xf32>
    %mul3A = vector.broadcast %div3A_8 : vector<1000x1xf32> to vector<1000x128xf32>
    %mul3A_12 = arith.mulf %get3A_11, %mul3A : vector<1000x128xf32>
    %get3A_13 = arith.constant 0 : index
    %get3A_14 = arith.constant 0 : index
    %get3A_15 = vector.load %arg7[%get3A_13, %get3A_14] : memref<128x128xf32, #tpu.memory_space<vmem>>, vector<128x128xf32>
    %dot_general3A = arith.constant dense<0.000000e+00> : vector<1000x128xf32>
    %dot_general3A_16 = tpu.matmul %get3A_1, %get3A_15, %dot_general3A {dimension_numbers = #tpu.dot_dimension_numbers<[1], [0], [0], [1], [0, 0, 1, 1], [], []>, precision = #tpu.contract_precision<fp32>, transpose_lhs_hint = false} : vector<1000x128xf32>, vector<128x128xf32>, vector<1000x128xf32> -> vector<1000x128xf32>
    %get3A_17 = arith.constant 0 : index
    %get3A_18 = arith.constant 0 : index
    %get3A_19 = vector.load %arg8[%get3A_17, %get3A_18] : memref<128x128xf32, #tpu.memory_space<vmem>>, vector<128x128xf32>
    %dot_general3A_20 = arith.constant dense<0.000000e+00> : vector<1000x128xf32>
    %dot_general3A_21 = tpu.matmul %mul3A_12, %get3A_19, %dot_general3A_20 {dimension_numbers = #tpu.dot_dimension_numbers<[1], [0], [0], [1], [0, 0, 1, 1], [], []>, precision = #tpu.contract_precision<fp32>, transpose_lhs_hint = false} : vector<1000x128xf32>, vector<128x128xf32>, vector<1000x128xf32> -> vector<1000x128xf32>
    %add3A = arith.addf %dot_general3A_16, %dot_general3A_21 : vector<1000x128xf32>
    %get3A_22 = arith.constant 0 : index
    %get3A_23 = arith.constant 0 : index
    %get3A_24 = vector.load %arg9[%get3A_22, %get3A_23] : memref<1x128xf32, #tpu.memory_space<vmem>>, vector<1x128xf32>
    %add3A_25 = vector.broadcast %get3A_24 : vector<1x128xf32> to vector<1000x128xf32>
    %add3A_26 = arith.addf %add3A, %add3A_25 : vector<1000x128xf32>
    %max3A_27 = arith.constant 0.000000e+00 : f32
    %max3A_28 = vector.broadcast %max3A_27 : f32 to vector<1000x128xf32>
    %max3A_29 = arith.maximumf %add3A_26, %max3A_28 : vector<1000x128xf32>
    %swap3A = arith.constant 0 : index
    %swap3A_30 = arith.constant 0 : index
    %swap3A_31 = vector.load %arg13[%swap3A, %swap3A_30] : memref<1000x128xf32, #tpu.memory_space<vmem>>, vector<1000x128xf32>
    tpu.vector_store %arg13[%swap3A, %swap3A_30], %max3A_29 {strides = array<i32>} : memref<1000x128xf32, #tpu.memory_space<vmem>>, vector<1000x128xf32>,
    %get3A_32 = arith.constant 0 : index
    %get3A_33 = arith.constant 0 : index
    %get3A_34 = vector.load %arg4[%get3A_32, %get3A_33] : memref<1000x128xf32, #tpu.memory_space<vmem>>, vector<1000x128xf32>
    %get3A_35 = arith.constant 0 : index
    %get3A_36 = arith.constant 0 : index
    %get3A_37 = vector.load %arg6[%get3A_35, %get3A_36] : memref<1000x128xf32, #tpu.memory_space<vmem>>, vector<1000x128xf32>
    %slice3A_38 = vector.extract_strided_slice %get3A_37 {offsets = [0, 0], sizes = [1000, 1], strides = [1, 1]} : vector<1000x128xf32> to vector<1000x1xf32>
    %max3A_39 = arith.constant 1.000000e+00 : f32
    %max3A_40 = vector.broadcast %max3A_39 : f32 to vector<1000x1xf32>
    %max3A_41 = arith.maximumf %slice3A_38, %max3A_40 : vector<1000x1xf32>
    %div3A_42 = arith.constant 1.000000e+00 : f32
    %div3A_43 = vector.broadcast %div3A_42 : f32 to vector<1000x1xf32>
    %div3A_44 = arith.divf %div3A_43, %max3A_41 : vector<1000x1xf32>
    %get3A_45 = arith.constant 0 : index
    %get3A_46 = arith.constant 0 : index
    %get3A_47 = vector.load %arg5[%get3A_45, %get3A_46] : memref<1000x128xf32, #tpu.memory_space<vmem>>, vector<1000x128xf32>
    %mul3A_48 = vector.broadcast %div3A_44 : vector<1000x1xf32> to vector<1000x128xf32>
    %mul3A_49 = arith.mulf %get3A_47, %mul3A_48 : vector<1000x128xf32>
    %get3A_50 = arith.constant 0 : index
    %get3A_51 = arith.constant 0 : index
    %get3A_52 = vector.load %arg10[%get3A_50, %get3A_51] : memref<128x128xf32, #tpu.memory_space<vmem>>, vector<128x128xf32>
    %dot_general3A_53 = arith.constant dense<0.000000e+00> : vector<1000x128xf32>
    %dot_general3A_54 = tpu.matmul %get3A_34, %get3A_52, %dot_general3A_53 {dimension_numbers = #tpu.dot_dimension_numbers<[1], [0], [0], [1], [0, 0, 1, 1], [], []>, precision = #tpu.contract_precision<fp32>, transpose_lhs_hint = false} : vector<1000x128xf32>, vector<128x128xf32>, vector<1000x128xf32> -> vector<1000x128xf32>
    %get3A_55 = arith.constant 0 : index
    %get3A_56 = arith.constant 0 : index
    %get3A_57 = vector.load %arg11[%get3A_55, %get3A_56] : memref<128x128xf32, #tpu.memory_space<vmem>>, vector<128x128xf32>
    %dot_general3A_58 = arith.constant dense<0.000000e+00> : vector<1000x128xf32>
    %dot_general3A_59 = tpu.matmul %mul3A_49, %get3A_57, %dot_general3A_58 {dimension_numbers = #tpu.dot_dimension_numbers<[1], [0], [0], [1], [0, 0, 1, 1], [], []>, precision = #tpu.contract_precision<fp32>, transpose_lhs_hint = false} : vector<1000x128xf32>, vector<128x128xf32>, vector<1000x128xf32> -> vector<1000x128xf32>
    %add3A_60 = arith.addf %dot_general3A_54, %dot_general3A_59 : vector<1000x128xf32>
    %get3A_61 = arith.constant 0 : index
    %get3A_62 = arith.constant 0 : index
    %get3A_63 = vector.load %arg12[%get3A_61, %get3A_62] : memref<1x128xf32, #tpu.memory_space<vmem>>, vector<1x128xf32>
    %add3A_64 = vector.broadcast %get3A_63 : vector<1x128xf32> to vector<1000x128xf32>
    %add3A_65 = arith.addf %add3A_60, %add3A_64 : vector<1000x128xf32>
    %max3A_66 = arith.constant 0.000000e+00 : f32
    %max3A_67 = vector.broadcast %max3A_66 : f32 to vector<1000x128xf32>
    %max3A_68 = arith.maximumf %add3A_65, %max3A_67 : vector<1000x128xf32>
    %swap3A_69 = arith.constant 0 : index
    %swap3A_70 = arith.constant 0 : index
    %swap3A_71 = vector.load %arg14[%swap3A_69, %swap3A_70] : memref<1000x128xf32, #tpu.memory_space<vmem>>, vector<1000x128xf32>
    tpu.vector_store %arg14[%swap3A_69, %swap3A_70], %max3A_68 {strides = array<i32>} : memref<1000x128xf32, #tpu.memory_space<vmem>>, vector<1000x128xf32>,
    return
  }
  func.func @transform_0(%arg0: i32) -> (i32, i32) {
    %c0_i32 = arith.constant 0 : i32
    %c0_i32_0 = arith.constant 0 : i32
    return %arg0, %c0_i32 : i32, i32
  }
  func.func @transform_1(%arg0: i32) -> (i32, i32) {
    %c0_i32 = arith.constant 0 : i32
    %c0_i32_0 = arith.constant 0 : i32
    return %arg0, %c0_i32 : i32, i32
  }
  func.func @transform_2(%arg0: i32) -> (i32, i32) {
    %c0_i32 = arith.constant 0 : i32
    %c0_i32_0 = arith.constant 0 : i32
    return %arg0, %c0_i32 : i32, i32
  }
  func.func @transform_3(%arg0: i32) -> (i32, i32) {
    %c0_i32 = arith.constant 0 : i32
    %c0_i32_0 = arith.constant 0 : i32
    return %arg0, %c0_i32 : i32, i32
  }
  func.func @transform_4(%arg0: i32) -> (i32, i32) {
    %c0_i32 = arith.constant 0 : i32
    %c0_i32_0 = arith.constant 0 : i32
    return %arg0, %c0_i32 : i32, i32
  }
  func.func @transform_5(%arg0: i32) -> (i32, i32) {
    %c0_i32 = arith.constant 0 : i32
    %c0_i32_0 = arith.constant 0 : i32
    return %arg0, %c0_i32 : i32, i32
  }
  func.func @transform_6(%arg0: i32) -> (i32, i32) {
    %c0_i32 = arith.constant 0 : i32
    %c0_i32_0 = arith.constant 0 : i32
    %c0_i32_1 = arith.constant 0 : i32
    return %c0_i32, %c0_i32_0 : i32, i32
  }
  func.func @transform_7(%arg0: i32) -> (i32, i32) {
    %c0_i32 = arith.constant 0 : i32
    %c0_i32_0 = arith.constant 0 : i32
    %c0_i32_1 = arith.constant 0 : i32
    return %c0_i32, %c0_i32_0 : i32, i32
  }
  func.func @transform_8(%arg0: i32) -> (i32, i32) {
    %c0_i32 = arith.constant 0 : i32
    %c0_i32_0 = arith.constant 0 : i32
    %c0_i32_1 = arith.constant 0 : i32
    return %c0_i32, %c0_i32_0 : i32, i32
  }
  func.func @transform_9(%arg0: i32) -> (i32, i32) {
    %c0_i32 = arith.constant 0 : i32
    %c0_i32_0 = arith.constant 0 : i32
    %c0_i32_1 = arith.constant 0 : i32
    return %c0_i32, %c0_i32_0 : i32, i32
  }
  func.func @transform_10(%arg0: i32) -> (i32, i32) {
    %c0_i32 = arith.constant 0 : i32
    %c0_i32_0 = arith.constant 0 : i32
    %c0_i32_1 = arith.constant 0 : i32
    return %c0_i32, %c0_i32_0 : i32, i32
  }
  func.func @transform_11(%arg0: i32) -> (i32, i32) {
    %c0_i32 = arith.constant 0 : i32
    %c0_i32_0 = arith.constant 0 : i32
    %c0_i32_1 = arith.constant 0 : i32
    return %c0_i32, %c0_i32_0 : i32, i32
  }
  func.func @transform_12(%arg0: i32) -> (i32, i32) {
    %c0_i32 = arith.constant 0 : i32
    %c0_i32_0 = arith.constant 0 : i32
    return %arg0, %c0_i32 : i32, i32
  }
  func.func @transform_13(%arg0: i32) -> (i32, i32) {
    %c0_i32 = arith.constant 0 : i32
    %c0_i32_0 = arith.constant 0 : i32
    return %arg0, %c0_i32 : i32, i32
  }
}

module attributes {stable_mosaic.version = 14 : i64} {
  func.func @_head_body(%arg0: memref<10000x128xf32, #tpu.memory_space<vmem>>, %arg1: memref<10000x128xf32, #tpu.memory_space<vmem>>, %arg2: memref<1x10000xi32, #tpu.memory_space<vmem>>, %arg3: memref<1x10000xi32, #tpu.memory_space<vmem>>, %arg4: memref<128x256xf32, #tpu.memory_space<vmem>>, %arg5: memref<1x256xf32, #tpu.memory_space<vmem>>, %arg6: memref<256x10xf32, #tpu.memory_space<vmem>>, %arg7: memref<1x10xf32, #tpu.memory_space<vmem>>, %arg8: memref<64x10xf32, #tpu.memory_space<vmem>>) attributes {dimension_semantics = [], scalar_prefetch = 0 : i64, scratch_operands = 0 : i64, tpu.core_type = #tpu.core_type<tc>} {
    %iota3A = tpu.iota {dimensions = array<i32: 0>} : vector<64x10000xi32>
    %get3A = arith.constant 0 : index
    %get3A_0 = arith.constant 0 : index
    %get3A_1 = vector.load %arg2[%get3A, %get3A_0] : memref<1x10000xi32, #tpu.memory_space<vmem>>, vector<1x10000xi32>
    %eq3A = vector.broadcast %get3A_1 : vector<1x10000xi32> to vector<64x10000xi32>
    %eq3A_2 = arith.cmpi eq, %eq3A, %iota3A : vector<64x10000xi32>
    %convert_element_type3A = arith.extui %eq3A_2 : vector<64x10000xi1> to vector<64x10000xi32>
    %convert_element_type3A_3 = arith.sitofp %convert_element_type3A : vector<64x10000xi32> to vector<64x10000xf32>
    %get3A_4 = arith.constant 0 : index
    %get3A_5 = arith.constant 0 : index
    %get3A_6 = vector.load %arg0[%get3A_4, %get3A_5] : memref<10000x128xf32, #tpu.memory_space<vmem>>, vector<10000x128xf32>
    %dot_general3A = arith.constant dense<0.000000e+00> : vector<64x128xf32>
    %dot_general3A_7 = tpu.matmul %convert_element_type3A_3, %get3A_6, %dot_general3A {dimension_numbers = #tpu.dot_dimension_numbers<[1], [0], [0], [1], [0, 0, 1, 1], [], []>, precision = #tpu.contract_precision<fp32>, transpose_lhs_hint = false} : vector<64x10000xf32>, vector<10000x128xf32>, vector<64x128xf32> -> vector<64x128xf32>
    %reduce_sum3A = arith.constant dense<0.000000e+00> : vector<64xf32>
    %reduce_sum3A_8 = vector.multi_reduction <add>, %convert_element_type3A_3, %reduce_sum3A [1] : vector<64x10000xf32> to vector<64xf32>
    %broadcast_in_dim3A = vector.shape_cast %reduce_sum3A_8 : vector<64xf32> to vector<64x1xf32>
    %max3A = arith.constant 1.000000e+00 : f32
    %max3A_9 = vector.broadcast %max3A : f32 to vector<64x1xf32>
    %max3A_10 = arith.maximumf %broadcast_in_dim3A, %max3A_9 : vector<64x1xf32>
    %div3A = vector.broadcast %max3A_10 : vector<64x1xf32> to vector<64x128xf32>
    %div3A_11 = arith.divf %dot_general3A_7, %div3A : vector<64x128xf32>
    %get3A_12 = arith.constant 0 : index
    %get3A_13 = arith.constant 0 : index
    %get3A_14 = vector.load %arg3[%get3A_12, %get3A_13] : memref<1x10000xi32, #tpu.memory_space<vmem>>, vector<1x10000xi32>
    %eq3A_15 = vector.broadcast %get3A_14 : vector<1x10000xi32> to vector<64x10000xi32>
    %eq3A_16 = arith.cmpi eq, %eq3A_15, %iota3A : vector<64x10000xi32>
    %convert_element_type3A_17 = arith.extui %eq3A_16 : vector<64x10000xi1> to vector<64x10000xi32>
    %convert_element_type3A_18 = arith.sitofp %convert_element_type3A_17 : vector<64x10000xi32> to vector<64x10000xf32>
    %get3A_19 = arith.constant 0 : index
    %get3A_20 = arith.constant 0 : index
    %get3A_21 = vector.load %arg1[%get3A_19, %get3A_20] : memref<10000x128xf32, #tpu.memory_space<vmem>>, vector<10000x128xf32>
    %dot_general3A_22 = arith.constant dense<0.000000e+00> : vector<64x128xf32>
    %dot_general3A_23 = tpu.matmul %convert_element_type3A_18, %get3A_21, %dot_general3A_22 {dimension_numbers = #tpu.dot_dimension_numbers<[1], [0], [0], [1], [0, 0, 1, 1], [], []>, precision = #tpu.contract_precision<fp32>, transpose_lhs_hint = false} : vector<64x10000xf32>, vector<10000x128xf32>, vector<64x128xf32> -> vector<64x128xf32>
    %reduce_sum3A_24 = arith.constant dense<0.000000e+00> : vector<64xf32>
    %reduce_sum3A_25 = vector.multi_reduction <add>, %convert_element_type3A_18, %reduce_sum3A_24 [1] : vector<64x10000xf32> to vector<64xf32>
    %broadcast_in_dim3A_26 = vector.shape_cast %reduce_sum3A_25 : vector<64xf32> to vector<64x1xf32>
    %max3A_27 = arith.constant 1.000000e+00 : f32
    %max3A_28 = vector.broadcast %max3A_27 : f32 to vector<64x1xf32>
    %max3A_29 = arith.maximumf %broadcast_in_dim3A_26, %max3A_28 : vector<64x1xf32>
    %div3A_30 = vector.broadcast %max3A_29 : vector<64x1xf32> to vector<64x128xf32>
    %div3A_31 = arith.divf %dot_general3A_23, %div3A_30 : vector<64x128xf32>
    %add3A = arith.addf %div3A_11, %div3A_31 : vector<64x128xf32>
    %mul3A = arith.constant 5.000000e-01 : f32
    %mul3A_32 = vector.broadcast %mul3A : f32 to vector<64x128xf32>
    %mul3A_33 = arith.mulf %mul3A_32, %add3A : vector<64x128xf32>
    %get3A_34 = arith.constant 0 : index
    %get3A_35 = arith.constant 0 : index
    %get3A_36 = vector.load %arg4[%get3A_34, %get3A_35] : memref<128x256xf32, #tpu.memory_space<vmem>>, vector<128x256xf32>
    %dot_general3A_37 = arith.constant dense<0.000000e+00> : vector<64x256xf32>
    %dot_general3A_38 = tpu.matmul %mul3A_33, %get3A_36, %dot_general3A_37 {dimension_numbers = #tpu.dot_dimension_numbers<[1], [0], [0], [1], [0, 0, 1, 1], [], []>, precision = #tpu.contract_precision<fp32>, transpose_lhs_hint = false} : vector<64x128xf32>, vector<128x256xf32>, vector<64x256xf32> -> vector<64x256xf32>
    %get3A_39 = arith.constant 0 : index
    %get3A_40 = arith.constant 0 : index
    %get3A_41 = vector.load %arg5[%get3A_39, %get3A_40] : memref<1x256xf32, #tpu.memory_space<vmem>>, vector<1x256xf32>
    %add3A_42 = vector.broadcast %get3A_41 : vector<1x256xf32> to vector<64x256xf32>
    %add3A_43 = arith.addf %dot_general3A_38, %add3A_42 : vector<64x256xf32>
    %mul3A_44 = arith.constant 5.000000e-01 : f32
    %mul3A_45 = vector.broadcast %mul3A_44 : f32 to vector<64x256xf32>
    %mul3A_46 = arith.mulf %mul3A_45, %add3A_43 : vector<64x256xf32>
    %mul3A_47 = arith.constant 0.707106769 : f32
    %mul3A_48 = vector.broadcast %mul3A_47 : f32 to vector<64x256xf32>
    %mul3A_49 = arith.mulf %add3A_43, %mul3A_48 : vector<64x256xf32>
    %erf3A = math.erf %mul3A_49 : vector<64x256xf32>
    %add3A_50 = arith.constant 1.000000e+00 : f32
    %add3A_51 = vector.broadcast %add3A_50 : f32 to vector<64x256xf32>
    %add3A_52 = arith.addf %add3A_51, %erf3A : vector<64x256xf32>
    %mul3A_53 = arith.mulf %mul3A_46, %add3A_52 : vector<64x256xf32>
    %get3A_54 = arith.constant 0 : index
    %get3A_55 = arith.constant 0 : index
    %get3A_56 = vector.load %arg6[%get3A_54, %get3A_55] : memref<256x10xf32, #tpu.memory_space<vmem>>, vector<256x10xf32>
    %dot_general3A_57 = arith.constant dense<0.000000e+00> : vector<64x10xf32>
    %dot_general3A_58 = tpu.matmul %mul3A_53, %get3A_56, %dot_general3A_57 {dimension_numbers = #tpu.dot_dimension_numbers<[1], [0], [0], [1], [0, 0, 1, 1], [], []>, precision = #tpu.contract_precision<fp32>, transpose_lhs_hint = false} : vector<64x256xf32>, vector<256x10xf32>, vector<64x10xf32> -> vector<64x10xf32>
    %get3A_59 = arith.constant 0 : index
    %get3A_60 = arith.constant 0 : index
    %get3A_61 = vector.load %arg7[%get3A_59, %get3A_60] : memref<1x10xf32, #tpu.memory_space<vmem>>, vector<1x10xf32>
    %add3A_62 = vector.broadcast %get3A_61 : vector<1x10xf32> to vector<64x10xf32>
    %add3A_63 = arith.addf %dot_general3A_58, %add3A_62 : vector<64x10xf32>
    %swap3A = arith.constant 0 : index
    %swap3A_64 = arith.constant 0 : index
    %swap3A_65 = vector.load %arg8[%swap3A, %swap3A_64] : memref<64x10xf32, #tpu.memory_space<vmem>>, vector<64x10xf32>
    tpu.vector_store %arg8[%swap3A, %swap3A_64], %add3A_63 {strides = array<i32>} : memref<64x10xf32, #tpu.memory_space<vmem>>, vector<64x10xf32>,
    return
  }
}

</mosaic_0001>

<sc_bundles>
// kernel: sc_edge_agg.4.cloned.1.call-start
scs
__scs_entry_jumppad:
0x0: {  	(pc) =	sbr.rel $0x88, $3  }
0x1: {  	(tag) =	ssettag $0x0;
	lr =	simm.s32 $0x1  }
0x2: {  	[smem:$0x3F91] =	sst lr;
	_ =	strace $0xD0000000  }
0x3: {  	_ = 	snop  }
0x4: {  	_ = 	snop  }
0x5: {  	_ = 	snop  }
0x6: {  	_ = 	snop  }
0x7: {  	_ = 	snop  }
__scs_overlays_trampoline_lowered:
0x8: {  	[smem:$0x3FA0] =	sst s0  }
0x9: {  	[smem:$0x3FA1] =	sst s1  }
0xa: {  	[smem:$0x3FA2] =	sst s2  }
0xb: {  	[smem:$0x3FA3] =	sst s3  }
0xc: {  	[smem:$0x3FA4] =	sst s4  }
0xd: {  	[smem:$0x3FA5] =	sst s5  }
0xe: {  	[smem:$0x3FA6] =	sst s6  }
0xf: {  	[smem:$0x3FA7] =	sst s7  }
0x10: {  	[smem:$0x3FA8] =	sst s8  }
0x11: {  	[smem:$0x3FA9] =	sst s9;
	s0 =	simm.s32 @!p0 $0x0  }
0x12: {  	s1 =	sld [smem:$0x3F8F];
	s0 =	simm.s32 @p0 $0x1  }
0x13: {  	[smem:$0x3FAA] =	sst s0;
	s0 =	simm.s32 @!p1 $0x0  }
0x14: {  	s2 =	sld [smem:$0x3F8E];
	s0 =	simm.s32 @p1 $0x1  }
0x15: {  	[smem:$0x3FAB] =	sst s0;
	s0 =	simm.s32 @!p2 $0x0  }
0x16: {  	s3 =	sld [smem:$0x3FDB];
	s0 =	simm.s32 @p2 $0x1  }
0x17: {  	s4 =	simm.s32 $0x1BF5;
	[smem:$0x3FAD] =	sst s0  }
0x18: {  	s0 =	sld [smem:$0x3F90];
	_ =	swait.ge [sflag:s4], $0x0  }
0x19: {  	s7 =	sld [smem:$0x3F91]  }
0x1a: {  	s8 =	sadd.s32 $0xFFFFE003, lr  }
0x1b: {  	s9 =	sadd.s32 $0xFFFFFEF7, lr;
	s5 =	simm.s32 $0xFFFFFFFF;
	p2 =	slt.u32 s8, $0xFFFFF086  }
0x1c: {  	p1 =	slt.u32 s9, $0xF7A;
	s5 =	simm.s32 @!p2 $0x0  }
0x1d: {  	s5 =	simm.s32 @p1 $0x1;
	p0 =	seq.s32 s7, s2  }
0x1e: {  	s7 =	smul.u32 @!p0 $0xF7A, s2;
	p2 =	seq.s32 @!p0 s5, $0x0  }
0x1f: {  	s9 =	smul.u32 $0xF7A, s1;
	s8 =	simm.s32 @!p0 $0x1BF5;
	p2 =	por !p2, p0  }
0x20: {  	[sflag:s8] =	ssyncset.s32 @!p0 $0xFFFFF086;
	s6 =	sadd.s32 @!p0 s3, s7;
	s7 =	simm.s32 @!p0 $0x108  }
0x21: {  	s3 =	sadd.s32 s3, s9;
	s6 =	sadd.s32 @!p0 $0x88, s6;
	s7 =	simm.s32 @p2 $0x1082  }
0x22: {  	[simem:s7], [sflag:s8] =	dma.local @!p0 [hbm:s6], $0xF7A  }
0x23: {  	s9 =	sor.u32 $0xD0000000, s2;
	s6 =	simm.s32 $0x108;
	_ =	swait.ge @!p0 [sflag:s8], $0x0  }
0x24: {  	s3 =	sadd.s32 $0x88, s3;
	s6 =	simm.s32 @!p1 $0x1082;
	[sflag:s4] =	ssyncset.s32 $0xFFFFF086  }
0x25: {  	[simem:s6], [sflag:s4] =	dma.local [hbm:s3], $0xF7A  }
0x26: {  	[smem:$0x3F91] =	sst s1;
	(tag) =	ssettag s2;
	_ =	strace s9  }
0x27: {  	s1 =	sld [smem:$0x3FA1]  }
0x28: {  	s2 =	sld [smem:$0x3FA2]  }
0x29: {  	s4 =	sld [smem:$0x3FA4]  }
0x2a: {  	p0 =	seq.s32 s5, $0x0;
	s5 =	sld [smem:$0x3FA5]  }
0x2b: {  	s6 =	sld [smem:$0x3FA6]  }
0x2c: {  	s7 =	sld [smem:$0x3FA7]  }
0x2d: {  	s3 =	simm.s32 $0x108;
	s8 =	sld [smem:$0x3FA8]  }
0x2e: {  	s3 =	simm.s32 @!p0 $0x1082;
	s9 =	sld [smem:$0x3FA9]  }
0x2f: {  	lr =	sadd.s32 s0, s3;
	s0 =	sld [smem:$0x3FA0]  }
0x30: {  	s3 =	sld [smem:$0x3FA3]  }
0x31: {  	[smem:$0x3FAC] =	sst s10  }
0x32: {  	s10 =	sld [smem:$0x3FAA];
	_ =	sdelay $0x3  }
0x33: {  	p0 =	seq.s32 s10, $0x1;
	s10 =	sld [smem:$0x3FAC];
	_ =	sdelay $0x3  }
0x34: {  	[smem:$0x3FAC] =	sst s10  }
0x35: {  	s10 =	sld [smem:$0x3FAB];
	_ =	sdelay $0x3  }
0x36: {  	p1 =	seq.s32 s10, $0x1;
	s10 =	sld [smem:$0x3FAC];
	_ =	sdelay $0x3  }
0x37: {  	[smem:$0x3FAC] =	sst s10  }
0x38: {  	s10 =	sld [smem:$0x3FAD]  }
0x39: {  	_ = 	snop;
	(pc) =	sbr.ind lr, $3  }
0x3a: {  	_ = 	snop  }
0x3b: {  	_ = 	snop  }
0x3c: {  	p2 =	seq.s32 s10, $0x1;
	s10 =	sld [smem:$0x3FAC]  }
0x3d: {  	_ =	shalt  }
0x3e: {  	_ =	shalt  }
0x3f: {  	_ =	shalt  }
0x40: {  	_ =	shalt  }
0x41: {  	_ =	shalt  }
0x42: {  	_ =	shalt  }
0x43: {  	_ =	shalt  }
0x44: {  	_ =	shalt  }
0x45: {  	_ =	shalt  }
0x46: {  	_ =	shalt  }
0x47: {  	_ =	shalt  }
0x48: {  	_ =	shalt  }
0x49: {  	_ =	shalt  }
0x4a: {  	_ =	shalt  }
0x4b: {  	_ =	shalt  }
0x4c: {  	_ =	shalt  }
0x4d: {  	_ =	shalt  }
0x4e: {  	_ =	shalt  }
0x4f: {  	_ =	shalt  }
0x50: {  	_ =	shalt  }
0x51: {  	_ =	shalt  }
0x52: {  	_ =	shalt  }
0x53: {  	_ =	shalt  }
0x54: {  	_ =	shalt  }
0x55: {  	_ =	shalt  }
0x56: {  	_ =	shalt  }
0x57: {  	_ =	shalt  }
0x58: {  	_ =	shalt  }
0x59: {  	_ =	shalt  }
0x5a: {  	_ =	shalt  }
0x5b: {  	_ =	shalt  }
0x5c: {  	_ =	shalt  }
0x5d: {  	_ =	shalt  }
0x5e: {  	_ =	shalt  }
0x5f: {  	_ =	shalt  }
0x60: {  	_ =	shalt  }
0x61: {  	_ =	shalt  }
0x62: {  	_ =	shalt  }
0x63: {  	_ =	shalt  }
0x64: {  	_ =	shalt  }
0x65: {  	_ =	shalt  }
0x66: {  	_ =	shalt  }
0x67: {  	_ =	shalt  }
0x68: {  	_ =	shalt  }
0x69: {  	_ =	shalt  }
0x6a: {  	_ =	shalt  }
0x6b: {  	_ =	shalt  }
0x6c: {  	_ =	shalt  }
0x6d: {  	_ =	shalt  }
0x6e: {  	_ =	shalt  }
0x6f: {  	_ =	shalt  }
0x70: {  	_ =	shalt  }
0x71: {  	_ =	shalt  }
0x72: {  	_ =	shalt  }
0x73: {  	_ =	shalt  }
0x74: {  	_ =	shalt  }
0x75: {  	_ =	shalt  }
0x76: {  	_ =	shalt  }
0x77: {  	_ =	shalt  }
0x78: {  	_ =	shalt  }
0x79: {  	_ =	shalt  }
0x7a: {  	_ =	shalt  }
0x7b: {  	_ =	shalt  }
0x7c: {  	_ =	shalt  }
0x7d: {  	_ =	shalt  }
0x7e: {  	_ =	shalt  }
0x7f: {  	_ =	shalt  }
0x80: {  	_ =	shalt  }
0x81: {  	_ =	shalt  }
0x82: {  	_ =	shalt  }
0x83: {  	_ =	shalt  }
0x84: {  	_ =	shalt  }
0x85: {  	_ =	shalt  }
0x86: {  	_ =	shalt  }
0x87: {  	_ =	shalt  }
.Lfunc_end0:
.L_simem_size_0:
called_computation.1_lowered:
.L_overlay_start_0:
0x88: {  	s2 =	sld [smem:$0x3FD9]  }
0x89: {  	s3 =	sld [smem:$0x3FFE];
	_ =	sdelay $0x1  }
0x8a: {  	s1 =	srdreg.scid  }
0x8b: {  	s0 =	sand.u32 $0x1, s1  }
0x8c: {  	s17 =	sshll.u32 s0, $0xA;
	s2 =	sadd.s32 s3, s2  }
0x8d: {  	s2 =	sadd.s32 s2, s17  }
0x8e: {  	[smem:$0x3FB8] =	sst s2  }
0x8f: {  	_ = 	snop  }
0x90: {  	s2 =	sld [smem:$0x3FC9]  }
0x91: {  	s18 =	sld [smem:$0x3FC8];
	(tm) =	ssettm $0x1  }
0x92: {  	s4 =	sld [smem:$0x3FFB];
	_ =	sdelay $0x3  }
0x93: {  	_ =	strace s4  }
0x94: {  	s4 =	sld [smem:$0x3FFC];
	_ =	sdelay $0x3  }
0x95: {  	_ =	strace s4  }
0x96: {  	s4 =	sld [smem:$0x3FFD];
	_ =	sdelay $0x3  }
0x97: {  	_ =	strace s4  }
0x98: {  	_ =	strace $0x8FFFFFFF  }
0x99: {  	s19 =	sld [smem:$0x3FDB];
	_ =	sdelay $0x1  }
0x9a: {  	s5 =	simm.s32 $_scs_section_size  }
0x9b: {  	s6 =	simm.s32 $_size__tile_overlayer_lowered;
	s7 =	simm.s32 $_tile_overlayer_lowered  }
0x9c: {  	s22 =	simm.s32 $0x1BFF;
	s21 =	sshll.u32 s7, $0x1;
	s4 =	sadd.s32 s5, s19  }
0x9d: {  	s8 =	simm.s32 $0x0;
	s20 =	sshll.u32 s6, $0x1;
	s6 =	sadd.s32 s21, s4  }
0x9e: {  	[timem:s8], [sflag:s22] =	dma.local [hbm:s6], s20  }
0x9f: {  	_ =	swait.ge [sflag:s22], s20  }
0xa0: {  	s5 =	ssub.s32 $0x0, s20;
	[sflag:s22] =	ssyncset.done $0x0  }
0xa1: {  	[sflag:s22] =	ssyncadd.s32 s5;
	_ =	sdelay $0x1  }
0xa2: {  	s23 =	simm.s32 $0x1B8B  }
0xa3: {  	_ =	swait.ge [sflag:s23], $0x1  }
0xa4: {  	[sflag:s23] =	ssyncset.done $0x0  }
0xa5: {  	s25 =	simm.s32 $0x1B8E;
	s24 =	sld [smem:$0x3FFE];
	[sflag:s23] =	ssyncadd.s32 $0xFFFFFFFF  }
0xa6: {  	s26 =	simm.s32 $execute0_lowered;
	[smem:$0x3FD2] =	sst s25  }
0xa7: {  	s6 =	sshll.u32 s26, $0x1;
	_ =	strace $0x80000046;
	[dreg:$0x1] =	wrdreg $0xFFFFFFFF  }
0xa8: {  	s28 =	simm.s32 $_size_execute0_lowered;
	s4 =	sadd.s32 s4, s6;
	[dreg:$0x0] =	wrdreg $0x0  }
0xa9: {  	s6 =	sshll.u32 s28, $0x1;
	[dreg:$0x2] =	wrdreg s4  }
0xaa: {  	[dreg:$0x3] =	wrdreg s6  }
0xab: {  	[dreg:$0x4] =	wrdreg $0xC0  }
0xac: {  	_ =	task [dreg:s8], $0x5FFFF  }
0xad: {  	[dreg:$0x1] =	wrdreg $0xFFFFFFFF  }
0xae: {  	[dreg:$0x0] =	wrdreg $0x60  }
0xaf: {  	[dreg:$0x2] =	wrdreg s2  }
0xb0: {  	[dreg:$0x3] =	wrdreg s18  }
0xb1: {  	[dreg:$0x4] =	wrdreg s24  }
0xb2: {  	[dreg:$0x5] =	wrdreg $0x0  }
0xb3: {  	[dreg:$0x6] =	wrdreg $0xA  }
0xb4: {  	_ =	task.clear_ibuf [dreg:s8], $0x7FFFF;
	_ =	strace $0x90000046  }
0xb5: {  	s29 =	simm.s32 $0xA;
	_ =	strace $0x80000048  }
0xb6: {  	_ =	swait.ge [sflag:s29], $0x1  }
0xb7: {  	[sflag:s29] =	ssyncadd.s32 $0xFFFFFFFF  }
0xb8: {  	_ =	strace $0x90000048  }
0xb9: {  	_ =	sfence  }
0xba: {  	s30 =	sld [smem:$0x0];
	_ =	sdelay $0x2  }
0xbb: {  	s31 =	sshll.u32 s1, $0xD;
	s1 =	sshrl.u32 s1, $0x2  }
0xbc: {  	s3 =	sand.u32 $0x4000, s31;
	s1 =	sadd.s32 s1, s30  }
0xbd: {  	s0 =	sor.u32 s3, s0;
	s1 =	sshll.u32 s1, $0x11  }
0xbe: {  	s0 =	sor.u32 s1, s0  }
0xbf: {  	s0 =	sadd.s32 $0x8F2B, s0  }
0xc0: {  	[sflag:s0] =	ssyncadd.remote.s32 $0x1  }
0xc1: {  	_ =	sfence.sel $0xFFFF  }
0xc2: {  	[dreg:$0x0] =	wrdreg $0xFFFFFFFF;
	(pc) =	sbr.abs _section_cstart, $3  }
0xc3: {  	[dreg:$0x1] =	wrdreg $0xFFFFFFFF  }
0xc4: {  	_ =	task.clear_ibuf [dreg:s8], $0x2FFFF;
	_ =	strace $0x9FFFFFFF  }
0xc5: {  	(tm) =	ssettm $0x7FFFFFFF  }
tec
execute0_lowered:
.L_overlay_start_1:
0x0: {  	(tag) =	ssettag $0x1  }
0x1: {  	s1 =	rddreg [dreg:$0x0]  }
0x2: {  	s2 =	rddreg [dreg:$0x1]  }
0x3: {  	s0 =	rddreg [dreg:$0x2]  }
0x4: {  	s3 =	rddreg [dreg:$0x3]  }
0x5: {  	s5 =	simm.s32 $0x0;
	s4 =	stileid.u32;
	s11 =	srdreg.scid  }
0x6: {  	s19 =	simm.s32 $0x14000;
	s20 =	simm.s32 $0x15000;
	s21 =	simm.s32 $0x80  }
0x7: {  	s22 =	simm.s32 $0x16000;
	s23 =	simm.s32 $0x14080;
	s24 =	simm.s32 $0x1A000  }
0x8: {  	s25 =	simm.s32 $0x1;
	s28 =	simm.s32 $0x15F00;
	s29 =	simm.s32 $0x15F80  }
0x9: {  	[smem:$0x7FF] =	sst s5;
	s6 =	sadd.s32 $0x23200, s0;
	s7 =	sadd.s32 $0x19200, s0  }
0xa: {  	s8 =	smul.u32 $0x2800, s4;
	s9 =	sadd.s32 $0xF200, s0;
	s10 =	sadd.s32 $0x5200, s0  }
0xb: {  	s17 =	sand.u32 $0x1, s11;
	s15 =	smul.u32 $0x50000, s4;
	s11 =	sadd.s32 $0x55A00, s0  }
0xc: {  	s12 =	sadd.s32 $0x7DA00, s0;
	s31 =	sshll.u32 s4, $0x6;
	_ =	strace $0x80000047  }
.Ltmp0:
0xd: {  	s14 =	ssub.s32 $0x2, s17;
	p0 =	sne.s32 s17, $0x0;
	(pc) =	sbr.rel .LBB2_1-.Ltmp0, $4  }
0xe: {  	s13 =	sadd.s32 s8, s0;
	s26 =	sshrl.u32 s14, $0x1;
	s30 =	sshrl.u32 s15, $0x2  }
0xf: {  	s15 =	smul.u32 $0x5000, s4;
	s0 =	ssub.s32 s14, s26;
	s18 =	sadd.s32 s30, s3  }
0x10: {  	s13 =	sadd.s32 $0x2D200, s13;
	s14 =	sor.u32 $0x1C03, s31;
	s26 =	simm.s32 $0x2  }
0x11: {  	s16 =	smax.u32 s0, $0x1;
	s17 =	sshrl.u32 s18, $0x3;
	s18 =	simm.s32 $0x3  }
.LBB2_10:
0x12: {  	s5 =	sadd.s32 $0x1, s5  }
0x13: {  	p1 =	sne.s32 s5, s16  }
.Ltmp1:
0x14: {  	s0 =	sadd.s32 s0, s8;
	[bflag:$0x0] =	sbarrier.arrive $0xFFFF;
	(pc) =	sbr.rel @!p1 .LBB2_11-.Ltmp1, $4  }
0x15: {  	[hbm:s0], [sflag:s14] =	dma.local [spmem:s17], $0x2800  }
0x16: {  	_ =	swait.ge [sflag:s18], $0x2800  }
0x17: {  	[sflag:s18] =	ssyncset.done $0x0  }
0x18: {  	[sflag:s18] =	ssyncadd.s32 $0xFFFFD800  }
.LBB2_1:
0x19: {  	[spmem:s17], [sflag:s14] =	dma.local [hbm:s13], $0x2800  }
.Ltmp2:
0x1a: {  	_ =	swait.ge [sflag:s18], $0x2800;
	(pc) =	sbr.rel @p0 .LBB2_6-.Ltmp2, $4  }
0x1b: {  	[sflag:s18] =	ssyncset.done $0x0  }
0x1c: {  	[sflag:s18] =	ssyncadd.s32 $0xFFFFD800  }
0x1d: {  	[bflag:$0x0] =	sbarrier.arrive $0xFFFF  }
0x1e: {  	s30 =	simm.s32 $0x0;
	s31 =	simm.s32 $0x0  }
.LBB2_2:
0x1f: {  	s0 =	sshll.u32 s30, $0xC  }
0x20: {  	s0 =	sadd.s32 s15, s0  }
0x21: {  	s0 =	sshrl.u32 s0, $0x3  }
0x22: {  	s4 =	simm.s32 $0x0;
	s31 =	sadd.s32 s6, s0  }
0x23: {  	[tilespmem:s19], [sflag:$0x3] =	stream.linear.gather [hbm4b:s31+s4], $0x1000, $0x38;
	[tilespmem:$0x1E000] =	vst v63  }
0x24: {  	_ =	swait.ge [sflag:s18], $0x1000  }
0x25: {  	[sflag:s18] =	ssyncset.done $0x0  }
0x26: {  	s0 =	sadd.s32 s7, s0;
	[sflag:s18] =	ssyncadd.s32 $0xFFFFF000  }
0x27: {  	[tilespmem:s20], [sflag:$0x3] =	stream.linear.gather [hbm4b:s0+s4], $0x1000, $0x38;
	[tilespmem:$0x1E000] =	vst v63  }
0x28: {  	_ =	swait.ge [sflag:s18], $0x1000  }
0x29: {  	[sflag:s18] =	ssyncset.done $0x0  }
0x2a: {  	[sflag:s18] =	ssyncadd.s32 $0xFFFFF000  }
0x2b: {  	[tilespmem:s22], [sflag:$0x1] =	stream.indirect.gather [hbm4b:s1+s21], $0x80, s19, s21, $0xb8;
	[tilespmem:$0x1E000] =	vst v63  }
0x2c: {  	_ = 	snop  }
0x2d: {  	[tilespmem:s24], [sflag:$0x2] =	stream.indirect.gather [hbm4b:s1+s21], $0x80, s23, s21, $0xb8;
	[tilespmem:$0x1E000] =	vst v63  }
0x2e: {  	_ =	swait.ge [sflag:s25], $0x4000  }
0x2f: {  	[sflag:s25] =	ssyncset.done $0x0  }
0x30: {  	s4 =	simm.s32 $0x15000;
	[sflag:s25] =	ssyncadd.s32 $0xFFFFC000  }
0x31: {  	[spmem:s3] =	stream.indirect.scatter.add.f32 [tilespmem:s22], [sflag:$0x3], $0x80, s4, s21, $0xb8;
	[tilespmem:$0x1E000] =	vst v63  }
0x32: {  	_ =	swait.ge [sflag:s18], $0x4000  }
0x33: {  	[sflag:s18] =	ssyncset.done $0x0  }
0x34: {  	s4 =	simm.s32 $0x14100;
	[sflag:s18] =	ssyncadd.s32 $0xFFFFC000  }
0x35: {  	[tilespmem:s22], [sflag:$0x1] =	stream.indirect.gather [hbm4b:s1+s21], $0x80, s4, s21, $0xb8;
	[tilespmem:$0x1E000] =	vst v63  }
0x36: {  	_ =	swait.ge [sflag:s26], $0x4000  }
0x37: {  	[sflag:s26] =	ssyncset.done $0x0  }
0x38: {  	s4 =	simm.s32 $0x15080;
	[sflag:s26] =	ssyncadd.s32 $0xFFFFC000  }
0x39: {  	[spmem:s3] =	stream.indirect.scatter.add.f32 [tilespmem:s24], [sflag:$0x3], $0x80, s4, s21, $0xb8;
	[tilespmem:$0x1E000] =	vst v63  }
0x3a: {  	_ =	swait.ge [sflag:s18], $0x4000  }
0x3b: {  	[sflag:s18] =	ssyncset.done $0x0  }
0x3c: {  	s31 =	simm.s32 $0x400;
	s0 =	simm.s32 $0x14180;
	[sflag:s18] =	ssyncadd.s32 $0xFFFFC000  }
.LBB2_3:
0x3d: {  	[tilespmem:s24], [sflag:$0x2] =	stream.indirect.gather [hbm4b:s1+s21], $0x80, s0, s21, $0xb8;
	[tilespmem:$0x1E000] =	vst v63  }
0x3e: {  	s0 =	smov.u32 s31  }
0x3f: {  	p1 =	sne.s32 s31, $0x3800;
	s31 =	sadd.s32 $0x400, s31;
	_ =	swait.ge [sflag:s25], $0x4000  }
0x40: {  	s0 =	sshra.s32 s0, $0x2;
	[sflag:s25] =	ssyncset.done $0x0  }
0x41: {  	s4 =	sadd.s32 $0x15000, s0;
	[sflag:s25] =	ssyncadd.s32 $0xFFFFC000  }
0x42: {  	[spmem:s3] =	stream.indirect.scatter.add.f32 [tilespmem:s22], [sflag:$0x3], $0x80, s4, s21, $0xb8;
	[tilespmem:$0x1E000] =	vst v63  }
0x43: {  	_ =	swait.ge [sflag:s18], $0x4000  }
0x44: {  	[sflag:s18] =	ssyncset.done $0x0  }
0x45: {  	s4 =	sadd.s32 $0x14100, s0;
	[sflag:s18] =	ssyncadd.s32 $0xFFFFC000  }
0x46: {  	[tilespmem:s22], [sflag:$0x1] =	stream.indirect.gather [hbm4b:s1+s21], $0x80, s4, s21, $0xb8;
	[tilespmem:$0x1E000] =	vst v63  }
0x47: {  	_ =	swait.ge [sflag:s26], $0x4000  }
0x48: {  	[sflag:s26] =	ssyncset.done $0x0  }
.Ltmp3:
0x49: {  	s4 =	sadd.s32 $0x15080, s0;
	[sflag:s26] =	ssyncadd.s32 $0xFFFFC000;
	(pc) =	sbr.rel @p1 .LBB2_3-.Ltmp3, $4  }
0x4a: {  	[spmem:s3] =	stream.indirect.scatter.add.f32 [tilespmem:s24], [sflag:$0x3], $0x80, s4, s21, $0xb8;
	[tilespmem:$0x1E000] =	vst v63  }
0x4b: {  	_ =	swait.ge [sflag:s18], $0x4000  }
0x4c: {  	[sflag:s18] =	ssyncset.done $0x0  }
0x4d: {  	s0 =	sadd.s32 $0x14180, s0;
	[sflag:s18] =	ssyncadd.s32 $0xFFFFC000  }
0x4e: {  	[tilespmem:s24], [sflag:$0x2] =	stream.indirect.gather [hbm4b:s1+s21], $0x80, s0, s21, $0xb8;
	[tilespmem:$0x1E000] =	vst v63  }
0x4f: {  	_ =	swait.ge [sflag:s25], $0x4000  }
0x50: {  	[sflag:s25] =	ssyncset.done $0x0  }
0x51: {  	[sflag:s25] =	ssyncadd.s32 $0xFFFFC000  }
0x52: {  	[spmem:s3] =	stream.indirect.scatter.add.f32 [tilespmem:s22], [sflag:$0x3], $0x80, s28, s21, $0xb8;
	[tilespmem:$0x1E000] =	vst v63  }
0x53: {  	_ =	swait.ge [sflag:s18], $0x4000  }
0x54: {  	[sflag:s18] =	ssyncset.done $0x0  }
0x55: {  	[sflag:s18] =	ssyncadd.s32 $0xFFFFC000  }
0x56: {  	s30 =	sadd.s32 $0x1, s30;
	_ =	swait.ge [sflag:s26], $0x4000  }
0x57: {  	p1 =	seq.s32 s30, $0x5;
	[sflag:s26] =	ssyncset.done $0x0  }
.Ltmp4:
0x58: {  	[sflag:s26] =	ssyncadd.s32 $0xFFFFC000;
	(pc) =	sbr.rel @!p1 .LBB2_2-.Ltmp4, $4  }
0x59: {  	[spmem:s3] =	stream.indirect.scatter.add.f32 [tilespmem:s24], [sflag:$0x3], $0x80, s29, s21, $0xb8;
	[tilespmem:$0x1E000] =	vst v63  }
0x5a: {  	_ =	swait.ge [sflag:s18], $0x4000  }
0x5b: {  	[sflag:s18] =	ssyncset.done $0x0  }
0x5c: {  	[sflag:s18] =	ssyncadd.s32 $0xFFFFC000  }
.Ltmp5:
0x5d: {  	(pc) =	sbr.rel .LBB2_10-.Ltmp5, $2  }
0x5e: {  	_ =	sdelay $0x2  }
0x5f: {  	s0 =	smov.u32 s11  }
.LBB2_6:
0x60: {  	s0 =	sshll.u32 s31, $0xC  }
0x61: {  	s0 =	sadd.s32 s15, s0  }
0x62: {  	s0 =	sshrl.u32 s0, $0x3  }
0x63: {  	s30 =	simm.s32 $0x0;
	s4 =	sadd.s32 s9, s0  }
0x64: {  	[tilespmem:s19], [sflag:$0x3] =	stream.linear.gather [hbm4b:s4+s30], $0x1000, $0x38;
	[tilespmem:$0x1E000] =	vst v63  }
0x65: {  	_ =	swait.ge [sflag:s18], $0x1000  }
0x66: {  	[sflag:s18] =	ssyncset.done $0x0  }
0x67: {  	s0 =	sadd.s32 s10, s0;
	[sflag:s18] =	ssyncadd.s32 $0xFFFFF000  }
0x68: {  	[tilespmem:s20], [sflag:$0x3] =	stream.linear.gather [hbm4b:s0+s30], $0x1000, $0x38;
	[tilespmem:$0x1E000] =	vst v63  }
0x69: {  	_ =	swait.ge [sflag:s18], $0x1000  }
0x6a: {  	[sflag:s18] =	ssyncset.done $0x0  }
0x6b: {  	[sflag:s18] =	ssyncadd.s32 $0xFFFFF000  }
0x6c: {  	[tilespmem:s22], [sflag:$0x1] =	stream.indirect.gather [hbm4b:s2+s21], $0x80, s19, s21, $0xb8;
	[tilespmem:$0x1E000] =	vst v63  }
0x6d: {  	_ = 	snop  }
0x6e: {  	[tilespmem:s24], [sflag:$0x2] =	stream.indirect.gather [hbm4b:s2+s21], $0x80, s23, s21, $0xb8;
	[tilespmem:$0x1E000] =	vst v63  }
0x6f: {  	_ =	swait.ge [sflag:s25], $0x4000  }
0x70: {  	[sflag:s25] =	ssyncset.done $0x0  }
0x71: {  	s4 =	simm.s32 $0x15000;
	[sflag:s25] =	ssyncadd.s32 $0xFFFFC000  }
0x72: {  	[spmem:s3] =	stream.indirect.scatter.add.f32 [tilespmem:s22], [sflag:$0x3], $0x80, s4, s21, $0xb8;
	[tilespmem:$0x1E000] =	vst v63  }
0x73: {  	_ =	swait.ge [sflag:s18], $0x4000  }
0x74: {  	[sflag:s18] =	ssyncset.done $0x0  }
0x75: {  	s4 =	simm.s32 $0x14100;
	[sflag:s18] =	ssyncadd.s32 $0xFFFFC000  }
0x76: {  	[tilespmem:s22], [sflag:$0x1] =	stream.indirect.gather [hbm4b:s2+s21], $0x80, s4, s21, $0xb8;
	[tilespmem:$0x1E000] =	vst v63  }
0x77: {  	_ =	swait.ge [sflag:s26], $0x4000  }
0x78: {  	[sflag:s26] =	ssyncset.done $0x0  }
0x79: {  	s4 =	simm.s32 $0x15080;
	[sflag:s26] =	ssyncadd.s32 $0xFFFFC000  }
0x7a: {  	[spmem:s3] =	stream.indirect.scatter.add.f32 [tilespmem:s24], [sflag:$0x3], $0x80, s4, s21, $0xb8;
	[tilespmem:$0x1E000] =	vst v63  }
0x7b: {  	_ =	swait.ge [sflag:s18], $0x4000  }
0x7c: {  	[sflag:s18] =	ssyncset.done $0x0  }
0x7d: {  	s30 =	simm.s32 $0x400;
	s0 =	simm.s32 $0x14180;
	[sflag:s18] =	ssyncadd.s32 $0xFFFFC000  }
.LBB2_7:
0x7e: {  	[tilespmem:s24], [sflag:$0x2] =	stream.indirect.gather [hbm4b:s2+s21], $0x80, s0, s21, $0xb8;
	[tilespmem:$0x1E000] =	vst v63  }
0x7f: {  	s0 =	smov.u32 s30  }
0x80: {  	p1 =	sne.s32 s30, $0x3800;
	s30 =	sadd.s32 $0x400, s30;
	_ =	swait.ge [sflag:s25], $0x4000  }
0x81: {  	s0 =	sshra.s32 s0, $0x2;
	[sflag:s25] =	ssyncset.done $0x0  }
0x82: {  	s4 =	sadd.s32 $0x15000, s0;
	[sflag:s25] =	ssyncadd.s32 $0xFFFFC000  }
0x83: {  	[spmem:s3] =	stream.indirect.scatter.add.f32 [tilespmem:s22], [sflag:$0x3], $0x80, s4, s21, $0xb8;
	[tilespmem:$0x1E000] =	vst v63  }
0x84: {  	_ =	swait.ge [sflag:s18], $0x4000  }
0x85: {  	[sflag:s18] =	ssyncset.done $0x0  }
0x86: {  	s4 =	sadd.s32 $0x14100, s0;
	[sflag:s18] =	ssyncadd.s32 $0xFFFFC000  }
0x87: {  	[tilespmem:s22], [sflag:$0x1] =	stream.indirect.gather [hbm4b:s2+s21], $0x80, s4, s21, $0xb8;
	[tilespmem:$0x1E000] =	vst v63  }
0x88: {  	_ =	swait.ge [sflag:s26], $0x4000  }
0x89: {  	[sflag:s26] =	ssyncset.done $0x0  }
.Ltmp6:
0x8a: {  	s4 =	sadd.s32 $0x15080, s0;
	[sflag:s26] =	ssyncadd.s32 $0xFFFFC000;
	(pc) =	sbr.rel @p1 .LBB2_7-.Ltmp6, $4  }
0x8b: {  	[spmem:s3] =	stream.indirect.scatter.add.f32 [tilespmem:s24], [sflag:$0x3], $0x80, s4, s21, $0xb8;
	[tilespmem:$0x1E000] =	vst v63  }
0x8c: {  	_ =	swait.ge [sflag:s18], $0x4000  }
0x8d: {  	[sflag:s18] =	ssyncset.done $0x0  }
0x8e: {  	s0 =	sadd.s32 $0x14180, s0;
	[sflag:s18] =	ssyncadd.s32 $0xFFFFC000  }
0x8f: {  	[tilespmem:s24], [sflag:$0x2] =	stream.indirect.gather [hbm4b:s2+s21], $0x80, s0, s21, $0xb8;
	[tilespmem:$0x1E000] =	vst v63  }
0x90: {  	_ =	swait.ge [sflag:s25], $0x4000  }
0x91: {  	[sflag:s25] =	ssyncset.done $0x0  }
0x92: {  	[sflag:s25] =	ssyncadd.s32 $0xFFFFC000  }
0x93: {  	[spmem:s3] =	stream.indirect.scatter.add.f32 [tilespmem:s22], [sflag:$0x3], $0x80, s28, s21, $0xb8;
	[tilespmem:$0x1E000] =	vst v63  }
0x94: {  	_ =	swait.ge [sflag:s18], $0x4000  }
0x95: {  	[sflag:s18] =	ssyncset.done $0x0  }
0x96: {  	[sflag:s18] =	ssyncadd.s32 $0xFFFFC000  }
0x97: {  	s31 =	sadd.s32 $0x1, s31;
	_ =	swait.ge [sflag:s26], $0x4000  }
0x98: {  	p1 =	sne.s32 s31, $0x5;
	[sflag:s26] =	ssyncset.done $0x0  }
.Ltmp7:
0x99: {  	[sflag:s26] =	ssyncadd.s32 $0xFFFFC000;
	(pc) =	sbr.rel @p1 .LBB2_6-.Ltmp7, $4  }
0x9a: {  	[spmem:s3] =	stream.indirect.scatter.add.f32 [tilespmem:s24], [sflag:$0x3], $0x80, s29, s21, $0xb8;
	[tilespmem:$0x1E000] =	vst v63  }
0x9b: {  	_ =	swait.ge [sflag:s18], $0x4000  }
0x9c: {  	[sflag:s18] =	ssyncset.done $0x0  }
0x9d: {  	[sflag:s18] =	ssyncadd.s32 $0xFFFFC000  }
.Ltmp8:
0x9e: {  	(pc) =	sbr.rel .LBB2_10-.Ltmp8, $2  }
0x9f: {  	_ =	sdelay $0x2  }
0xa0: {  	s0 =	smov.u32 s12  }
.LBB2_11:
0xa1: {  	_ =	sfence.sel $0x180000  }
0xa2: {  	[bflag:$0x0] =	sbarrier.arrive $0xFFFF  }
0xa3: {  	_ =	strace $0x90000047  }
0xa4: {  	s0 =	stileid.u32;
	[bflag:$0x2] =	sbarrier.arrive $0xFFFF  }
0xa5: {  	p0 =	sne.s32 s0, $0x0;
	s0 =	rddreg [dreg:$0x4]  }
0xa6: {  	s0 =	sadd.s32 @!p0 $0x100000, s0  }
0xa7: {  	[sflag:s0] =	ssyncadd.tile.s32 @!p0 $0x1;
	_ =	shalt  }
.Lfunc_end2:
_tile_overlayer_lowered:
.L_overlay_start_2:
0xa8: {  	(tag) =	ssettag $0x2  }
0xa9: {  	s0 =	rddreg [dreg:$0x0];
	s2 =	stileid.u32  }
0xaa: {  	s1 =	rddreg [dreg:$0x1];
	p0 =	sne.s32 s2, $0x0  }
0xab: {  	s3 =	rddreg [dreg:$0x2];
	[bflag:$0x3] =	sbarrier.arrive $0xFFFF;
	s2 =	simm.s32 @!p0 $0x1C03  }
0xac: {  	[timem:s3], [sflag:s2] =	dma.local @!p0 [hbm:s0], s1  }
0xad: {  	s0 =	simm.s32 @!p0 $0x3  }
0xae: {  	_ =	swait.ge @!p0 [sflag:s0], s1  }
0xaf: {  	s1 =	ssub.s32 @!p0 $0x0, s1;
	[sflag:s0] =	ssyncset.done @!p0 $0x0  }
0xb0: {  	[sflag:s0] =	ssyncadd.s32 @!p0 s1  }
0xb1: {  	[bflag:$0x3] =	sbarrier.arrive $0xFFFF  }
0xb2: {  	_ =	shalt  }

// kernel: sc_edge_agg.7.cloned.1.call-start
scs
__scs_entry_jumppad:
0x0: {  	(pc) =	sbr.rel $0x88, $3  }
0x1: {  	(tag) =	ssettag $0x0;
	lr =	simm.s32 $0x1  }
0x2: {  	[smem:$0x3F91] =	sst lr;
	_ =	strace $0xD0000000  }
0x3: {  	_ = 	snop  }
0x4: {  	_ = 	snop  }
0x5: {  	_ = 	snop  }
0x6: {  	_ = 	snop  }
0x7: {  	_ = 	snop  }
__scs_overlays_trampoline_lowered:
0x8: {  	[smem:$0x3FA0] =	sst s0  }
0x9: {  	[smem:$0x3FA1] =	sst s1  }
0xa: {  	[smem:$0x3FA2] =	sst s2  }
0xb: {  	[smem:$0x3FA3] =	sst s3  }
0xc: {  	[smem:$0x3FA4] =	sst s4  }
0xd: {  	[smem:$0x3FA5] =	sst s5  }
0xe: {  	[smem:$0x3FA6] =	sst s6  }
0xf: {  	[smem:$0x3FA7] =	sst s7  }
0x10: {  	[smem:$0x3FA8] =	sst s8  }
0x11: {  	[smem:$0x3FA9] =	sst s9;
	s0 =	simm.s32 @!p0 $0x0  }
0x12: {  	s1 =	sld [smem:$0x3F8F];
	s0 =	simm.s32 @p0 $0x1  }
0x13: {  	[smem:$0x3FAA] =	sst s0;
	s0 =	simm.s32 @!p1 $0x0  }
0x14: {  	s2 =	sld [smem:$0x3F8E];
	s0 =	simm.s32 @p1 $0x1  }
0x15: {  	[smem:$0x3FAB] =	sst s0;
	s0 =	simm.s32 @!p2 $0x0  }
0x16: {  	s3 =	sld [smem:$0x3FDB];
	s0 =	simm.s32 @p2 $0x1  }
0x17: {  	s4 =	simm.s32 $0x1BF5;
	[smem:$0x3FAD] =	sst s0  }
0x18: {  	s0 =	sld [smem:$0x3F90];
	_ =	swait.ge [sflag:s4], $0x0  }
0x19: {  	s7 =	sld [smem:$0x3F91]  }
0x1a: {  	s8 =	sadd.s32 $0xFFFFE003, lr  }
0x1b: {  	s9 =	sadd.s32 $0xFFFFFEF7, lr;
	s5 =	simm.s32 $0xFFFFFFFF;
	p2 =	slt.u32 s8, $0xFFFFF086  }
0x1c: {  	p1 =	slt.u32 s9, $0xF7A;
	s5 =	simm.s32 @!p2 $0x0  }
0x1d: {  	s5 =	simm.s32 @p1 $0x1;
	p0 =	seq.s32 s7, s2  }
0x1e: {  	s7 =	smul.u32 @!p0 $0xF7A, s2;
	p2 =	seq.s32 @!p0 s5, $0x0  }
0x1f: {  	s9 =	smul.u32 $0xF7A, s1;
	s8 =	simm.s32 @!p0 $0x1BF5;
	p2 =	por !p2, p0  }
0x20: {  	[sflag:s8] =	ssyncset.s32 @!p0 $0xFFFFF086;
	s6 =	sadd.s32 @!p0 s3, s7;
	s7 =	simm.s32 @!p0 $0x108  }
0x21: {  	s3 =	sadd.s32 s3, s9;
	s6 =	sadd.s32 @!p0 $0x88, s6;
	s7 =	simm.s32 @p2 $0x1082  }
0x22: {  	[simem:s7], [sflag:s8] =	dma.local @!p0 [hbm:s6], $0xF7A  }
0x23: {  	s9 =	sor.u32 $0xD0000000, s2;
	s6 =	simm.s32 $0x108;
	_ =	swait.ge @!p0 [sflag:s8], $0x0  }
0x24: {  	s3 =	sadd.s32 $0x88, s3;
	s6 =	simm.s32 @!p1 $0x1082;
	[sflag:s4] =	ssyncset.s32 $0xFFFFF086  }
0x25: {  	[simem:s6], [sflag:s4] =	dma.local [hbm:s3], $0xF7A  }
0x26: {  	[smem:$0x3F91] =	sst s1;
	(tag) =	ssettag s2;
	_ =	strace s9  }
0x27: {  	s1 =	sld [smem:$0x3FA1]  }
0x28: {  	s2 =	sld [smem:$0x3FA2]  }
0x29: {  	s4 =	sld [smem:$0x3FA4]  }
0x2a: {  	p0 =	seq.s32 s5, $0x0;
	s5 =	sld [smem:$0x3FA5]  }
0x2b: {  	s6 =	sld [smem:$0x3FA6]  }
0x2c: {  	s7 =	sld [smem:$0x3FA7]  }
0x2d: {  	s3 =	simm.s32 $0x108;
	s8 =	sld [smem:$0x3FA8]  }
0x2e: {  	s3 =	simm.s32 @!p0 $0x1082;
	s9 =	sld [smem:$0x3FA9]  }
0x2f: {  	lr =	sadd.s32 s0, s3;
	s0 =	sld [smem:$0x3FA0]  }
0x30: {  	s3 =	sld [smem:$0x3FA3]  }
0x31: {  	[smem:$0x3FAC] =	sst s10  }
0x32: {  	s10 =	sld [smem:$0x3FAA];
	_ =	sdelay $0x3  }
0x33: {  	p0 =	seq.s32 s10, $0x1;
	s10 =	sld [smem:$0x3FAC];
	_ =	sdelay $0x3  }
0x34: {  	[smem:$0x3FAC] =	sst s10  }
0x35: {  	s10 =	sld [smem:$0x3FAB];
	_ =	sdelay $0x3  }
0x36: {  	p1 =	seq.s32 s10, $0x1;
	s10 =	sld [smem:$0x3FAC];
	_ =	sdelay $0x3  }
0x37: {  	[smem:$0x3FAC] =	sst s10  }
0x38: {  	s10 =	sld [smem:$0x3FAD]  }
0x39: {  	_ = 	snop;
	(pc) =	sbr.ind lr, $3  }
0x3a: {  	_ = 	snop  }
0x3b: {  	_ = 	snop  }
0x3c: {  	p2 =	seq.s32 s10, $0x1;
	s10 =	sld [smem:$0x3FAC]  }
0x3d: {  	_ =	shalt  }
0x3e: {  	_ =	shalt  }
0x3f: {  	_ =	shalt  }
0x40: {  	_ =	shalt  }
0x41: {  	_ =	shalt  }
0x42: {  	_ =	shalt  }
0x43: {  	_ =	shalt  }
0x44: {  	_ =	shalt  }
0x45: {  	_ =	shalt  }
0x46: {  	_ =	shalt  }
0x47: {  	_ =	shalt  }
0x48: {  	_ =	shalt  }
0x49: {  	_ =	shalt  }
0x4a: {  	_ =	shalt  }
0x4b: {  	_ =	shalt  }
0x4c: {  	_ =	shalt  }
0x4d: {  	_ =	shalt  }
0x4e: {  	_ =	shalt  }
0x4f: {  	_ =	shalt  }
0x50: {  	_ =	shalt  }
0x51: {  	_ =	shalt  }
0x52: {  	_ =	shalt  }
0x53: {  	_ =	shalt  }
0x54: {  	_ =	shalt  }
0x55: {  	_ =	shalt  }
0x56: {  	_ =	shalt  }
0x57: {  	_ =	shalt  }
0x58: {  	_ =	shalt  }
0x59: {  	_ =	shalt  }
0x5a: {  	_ =	shalt  }
0x5b: {  	_ =	shalt  }
0x5c: {  	_ =	shalt  }
0x5d: {  	_ =	shalt  }
0x5e: {  	_ =	shalt  }
0x5f: {  	_ =	shalt  }
0x60: {  	_ =	shalt  }
0x61: {  	_ =	shalt  }
0x62: {  	_ =	shalt  }
0x63: {  	_ =	shalt  }
0x64: {  	_ =	shalt  }
0x65: {  	_ =	shalt  }
0x66: {  	_ =	shalt  }
0x67: {  	_ =	shalt  }
0x68: {  	_ =	shalt  }
0x69: {  	_ =	shalt  }
0x6a: {  	_ =	shalt  }
0x6b: {  	_ =	shalt  }
0x6c: {  	_ =	shalt  }
0x6d: {  	_ =	shalt  }
0x6e: {  	_ =	shalt  }
0x6f: {  	_ =	shalt  }
0x70: {  	_ =	shalt  }
0x71: {  	_ =	shalt  }
0x72: {  	_ =	shalt  }
0x73: {  	_ =	shalt  }
0x74: {  	_ =	shalt  }
0x75: {  	_ =	shalt  }
0x76: {  	_ =	shalt  }
0x77: {  	_ =	shalt  }
0x78: {  	_ =	shalt  }
0x79: {  	_ =	shalt  }
0x7a: {  	_ =	shalt  }
0x7b: {  	_ =	shalt  }
0x7c: {  	_ =	shalt  }
0x7d: {  	_ =	shalt  }
0x7e: {  	_ =	shalt  }
0x7f: {  	_ =	shalt  }
0x80: {  	_ =	shalt  }
0x81: {  	_ =	shalt  }
0x82: {  	_ =	shalt  }
0x83: {  	_ =	shalt  }
0x84: {  	_ =	shalt  }
0x85: {  	_ =	shalt  }
0x86: {  	_ =	shalt  }
0x87: {  	_ =	shalt  }
.Lfunc_end0:
.L_simem_size_0:
called_computation.2_lowered:
.L_overlay_start_0:
0x88: {  	s2 =	sld [smem:$0x3FD9]  }
0x89: {  	s3 =	sld [smem:$0x3FFE];
	_ =	sdelay $0x1  }
0x8a: {  	s1 =	srdreg.scid  }
0x8b: {  	s0 =	sand.u32 $0x1, s1  }
0x8c: {  	s16 =	sshll.u32 s0, $0xA;
	s2 =	sadd.s32 s3, s2  }
0x8d: {  	s2 =	sadd.s32 s2, s16  }
0x8e: {  	[smem:$0x3FB8] =	sst s2  }
0x8f: {  	_ = 	snop  }
0x90: {  	(tm) =	ssettm $0x1  }
0x91: {  	s17 =	sld [smem:$0x3FFB];
	_ =	sdelay $0x3  }
0x92: {  	_ =	strace s17  }
0x93: {  	s2 =	sld [smem:$0x3FFC];
	_ =	sdelay $0x3  }
0x94: {  	_ =	strace s2  }
0x95: {  	s2 =	sld [smem:$0x3FFD];
	_ =	sdelay $0x3  }
0x96: {  	_ =	strace s2  }
0x97: {  	_ =	strace $0x8FFFFFFF  }
0x98: {  	s18 =	sld [smem:$0x3FDB];
	_ =	sdelay $0x1  }
0x99: {  	s19 =	simm.s32 $_scs_section_size  }
0x9a: {  	s4 =	simm.s32 $_size__tile_overlayer_lowered;
	s5 =	simm.s32 $_tile_overlayer_lowered  }
0x9b: {  	s22 =	simm.s32 $0x1BFF;
	s21 =	sshll.u32 s5, $0x1;
	s2 =	sadd.s32 s19, s18  }
0x9c: {  	s6 =	simm.s32 $0x0;
	s20 =	sshll.u32 s4, $0x1;
	s4 =	sadd.s32 s21, s2  }
0x9d: {  	[timem:s6], [sflag:s22] =	dma.local [hbm:s4], s20  }
0x9e: {  	_ =	swait.ge [sflag:s22], s20  }
0x9f: {  	s3 =	ssub.s32 $0x0, s20;
	[sflag:s22] =	ssyncset.done $0x0  }
0xa0: {  	[sflag:s22] =	ssyncadd.s32 s3;
	_ =	sdelay $0x1  }
0xa1: {  	s23 =	simm.s32 $0x1B8B  }
0xa2: {  	_ =	swait.ge [sflag:s23], $0x1  }
0xa3: {  	[sflag:s23] =	ssyncset.done $0x0  }
0xa4: {  	s25 =	simm.s32 $0x1B8E;
	s24 =	sld [smem:$0x3FFE];
	[sflag:s23] =	ssyncadd.s32 $0xFFFFFFFF  }
0xa5: {  	s26 =	simm.s32 $execute0_lowered;
	[smem:$0x3FD2] =	sst s25  }
0xa6: {  	s4 =	sshll.u32 s26, $0x1;
	_ =	strace $0x8000004C;
	[dreg:$0x1] =	wrdreg $0xFFFFFFFF  }
0xa7: {  	s28 =	simm.s32 $_size_execute0_lowered;
	s2 =	sadd.s32 s2, s4;
	[dreg:$0x0] =	wrdreg $0x0  }
0xa8: {  	s4 =	sshll.u32 s28, $0x1;
	[dreg:$0x2] =	wrdreg s2  }
0xa9: {  	[dreg:$0x3] =	wrdreg s4  }
0xaa: {  	[dreg:$0x4] =	wrdreg $0xC0  }
0xab: {  	_ =	task [dreg:s6], $0x5FFFF  }
0xac: {  	[dreg:$0x1] =	wrdreg $0xFFFFFFFF  }
0xad: {  	[dreg:$0x0] =	wrdreg $0x60  }
0xae: {  	[dreg:$0x2] =	wrdreg s24  }
0xaf: {  	[dreg:$0x3] =	wrdreg $0x0  }
0xb0: {  	[dreg:$0x4] =	wrdreg $0x9  }
0xb1: {  	_ =	task.clear_ibuf [dreg:s6], $0x5FFFF;
	_ =	strace $0x9000004C  }
0xb2: {  	s29 =	simm.s32 $0x9;
	_ =	strace $0x8000004E  }
0xb3: {  	_ =	swait.ge [sflag:s29], $0x1  }
0xb4: {  	[sflag:s29] =	ssyncadd.s32 $0xFFFFFFFF  }
0xb5: {  	_ =	strace $0x9000004E  }
0xb6: {  	_ =	sfence  }
0xb7: {  	s30 =	sld [smem:$0x0];
	_ =	sdelay $0x2  }
0xb8: {  	s31 =	sshll.u32 s1, $0xD;
	s1 =	sshrl.u32 s1, $0x2  }
0xb9: {  	s3 =	sand.u32 $0x4000, s31;
	s1 =	sadd.s32 s1, s30  }
0xba: {  	s0 =	sor.u32 s3, s0;
	s1 =	sshll.u32 s1, $0x11  }
0xbb: {  	s0 =	sor.u32 s1, s0  }
0xbc: {  	s0 =	sadd.s32 $0x8F2B, s0  }
0xbd: {  	[sflag:s0] =	ssyncadd.remote.s32 $0x1  }
0xbe: {  	_ =	sfence.sel $0xFFFF  }
0xbf: {  	[dreg:$0x0] =	wrdreg $0xFFFFFFFF;
	(pc) =	sbr.abs _section_cstart, $3  }
0xc0: {  	[dreg:$0x1] =	wrdreg $0xFFFFFFFF  }
0xc1: {  	_ =	task.clear_ibuf [dreg:s6], $0x2FFFF;
	_ =	strace $0x9FFFFFFF  }
0xc2: {  	(tm) =	ssettm $0x7FFFFFFF  }
0xc3: {  	_ =	shalt  }
tec
execute0_lowered:
.L_overlay_start_1:
0x0: {  	(tag) =	ssettag $0x1  }
0x1: {  	s0 =	rddreg [dreg:$0x0]  }
0x2: {  	s1 =	rddreg [dreg:$0x1];
	s2 =	simm.s32 $0x0;
	s3 =	stileid.u32  }
0x3: {  	s11 =	srdreg.scid;
	s19 =	simm.s32 $0x14000;
	s20 =	simm.s32 $0x15000  }
0x4: {  	s21 =	simm.s32 $0x80;
	s22 =	simm.s32 $0x16000;
	s23 =	simm.s32 $0x14080  }
0x5: {  	s24 =	simm.s32 $0x1A000;
	s25 =	simm.s32 $0x1;
	s28 =	simm.s32 $0x15F00  }
0x6: {  	s29 =	simm.s32 $0x15F80;
	[smem:$0x7FF] =	sst s2;
	s4 =	sadd.s32 $0x55A00, s0  }
0x7: {  	s5 =	sadd.s32 $0x7CC00, s0;
	s6 =	sadd.s32 $0x23200, s0;
	s7 =	sadd.s32 $0x19200, s0  }
0x8: {  	s8 =	smul.u32 $0x2800, s3;
	s9 =	sadd.s32 $0xF200, s0;
	s10 =	sadd.s32 $0x5200, s0  }
0x9: {  	s17 =	sand.u32 $0x1, s11;
	s15 =	smul.u32 $0x50000, s3;
	s11 =	sadd.s32 $0xF5A00, s0  }
0xa: {  	s12 =	sadd.s32 $0x11DA00, s0;
	s31 =	sshll.u32 s3, $0x6;
	_ =	strace $0x8000004D  }
.Ltmp0:
0xb: {  	s14 =	ssub.s32 $0x2, s17;
	p0 =	sne.s32 s17, $0x0;
	(pc) =	sbr.rel .LBB2_1-.Ltmp0, $4  }
0xc: {  	s13 =	sadd.s32 s8, s0;
	s26 =	sshrl.u32 s14, $0x1;
	s30 =	sshrl.u32 s15, $0x2  }
0xd: {  	s15 =	smul.u32 $0x5000, s3;
	s0 =	ssub.s32 s14, s26;
	s18 =	sadd.s32 s30, s1  }
0xe: {  	s13 =	sadd.s32 $0x2D200, s13;
	s14 =	sor.u32 $0x1C03, s31;
	s26 =	simm.s32 $0x2  }
0xf: {  	s16 =	smax.u32 s0, $0x1;
	s17 =	sshrl.u32 s18, $0x3;
	s18 =	simm.s32 $0x3  }
.LBB2_10:
0x10: {  	s2 =	sadd.s32 $0x1, s2  }
0x11: {  	p1 =	sne.s32 s2, s16  }
.Ltmp1:
0x12: {  	s0 =	sadd.s32 s0, s8;
	[bflag:$0x0] =	sbarrier.arrive $0xFFFF;
	(pc) =	sbr.rel @!p1 .LBB2_11-.Ltmp1, $4  }
0x13: {  	[hbm:s0], [sflag:s14] =	dma.local [spmem:s17], $0x2800  }
0x14: {  	_ =	swait.ge [sflag:s18], $0x2800  }
0x15: {  	[sflag:s18] =	ssyncset.done $0x0  }
0x16: {  	[sflag:s18] =	ssyncadd.s32 $0xFFFFD800  }
.LBB2_1:
0x17: {  	[spmem:s17], [sflag:s14] =	dma.local [hbm:s13], $0x2800  }
.Ltmp2:
0x18: {  	_ =	swait.ge [sflag:s18], $0x2800;
	(pc) =	sbr.rel @p0 .LBB2_6-.Ltmp2, $4  }
0x19: {  	[sflag:s18] =	ssyncset.done $0x0  }
0x1a: {  	[sflag:s18] =	ssyncadd.s32 $0xFFFFD800  }
0x1b: {  	[bflag:$0x0] =	sbarrier.arrive $0xFFFF  }
0x1c: {  	s30 =	simm.s32 $0x0;
	s31 =	simm.s32 $0x0  }
.LBB2_2:
0x1d: {  	s0 =	sshll.u32 s30, $0xC  }
0x1e: {  	s0 =	sadd.s32 s15, s0  }
0x1f: {  	s0 =	sshrl.u32 s0, $0x3  }
0x20: {  	s3 =	simm.s32 $0x0;
	s31 =	sadd.s32 s6, s0  }
0x21: {  	[tilespmem:s19], [sflag:$0x3] =	stream.linear.gather [hbm4b:s31+s3], $0x1000, $0x38;
	[tilespmem:$0x1E000] =	vst v63  }
0x22: {  	_ =	swait.ge [sflag:s18], $0x1000  }
0x23: {  	[sflag:s18] =	ssyncset.done $0x0  }
0x24: {  	s0 =	sadd.s32 s7, s0;
	[sflag:s18] =	ssyncadd.s32 $0xFFFFF000  }
0x25: {  	[tilespmem:s20], [sflag:$0x3] =	stream.linear.gather [hbm4b:s0+s3], $0x1000, $0x38;
	[tilespmem:$0x1E000] =	vst v63  }
0x26: {  	_ =	swait.ge [sflag:s18], $0x1000  }
0x27: {  	[sflag:s18] =	ssyncset.done $0x0  }
0x28: {  	[sflag:s18] =	ssyncadd.s32 $0xFFFFF000  }
0x29: {  	[tilespmem:s22], [sflag:$0x1] =	stream.indirect.gather [hbm4b:s4+s21], $0x80, s19, s21, $0xb8;
	[tilespmem:$0x1E000] =	vst v63  }
0x2a: {  	_ = 	snop  }
0x2b: {  	[tilespmem:s24], [sflag:$0x2] =	stream.indirect.gather [hbm4b:s4+s21], $0x80, s23, s21, $0xb8;
	[tilespmem:$0x1E000] =	vst v63  }
0x2c: {  	_ =	swait.ge [sflag:s25], $0x4000  }
0x2d: {  	[sflag:s25] =	ssyncset.done $0x0  }
0x2e: {  	s3 =	simm.s32 $0x15000;
	[sflag:s25] =	ssyncadd.s32 $0xFFFFC000  }
0x2f: {  	[spmem:s1] =	stream.indirect.scatter.add.f32 [tilespmem:s22], [sflag:$0x3], $0x80, s3, s21, $0xb8;
	[tilespmem:$0x1E000] =	vst v63  }
0x30: {  	_ =	swait.ge [sflag:s18], $0x4000  }
0x31: {  	[sflag:s18] =	ssyncset.done $0x0  }
0x32: {  	s3 =	simm.s32 $0x14100;
	[sflag:s18] =	ssyncadd.s32 $0xFFFFC000  }
0x33: {  	[tilespmem:s22], [sflag:$0x1] =	stream.indirect.gather [hbm4b:s4+s21], $0x80, s3, s21, $0xb8;
	[tilespmem:$0x1E000] =	vst v63  }
0x34: {  	_ =	swait.ge [sflag:s26], $0x4000  }
0x35: {  	[sflag:s26] =	ssyncset.done $0x0  }
0x36: {  	s3 =	simm.s32 $0x15080;
	[sflag:s26] =	ssyncadd.s32 $0xFFFFC000  }
0x37: {  	[spmem:s1] =	stream.indirect.scatter.add.f32 [tilespmem:s24], [sflag:$0x3], $0x80, s3, s21, $0xb8;
	[tilespmem:$0x1E000] =	vst v63  }
0x38: {  	_ =	swait.ge [sflag:s18], $0x4000  }
0x39: {  	[sflag:s18] =	ssyncset.done $0x0  }
0x3a: {  	s31 =	simm.s32 $0x400;
	s0 =	simm.s32 $0x14180;
	[sflag:s18] =	ssyncadd.s32 $0xFFFFC000  }
.LBB2_3:
0x3b: {  	[tilespmem:s24], [sflag:$0x2] =	stream.indirect.gather [hbm4b:s4+s21], $0x80, s0, s21, $0xb8;
	[tilespmem:$0x1E000] =	vst v63  }
0x3c: {  	s0 =	smov.u32 s31  }
0x3d: {  	p1 =	sne.s32 s31, $0x3800;
	s31 =	sadd.s32 $0x400, s31;
	_ =	swait.ge [sflag:s25], $0x4000  }
0x3e: {  	s0 =	sshra.s32 s0, $0x2;
	[sflag:s25] =	ssyncset.done $0x0  }
0x3f: {  	s3 =	sadd.s32 $0x15000, s0;
	[sflag:s25] =	ssyncadd.s32 $0xFFFFC000  }
0x40: {  	[spmem:s1] =	stream.indirect.scatter.add.f32 [tilespmem:s22], [sflag:$0x3], $0x80, s3, s21, $0xb8;
	[tilespmem:$0x1E000] =	vst v63  }
0x41: {  	_ =	swait.ge [sflag:s18], $0x4000  }
0x42: {  	[sflag:s18] =	ssyncset.done $0x0  }
0x43: {  	s3 =	sadd.s32 $0x14100, s0;
	[sflag:s18] =	ssyncadd.s32 $0xFFFFC000  }
0x44: {  	[tilespmem:s22], [sflag:$0x1] =	stream.indirect.gather [hbm4b:s4+s21], $0x80, s3, s21, $0xb8;
	[tilespmem:$0x1E000] =	vst v63  }
0x45: {  	_ =	swait.ge [sflag:s26], $0x4000  }
0x46: {  	[sflag:s26] =	ssyncset.done $0x0  }
.Ltmp3:
0x47: {  	s3 =	sadd.s32 $0x15080, s0;
	[sflag:s26] =	ssyncadd.s32 $0xFFFFC000;
	(pc) =	sbr.rel @p1 .LBB2_3-.Ltmp3, $4  }
0x48: {  	[spmem:s1] =	stream.indirect.scatter.add.f32 [tilespmem:s24], [sflag:$0x3], $0x80, s3, s21, $0xb8;
	[tilespmem:$0x1E000] =	vst v63  }
0x49: {  	_ =	swait.ge [sflag:s18], $0x4000  }
0x4a: {  	[sflag:s18] =	ssyncset.done $0x0  }
0x4b: {  	s0 =	sadd.s32 $0x14180, s0;
	[sflag:s18] =	ssyncadd.s32 $0xFFFFC000  }
0x4c: {  	[tilespmem:s24], [sflag:$0x2] =	stream.indirect.gather [hbm4b:s4+s21], $0x80, s0, s21, $0xb8;
	[tilespmem:$0x1E000] =	vst v63  }
0x4d: {  	_ =	swait.ge [sflag:s25], $0x4000  }
0x4e: {  	[sflag:s25] =	ssyncset.done $0x0  }
0x4f: {  	[sflag:s25] =	ssyncadd.s32 $0xFFFFC000  }
0x50: {  	[spmem:s1] =	stream.indirect.scatter.add.f32 [tilespmem:s22], [sflag:$0x3], $0x80, s28, s21, $0xb8;
	[tilespmem:$0x1E000] =	vst v63  }
0x51: {  	_ =	swait.ge [sflag:s18], $0x4000  }
0x52: {  	[sflag:s18] =	ssyncset.done $0x0  }
0x53: {  	[sflag:s18] =	ssyncadd.s32 $0xFFFFC000  }
0x54: {  	s30 =	sadd.s32 $0x1, s30;
	_ =	swait.ge [sflag:s26], $0x4000  }
0x55: {  	p1 =	seq.s32 s30, $0x5;
	[sflag:s26] =	ssyncset.done $0x0  }
.Ltmp4:
0x56: {  	[sflag:s26] =	ssyncadd.s32 $0xFFFFC000;
	(pc) =	sbr.rel @!p1 .LBB2_2-.Ltmp4, $4  }
0x57: {  	[spmem:s1] =	stream.indirect.scatter.add.f32 [tilespmem:s24], [sflag:$0x3], $0x80, s29, s21, $0xb8;
	[tilespmem:$0x1E000] =	vst v63  }
0x58: {  	_ =	swait.ge [sflag:s18], $0x4000  }
0x59: {  	[sflag:s18] =	ssyncset.done $0x0  }
0x5a: {  	[sflag:s18] =	ssyncadd.s32 $0xFFFFC000  }
.Ltmp5:
0x5b: {  	(pc) =	sbr.rel .LBB2_10-.Ltmp5, $2  }
0x5c: {  	_ =	sdelay $0x2  }
0x5d: {  	s0 =	smov.u32 s11  }
.LBB2_6:
0x5e: {  	s0 =	sshll.u32 s31, $0xC  }
0x5f: {  	s0 =	sadd.s32 s15, s0  }
0x60: {  	s0 =	sshrl.u32 s0, $0x3  }
0x61: {  	s30 =	simm.s32 $0x0;
	s3 =	sadd.s32 s9, s0  }
0x62: {  	[tilespmem:s19], [sflag:$0x3] =	stream.linear.gather [hbm4b:s3+s30], $0x1000, $0x38;
	[tilespmem:$0x1E000] =	vst v63  }
0x63: {  	_ =	swait.ge [sflag:s18], $0x1000  }
0x64: {  	[sflag:s18] =	ssyncset.done $0x0  }
0x65: {  	s0 =	sadd.s32 s10, s0;
	[sflag:s18] =	ssyncadd.s32 $0xFFFFF000  }
0x66: {  	[tilespmem:s20], [sflag:$0x3] =	stream.linear.gather [hbm4b:s0+s30], $0x1000, $0x38;
	[tilespmem:$0x1E000] =	vst v63  }
0x67: {  	_ =	swait.ge [sflag:s18], $0x1000  }
0x68: {  	[sflag:s18] =	ssyncset.done $0x0  }
0x69: {  	[sflag:s18] =	ssyncadd.s32 $0xFFFFF000  }
0x6a: {  	[tilespmem:s22], [sflag:$0x1] =	stream.indirect.gather [hbm4b:s5+s21], $0x80, s19, s21, $0xb8;
	[tilespmem:$0x1E000] =	vst v63  }
0x6b: {  	_ = 	snop  }
0x6c: {  	[tilespmem:s24], [sflag:$0x2] =	stream.indirect.gather [hbm4b:s5+s21], $0x80, s23, s21, $0xb8;
	[tilespmem:$0x1E000] =	vst v63  }
0x6d: {  	_ =	swait.ge [sflag:s25], $0x4000  }
0x6e: {  	[sflag:s25] =	ssyncset.done $0x0  }
0x6f: {  	s3 =	simm.s32 $0x15000;
	[sflag:s25] =	ssyncadd.s32 $0xFFFFC000  }
0x70: {  	[spmem:s1] =	stream.indirect.scatter.add.f32 [tilespmem:s22], [sflag:$0x3], $0x80, s3, s21, $0xb8;
	[tilespmem:$0x1E000] =	vst v63  }
0x71: {  	_ =	swait.ge [sflag:s18], $0x4000  }
0x72: {  	[sflag:s18] =	ssyncset.done $0x0  }
0x73: {  	s3 =	simm.s32 $0x14100;
	[sflag:s18] =	ssyncadd.s32 $0xFFFFC000  }
0x74: {  	[tilespmem:s22], [sflag:$0x1] =	stream.indirect.gather [hbm4b:s5+s21], $0x80, s3, s21, $0xb8;
	[tilespmem:$0x1E000] =	vst v63  }
0x75: {  	_ =	swait.ge [sflag:s26], $0x4000  }
0x76: {  	[sflag:s26] =	ssyncset.done $0x0  }
0x77: {  	s3 =	simm.s32 $0x15080;
	[sflag:s26] =	ssyncadd.s32 $0xFFFFC000  }
0x78: {  	[spmem:s1] =	stream.indirect.scatter.add.f32 [tilespmem:s24], [sflag:$0x3], $0x80, s3, s21, $0xb8;
	[tilespmem:$0x1E000] =	vst v63  }
0x79: {  	_ =	swait.ge [sflag:s18], $0x4000  }
0x7a: {  	[sflag:s18] =	ssyncset.done $0x0  }
0x7b: {  	s30 =	simm.s32 $0x400;
	s0 =	simm.s32 $0x14180;
	[sflag:s18] =	ssyncadd.s32 $0xFFFFC000  }
.LBB2_7:
0x7c: {  	[tilespmem:s24], [sflag:$0x2] =	stream.indirect.gather [hbm4b:s5+s21], $0x80, s0, s21, $0xb8;
	[tilespmem:$0x1E000] =	vst v63  }
0x7d: {  	s0 =	smov.u32 s30  }
0x7e: {  	p1 =	sne.s32 s30, $0x3800;
	s30 =	sadd.s32 $0x400, s30;
	_ =	swait.ge [sflag:s25], $0x4000  }
0x7f: {  	s0 =	sshra.s32 s0, $0x2;
	[sflag:s25] =	ssyncset.done $0x0  }
0x80: {  	s3 =	sadd.s32 $0x15000, s0;
	[sflag:s25] =	ssyncadd.s32 $0xFFFFC000  }
0x81: {  	[spmem:s1] =	stream.indirect.scatter.add.f32 [tilespmem:s22], [sflag:$0x3], $0x80, s3, s21, $0xb8;
	[tilespmem:$0x1E000] =	vst v63  }
0x82: {  	_ =	swait.ge [sflag:s18], $0x4000  }
0x83: {  	[sflag:s18] =	ssyncset.done $0x0  }
0x84: {  	s3 =	sadd.s32 $0x14100, s0;
	[sflag:s18] =	ssyncadd.s32 $0xFFFFC000  }
0x85: {  	[tilespmem:s22], [sflag:$0x1] =	stream.indirect.gather [hbm4b:s5+s21], $0x80, s3, s21, $0xb8;
	[tilespmem:$0x1E000] =	vst v63  }
0x86: {  	_ =	swait.ge [sflag:s26], $0x4000  }
0x87: {  	[sflag:s26] =	ssyncset.done $0x0  }
.Ltmp6:
0x88: {  	s3 =	sadd.s32 $0x15080, s0;
	[sflag:s26] =	ssyncadd.s32 $0xFFFFC000;
	(pc) =	sbr.rel @p1 .LBB2_7-.Ltmp6, $4  }
0x89: {  	[spmem:s1] =	stream.indirect.scatter.add.f32 [tilespmem:s24], [sflag:$0x3], $0x80, s3, s21, $0xb8;
	[tilespmem:$0x1E000] =	vst v63  }
0x8a: {  	_ =	swait.ge [sflag:s18], $0x4000  }
0x8b: {  	[sflag:s18] =	ssyncset.done $0x0  }
0x8c: {  	s0 =	sadd.s32 $0x14180, s0;
	[sflag:s18] =	ssyncadd.s32 $0xFFFFC000  }
0x8d: {  	[tilespmem:s24], [sflag:$0x2] =	stream.indirect.gather [hbm4b:s5+s21], $0x80, s0, s21, $0xb8;
	[tilespmem:$0x1E000] =	vst v63  }
0x8e: {  	_ =	swait.ge [sflag:s25], $0x4000  }
0x8f: {  	[sflag:s25] =	ssyncset.done $0x0  }
0x90: {  	[sflag:s25] =	ssyncadd.s32 $0xFFFFC000  }
0x91: {  	[spmem:s1] =	stream.indirect.scatter.add.f32 [tilespmem:s22], [sflag:$0x3], $0x80, s28, s21, $0xb8;
	[tilespmem:$0x1E000] =	vst v63  }
0x92: {  	_ =	swait.ge [sflag:s18], $0x4000  }
0x93: {  	[sflag:s18] =	ssyncset.done $0x0  }
0x94: {  	[sflag:s18] =	ssyncadd.s32 $0xFFFFC000  }
0x95: {  	s31 =	sadd.s32 $0x1, s31;
	_ =	swait.ge [sflag:s26], $0x4000  }
0x96: {  	p1 =	sne.s32 s31, $0x5;
	[sflag:s26] =	ssyncset.done $0x0  }
.Ltmp7:
0x97: {  	[sflag:s26] =	ssyncadd.s32 $0xFFFFC000;
	(pc) =	sbr.rel @p1 .LBB2_6-.Ltmp7, $4  }
0x98: {  	[spmem:s1] =	stream.indirect.scatter.add.f32 [tilespmem:s24], [sflag:$0x3], $0x80, s29, s21, $0xb8;
	[tilespmem:$0x1E000] =	vst v63  }
0x99: {  	_ =	swait.ge [sflag:s18], $0x4000  }
0x9a: {  	[sflag:s18] =	ssyncset.done $0x0  }
0x9b: {  	[sflag:s18] =	ssyncadd.s32 $0xFFFFC000  }
.Ltmp8:
0x9c: {  	(pc) =	sbr.rel .LBB2_10-.Ltmp8, $2  }
0x9d: {  	_ =	sdelay $0x2  }
0x9e: {  	s0 =	smov.u32 s12  }
.LBB2_11:
0x9f: {  	_ =	sfence.sel $0x180000  }
0xa0: {  	[bflag:$0x0] =	sbarrier.arrive $0xFFFF  }
0xa1: {  	_ =	strace $0x9000004D  }
0xa2: {  	s0 =	stileid.u32;
	[bflag:$0x2] =	sbarrier.arrive $0xFFFF  }
0xa3: {  	p0 =	sne.s32 s0, $0x0;
	s0 =	rddreg [dreg:$0x2]  }
0xa4: {  	s0 =	sadd.s32 @!p0 $0x100000, s0  }
0xa5: {  	[sflag:s0] =	ssyncadd.tile.s32 @!p0 $0x1;
	_ =	shalt  }
.Lfunc_end2:
_tile_overlayer_lowered:
.L_overlay_start_2:
0xa6: {  	(tag) =	ssettag $0x2  }
0xa7: {  	s0 =	rddreg [dreg:$0x0];
	s2 =	stileid.u32  }
0xa8: {  	s1 =	rddreg [dreg:$0x1];
	p0 =	sne.s32 s2, $0x0  }
0xa9: {  	s3 =	rddreg [dreg:$0x2];
	[bflag:$0x3] =	sbarrier.arrive $0xFFFF;
	s2 =	simm.s32 @!p0 $0x1C03  }
0xaa: {  	[timem:s3], [sflag:s2] =	dma.local @!p0 [hbm:s0], s1  }
0xab: {  	s0 =	simm.s32 @!p0 $0x3  }
0xac: {  	_ =	swait.ge @!p0 [sflag:s0], s1  }
0xad: {  	s1 =	ssub.s32 @!p0 $0x0, s1;
	[sflag:s0] =	ssyncset.done @!p0 $0x0  }
0xae: {  	[sflag:s0] =	ssyncadd.s32 @!p0 s1  }
0xaf: {  	[bflag:$0x3] =	sbarrier.arrive $0xFFFF  }
0xb0: {  	_ =	shalt  }

// kernel: sc_edge_counts.3.cloned.1.call-start
scs
__scs_entry_jumppad:
0x0: {  	(pc) =	sbr.rel $0x88, $3  }
0x1: {  	(tag) =	ssettag $0x0;
	lr =	simm.s32 $0x1  }
0x2: {  	[smem:$0x3F91] =	sst lr;
	_ =	strace $0xD0000000  }
0x3: {  	_ = 	snop  }
0x4: {  	_ = 	snop  }
0x5: {  	_ = 	snop  }
0x6: {  	_ = 	snop  }
0x7: {  	_ = 	snop  }
__scs_overlays_trampoline_lowered:
0x8: {  	[smem:$0x3FA0] =	sst s0  }
0x9: {  	[smem:$0x3FA1] =	sst s1  }
0xa: {  	[smem:$0x3FA2] =	sst s2  }
0xb: {  	[smem:$0x3FA3] =	sst s3  }
0xc: {  	[smem:$0x3FA4] =	sst s4  }
0xd: {  	[smem:$0x3FA5] =	sst s5  }
0xe: {  	[smem:$0x3FA6] =	sst s6  }
0xf: {  	[smem:$0x3FA7] =	sst s7  }
0x10: {  	[smem:$0x3FA8] =	sst s8  }
0x11: {  	[smem:$0x3FA9] =	sst s9;
	s0 =	simm.s32 @!p0 $0x0  }
0x12: {  	s1 =	sld [smem:$0x3F8F];
	s0 =	simm.s32 @p0 $0x1  }
0x13: {  	[smem:$0x3FAA] =	sst s0;
	s0 =	simm.s32 @!p1 $0x0  }
0x14: {  	s2 =	sld [smem:$0x3F8E];
	s0 =	simm.s32 @p1 $0x1  }
0x15: {  	[smem:$0x3FAB] =	sst s0;
	s0 =	simm.s32 @!p2 $0x0  }
0x16: {  	s3 =	sld [smem:$0x3FDB];
	s0 =	simm.s32 @p2 $0x1  }
0x17: {  	s4 =	simm.s32 $0x1BF5;
	[smem:$0x3FAD] =	sst s0  }
0x18: {  	s0 =	sld [smem:$0x3F90];
	_ =	swait.ge [sflag:s4], $0x0  }
0x19: {  	s7 =	sld [smem:$0x3F91]  }
0x1a: {  	s8 =	sadd.s32 $0xFFFFE003, lr  }
0x1b: {  	s9 =	sadd.s32 $0xFFFFFEF7, lr;
	s5 =	simm.s32 $0xFFFFFFFF;
	p2 =	slt.u32 s8, $0xFFFFF086  }
0x1c: {  	p1 =	slt.u32 s9, $0xF7A;
	s5 =	simm.s32 @!p2 $0x0  }
0x1d: {  	s5 =	simm.s32 @p1 $0x1;
	p0 =	seq.s32 s7, s2  }
0x1e: {  	s7 =	smul.u32 @!p0 $0xF7A, s2;
	p2 =	seq.s32 @!p0 s5, $0x0  }
0x1f: {  	s9 =	smul.u32 $0xF7A, s1;
	s8 =	simm.s32 @!p0 $0x1BF5;
	p2 =	por !p2, p0  }
0x20: {  	[sflag:s8] =	ssyncset.s32 @!p0 $0xFFFFF086;
	s6 =	sadd.s32 @!p0 s3, s7;
	s7 =	simm.s32 @!p0 $0x108  }
0x21: {  	s3 =	sadd.s32 s3, s9;
	s6 =	sadd.s32 @!p0 $0x88, s6;
	s7 =	simm.s32 @p2 $0x1082  }
0x22: {  	[simem:s7], [sflag:s8] =	dma.local @!p0 [hbm:s6], $0xF7A  }
0x23: {  	s9 =	sor.u32 $0xD0000000, s2;
	s6 =	simm.s32 $0x108;
	_ =	swait.ge @!p0 [sflag:s8], $0x0  }
0x24: {  	s3 =	sadd.s32 $0x88, s3;
	s6 =	simm.s32 @!p1 $0x1082;
	[sflag:s4] =	ssyncset.s32 $0xFFFFF086  }
0x25: {  	[simem:s6], [sflag:s4] =	dma.local [hbm:s3], $0xF7A  }
0x26: {  	[smem:$0x3F91] =	sst s1;
	(tag) =	ssettag s2;
	_ =	strace s9  }
0x27: {  	s1 =	sld [smem:$0x3FA1]  }
0x28: {  	s2 =	sld [smem:$0x3FA2]  }
0x29: {  	s4 =	sld [smem:$0x3FA4]  }
0x2a: {  	p0 =	seq.s32 s5, $0x0;
	s5 =	sld [smem:$0x3FA5]  }
0x2b: {  	s6 =	sld [smem:$0x3FA6]  }
0x2c: {  	s7 =	sld [smem:$0x3FA7]  }
0x2d: {  	s3 =	simm.s32 $0x108;
	s8 =	sld [smem:$0x3FA8]  }
0x2e: {  	s3 =	simm.s32 @!p0 $0x1082;
	s9 =	sld [smem:$0x3FA9]  }
0x2f: {  	lr =	sadd.s32 s0, s3;
	s0 =	sld [smem:$0x3FA0]  }
0x30: {  	s3 =	sld [smem:$0x3FA3]  }
0x31: {  	[smem:$0x3FAC] =	sst s10  }
0x32: {  	s10 =	sld [smem:$0x3FAA];
	_ =	sdelay $0x3  }
0x33: {  	p0 =	seq.s32 s10, $0x1;
	s10 =	sld [smem:$0x3FAC];
	_ =	sdelay $0x3  }
0x34: {  	[smem:$0x3FAC] =	sst s10  }
0x35: {  	s10 =	sld [smem:$0x3FAB];
	_ =	sdelay $0x3  }
0x36: {  	p1 =	seq.s32 s10, $0x1;
	s10 =	sld [smem:$0x3FAC];
	_ =	sdelay $0x3  }
0x37: {  	[smem:$0x3FAC] =	sst s10  }
0x38: {  	s10 =	sld [smem:$0x3FAD]  }
0x39: {  	_ = 	snop;
	(pc) =	sbr.ind lr, $3  }
0x3a: {  	_ = 	snop  }
0x3b: {  	_ = 	snop  }
0x3c: {  	p2 =	seq.s32 s10, $0x1;
	s10 =	sld [smem:$0x3FAC]  }
0x3d: {  	_ =	shalt  }
0x3e: {  	_ =	shalt  }
0x3f: {  	_ =	shalt  }
0x40: {  	_ =	shalt  }
0x41: {  	_ =	shalt  }
0x42: {  	_ =	shalt  }
0x43: {  	_ =	shalt  }
0x44: {  	_ =	shalt  }
0x45: {  	_ =	shalt  }
0x46: {  	_ =	shalt  }
0x47: {  	_ =	shalt  }
0x48: {  	_ =	shalt  }
0x49: {  	_ =	shalt  }
0x4a: {  	_ =	shalt  }
0x4b: {  	_ =	shalt  }
0x4c: {  	_ =	shalt  }
0x4d: {  	_ =	shalt  }
0x4e: {  	_ =	shalt  }
0x4f: {  	_ =	shalt  }
0x50: {  	_ =	shalt  }
0x51: {  	_ =	shalt  }
0x52: {  	_ =	shalt  }
0x53: {  	_ =	shalt  }
0x54: {  	_ =	shalt  }
0x55: {  	_ =	shalt  }
0x56: {  	_ =	shalt  }
0x57: {  	_ =	shalt  }
0x58: {  	_ =	shalt  }
0x59: {  	_ =	shalt  }
0x5a: {  	_ =	shalt  }
0x5b: {  	_ =	shalt  }
0x5c: {  	_ =	shalt  }
0x5d: {  	_ =	shalt  }
0x5e: {  	_ =	shalt  }
0x5f: {  	_ =	shalt  }
0x60: {  	_ =	shalt  }
0x61: {  	_ =	shalt  }
0x62: {  	_ =	shalt  }
0x63: {  	_ =	shalt  }
0x64: {  	_ =	shalt  }
0x65: {  	_ =	shalt  }
0x66: {  	_ =	shalt  }
0x67: {  	_ =	shalt  }
0x68: {  	_ =	shalt  }
0x69: {  	_ =	shalt  }
0x6a: {  	_ =	shalt  }
0x6b: {  	_ =	shalt  }
0x6c: {  	_ =	shalt  }
0x6d: {  	_ =	shalt  }
0x6e: {  	_ =	shalt  }
0x6f: {  	_ =	shalt  }
0x70: {  	_ =	shalt  }
0x71: {  	_ =	shalt  }
0x72: {  	_ =	shalt  }
0x73: {  	_ =	shalt  }
0x74: {  	_ =	shalt  }
0x75: {  	_ =	shalt  }
0x76: {  	_ =	shalt  }
0x77: {  	_ =	shalt  }
0x78: {  	_ =	shalt  }
0x79: {  	_ =	shalt  }
0x7a: {  	_ =	shalt  }
0x7b: {  	_ =	shalt  }
0x7c: {  	_ =	shalt  }
0x7d: {  	_ =	shalt  }
0x7e: {  	_ =	shalt  }
0x7f: {  	_ =	shalt  }
0x80: {  	_ =	shalt  }
0x81: {  	_ =	shalt  }
0x82: {  	_ =	shalt  }
0x83: {  	_ =	shalt  }
0x84: {  	_ =	shalt  }
0x85: {  	_ =	shalt  }
0x86: {  	_ =	shalt  }
0x87: {  	_ =	shalt  }
.Lfunc_end0:
.L_simem_size_0:
called_computation_lowered:
.L_overlay_start_0:
0x88: {  	s2 =	sld [smem:$0x3FD9]  }
0x89: {  	s3 =	sld [smem:$0x3FFE];
	_ =	sdelay $0x1  }
0x8a: {  	s1 =	srdreg.scid  }
0x8b: {  	s0 =	sand.u32 $0x1, s1  }
0x8c: {  	s17 =	sshll.u32 s0, $0xA;
	s2 =	sadd.s32 s3, s2  }
0x8d: {  	s2 =	sadd.s32 s2, s17  }
0x8e: {  	[smem:$0x3FB8] =	sst s2  }
0x8f: {  	_ = 	snop  }
0x90: {  	(tm) =	ssettm $0x1  }
0x91: {  	s18 =	sld [smem:$0x3FFB];
	_ =	sdelay $0x3  }
0x92: {  	_ =	strace s18  }
0x93: {  	s2 =	sld [smem:$0x3FFC];
	_ =	sdelay $0x3  }
0x94: {  	_ =	strace s2  }
0x95: {  	s2 =	sld [smem:$0x3FFD];
	_ =	sdelay $0x3  }
0x96: {  	_ =	strace s2  }
0x97: {  	_ =	strace $0x8FFFFFFF  }
0x98: {  	s19 =	sld [smem:$0x3FDB];
	_ =	sdelay $0x1  }
0x99: {  	s20 =	simm.s32 $_scs_section_size  }
0x9a: {  	s4 =	simm.s32 $_size__tile_overlayer_lowered;
	s5 =	simm.s32 $_tile_overlayer_lowered  }
0x9b: {  	s6 =	simm.s32 $0x1BFF;
	s21 =	sshll.u32 s5, $0x1;
	s3 =	sadd.s32 s20, s19  }
0x9c: {  	s22 =	simm.s32 $0x0;
	s4 =	sshll.u32 s4, $0x1;
	s5 =	sadd.s32 s21, s3  }
0x9d: {  	[timem:s22], [sflag:s6] =	dma.local [hbm:s5], s4  }
0x9e: {  	_ =	swait.ge [sflag:s6], s4  }
0x9f: {  	s4 =	ssub.s32 $0x0, s4;
	[sflag:s6] =	ssyncset.done $0x0  }
0xa0: {  	[sflag:s6] =	ssyncadd.s32 s4;
	_ =	sdelay $0x1  }
0xa1: {  	s23 =	simm.s32 $0x1B8B  }
0xa2: {  	_ =	swait.ge [sflag:s23], $0x1  }
0xa3: {  	[sflag:s23] =	ssyncset.done $0x0  }
0xa4: {  	[sflag:s23] =	ssyncadd.s32 $0xFFFFFFFF  }
0xa5: {  	s4 =	sld [smem:$0x0]  }
0xa6: {  	s5 =	sand.u32 $0xFFFFFFFE, s1  }
0xa7: {  	p0 =	sne.s32 s1, s5  }
0xa8: {  	s5 =	sshll.u32 @p0 s5, $0xE  }
0xa9: {  	s5 =	sadd.s32 @p0 $0x11B8D, s5;
	s6 =	sshll.u32 @p0 s4, $0x11  }
0xaa: {  	s5 =	sor.u32 @p0 s6, s5  }
0xab: {  	[sflag:s5] =	ssyncadd.remote.s32 @p0 $0x1;
	_ =	sdelay $0x1  }
0xac: {  	s5 =	simm.s32 @p0 $0x1B8D  }
0xad: {  	_ =	swait.eq @p0 [sflag:s5], $0x1  }
0xae: {  	[sflag:s5] =	ssyncadd.s32 @p0 $0xFFFFFFFF  }
0xaf: {  	s6 =	sshll.u32 @!p0 s1, $0xE  }
0xb0: {  	s6 =	sor.u32 @!p0 $0x4000, s6;
	s5 =	simm.s32 @!p0 $0x1B8D  }
0xb1: {  	s4 =	sshll.u32 @!p0 s4, $0x11;
	s6 =	sadd.s32 @!p0 $0x11B8D, s6;
	_ =	swait.eq @!p0 [sflag:s5], $0x1  }
0xb2: {  	s4 =	sor.u32 @!p0 s4, s6;
	[sflag:s5] =	ssyncadd.s32 @!p0 $0xFFFFFFFF  }
0xb3: {  	s25 =	simm.s32 $0x1B8E;
	s24 =	sld [smem:$0x3FFE];
	[sflag:s4] =	ssyncadd.remote.s32 @!p0 $0x1  }
0xb4: {  	s26 =	simm.s32 $execute0_lowered;
	[smem:$0x3FD2] =	sst s25  }
0xb5: {  	s5 =	sshll.u32 s26, $0x1;
	_ =	strace $0x80000049;
	[dreg:$0x1] =	wrdreg $0xFFFFFFFF  }
0xb6: {  	s28 =	simm.s32 $_size_execute0_lowered;
	s3 =	sadd.s32 s3, s5;
	[dreg:$0x0] =	wrdreg $0x0  }
0xb7: {  	s5 =	sshll.u32 s28, $0x1;
	[dreg:$0x2] =	wrdreg s3  }
0xb8: {  	[dreg:$0x3] =	wrdreg s5  }
0xb9: {  	[dreg:$0x4] =	wrdreg $0xC0  }
0xba: {  	_ =	task [dreg:s22], $0x5FFFF  }
0xbb: {  	[dreg:$0x1] =	wrdreg $0xFFFFFFFF  }
0xbc: {  	[dreg:$0x0] =	wrdreg $0x60  }
0xbd: {  	[dreg:$0x2] =	wrdreg s24  }
0xbe: {  	[dreg:$0x3] =	wrdreg $0x0  }
0xbf: {  	[dreg:$0x4] =	wrdreg $0x9  }
0xc0: {  	_ =	task.clear_ibuf [dreg:s22], $0x5FFFF;
	_ =	strace $0x90000049  }
0xc1: {  	s29 =	simm.s32 $0x9;
	_ =	strace $0x8000004B  }
0xc2: {  	_ =	swait.ge [sflag:s29], $0x1  }
0xc3: {  	[sflag:s29] =	ssyncadd.s32 $0xFFFFFFFF  }
0xc4: {  	_ =	strace $0x9000004B  }
0xc5: {  	_ =	sfence  }
0xc6: {  	s30 =	sld [smem:$0x0];
	_ =	sdelay $0x2  }
0xc7: {  	s31 =	sshll.u32 s1, $0xD;
	s1 =	sshrl.u32 s1, $0x2  }
0xc8: {  	s4 =	sand.u32 $0x4000, s31;
	s1 =	sadd.s32 s1, s30  }
0xc9: {  	s0 =	sor.u32 s4, s0;
	s1 =	sshll.u32 s1, $0x11  }
0xca: {  	s0 =	sor.u32 s1, s0  }
0xcb: {  	s0 =	sadd.s32 $0x8F2B, s0  }
0xcc: {  	[sflag:s0] =	ssyncadd.remote.s32 $0x1  }
0xcd: {  	_ =	sfence.sel $0xFFFF  }
0xce: {  	[dreg:$0x0] =	wrdreg $0xFFFFFFFF;
	(pc) =	sbr.abs _section_cstart, $3  }
0xcf: {  	[dreg:$0x1] =	wrdreg $0xFFFFFFFF  }
0xd0: {  	_ =	task.clear_ibuf [dreg:s22], $0x2FFFF;
	_ =	strace $0x9FFFFFFF  }
0xd1: {  	(tm) =	ssettm $0x7FFFFFFF  }
tec
execute0_lowered:
.L_overlay_start_1:
0x0: {  	(tag) =	ssettag $0x1  }
0x1: {  	s7 =	rddreg [dreg:$0x0]  }
0x2: {  	s2 =	rddreg [dreg:$0x1];
	s1 =	stileid.u32  }
0x3: {  	s0 =	rddreg [dreg:$0x2];
	s3 =	simm.s32 $0x0;
	s30 =	srdreg.scid  }
0x4: {  	s15 =	simm.s32 $0x19000;
	s16 =	simm.s32 $0x14000;
	s5 =	smul.u32 $0xA00, s1  }
0x5: {  	s17 =	simm.s32 $0x80;
	s18 =	simm.s32 $0x0;
	s4 =	smul.u32 $0x2800, s1  }
0x6: {  	[smem:$0x7FF] =	sst s3;
	s13 =	sand.u32 $0x1, s30;
	s9 =	smul.u32 $0x50000, s1  }
0x7: {  	s6 =	sadd.s32 $0xA5A00, s7;
	s31 =	sshll.u32 s1, $0x6;
	_ =	strace $0x8000004A  }
0x8: {  	s10 =	ssub.s32 $0x2, s13;
	p0 =	sne.s32 s13, $0x0;
	s11 =	sadd.s32 s5, s7  }
.Ltmp0:
0x9: {  	s8 =	sadd.s32 s4, s7;
	s5 =	sadd.s32 $0x55200, s7;
	(pc) =	sbr.rel .LBB2_1-.Ltmp0, $4  }
0xa: {  	s7 =	sadd.s32 $0xCDA00, s7;
	s12 =	sshrl.u32 s10, $0x1;
	s9 =	sshrl.u32 s9, $0x2  }
0xb: {  	s12 =	ssub.s32 s10, s12;
	s14 =	sadd.s32 s9, s2;
	s8 =	sadd.s32 $0x2D200, s8  }
0xc: {  	s9 =	sor.u32 $0x1C01, s31;
	s10 =	sadd.s32 $0x5200, s11;
	s11 =	sadd.s32 $0x19200, s11  }
0xd: {  	s12 =	smax.u32 s12, $0x1;
	s13 =	sshrl.u32 s14, $0x3;
	s14 =	simm.s32 $0x1  }
.LBB2_7:
0xe: {  	[sflag:s14] =	ssyncset.done $0x0  }
0xf: {  	s19 =	smov.u32 s7;
	[sflag:s14] =	ssyncadd.s32 $0xFFFFC000  }
.LBB2_8:
0x10: {  	s18 =	sadd.s32 $0x1, s18  }
0x11: {  	p1 =	sne.s32 s18, s12  }
.Ltmp1:
0x12: {  	s19 =	sadd.s32 s19, s4;
	[bflag:$0x0] =	sbarrier.arrive $0xFFFF;
	(pc) =	sbr.rel @!p1 .LBB2_9-.Ltmp1, $4  }
0x13: {  	[hbm:s19], [sflag:s9] =	dma.local [spmem:s13], $0x2800  }
0x14: {  	_ =	swait.ge [sflag:s14], $0x2800  }
0x15: {  	[sflag:s14] =	ssyncset.done $0x0  }
0x16: {  	[sflag:s14] =	ssyncadd.s32 $0xFFFFD800  }
.LBB2_1:
0x17: {  	[spmem:s13], [sflag:s9] =	dma.local [hbm:s8], $0x2800  }
0x18: {  	_ =	swait.ge [sflag:s14], $0x2800  }
0x19: {  	[sflag:s14] =	ssyncset.done $0x0  }
0x1a: {  	[sflag:s14] =	ssyncadd.s32 $0xFFFFD800  }
0x1b: {  	[tilespmem:s15], [sflag:$0x1] =	stream.linear.gather [hbm4b:s5+s3], $0x4000, $0x38;
	[tilespmem:$0x1D000] =	vst v63  }
.Ltmp2:
0x1c: {  	_ =	swait.ge [sflag:s14], $0x4000;
	(pc) =	sbr.rel @p0 .LBB2_5-.Ltmp2, $4  }
0x1d: {  	[sflag:s14] =	ssyncset.done $0x0  }
0x1e: {  	[sflag:s14] =	ssyncadd.s32 $0xFFFFC000  }
0x1f: {  	[bflag:$0x0] =	sbarrier.arrive $0xFFFF  }
0x20: {  	s19 =	simm.s32 $0x0  }
0x21: {  	[tilespmem:s16], [sflag:$0x1] =	stream.linear.gather [hbm4b:s11+s19], $0x5000, $0x38;
	[tilespmem:$0x1D000] =	vst v63  }
0x22: {  	_ =	swait.ge [sflag:s14], $0x5000  }
0x23: {  	[sflag:s14] =	ssyncset.done $0x0  }
0x24: {  	s31 =	simm.s32 $0x14000;
	[sflag:s14] =	ssyncadd.s32 $0xFFFFB000  }
0x25: {  	[spmem:s2] =	stream.indirect.scatter.add.f32 [tilespmem:s15], [sflag:$0x1], $0x80, s31, s17, $0xb8;
	[tilespmem:$0x1D000] =	vst v63  }
0x26: {  	s19 =	simm.s32 $0x200;
	_ =	swait.ge [sflag:s14], $0x4000  }
.LBB2_3:
0x27: {  	s20 =	sshra.s32 s19, $0x2;
	[sflag:s14] =	ssyncset.done $0x0;
	p1 =	seq.s32 s19, $0x13E00  }
.Ltmp3:
0x28: {  	s20 =	sadd.s32 $0x14000, s20;
	[sflag:s14] =	ssyncadd.s32 $0xFFFFC000;
	(pc) =	sbr.rel @!p1 .LBB2_3-.Ltmp3, $3  }
0x29: {  	[spmem:s2] =	stream.indirect.scatter.add.f32 [tilespmem:s15], [sflag:$0x1], $0x80, s20, s17, $0xb8;
	[tilespmem:$0x1D000] =	vst v63  }
0x2a: {  	s19 =	sadd.s32 $0x200, s19;
	_ =	sdelay $0x1  }
0x2b: {  	_ =	swait.ge [sflag:s14], $0x4000  }
.Ltmp4:
0x2c: {  	(pc) =	sbr.rel .LBB2_8-.Ltmp4, $3  }
0x2d: {  	_ =	sdelay $0x1  }
0x2e: {  	[sflag:s14] =	ssyncset.done $0x0  }
0x2f: {  	s19 =	smov.u32 s6;
	[sflag:s14] =	ssyncadd.s32 $0xFFFFC000  }
.LBB2_5:
0x30: {  	[tilespmem:s16], [sflag:$0x1] =	stream.linear.gather [hbm4b:s10+s19], $0x5000, $0x38;
	[tilespmem:$0x1D000] =	vst v63  }
0x31: {  	_ =	swait.ge [sflag:s14], $0x5000  }
0x32: {  	[sflag:s14] =	ssyncset.done $0x0  }
0x33: {  	s31 =	simm.s32 $0x14000;
	[sflag:s14] =	ssyncadd.s32 $0xFFFFB000  }
0x34: {  	[spmem:s2] =	stream.indirect.scatter.add.f32 [tilespmem:s15], [sflag:$0x1], $0x80, s31, s17, $0xb8;
	[tilespmem:$0x1D000] =	vst v63  }
0x35: {  	s19 =	simm.s32 $0x200;
	_ =	swait.ge [sflag:s14], $0x4000  }
.LBB2_6:
0x36: {  	s20 =	sshra.s32 s19, $0x2;
	[sflag:s14] =	ssyncset.done $0x0;
	p1 =	sne.s32 s19, $0x13E00  }
.Ltmp5:
0x37: {  	s20 =	sadd.s32 $0x14000, s20;
	[sflag:s14] =	ssyncadd.s32 $0xFFFFC000;
	(pc) =	sbr.rel @p1 .LBB2_6-.Ltmp5, $3  }
0x38: {  	[spmem:s2] =	stream.indirect.scatter.add.f32 [tilespmem:s15], [sflag:$0x1], $0x80, s20, s17, $0xb8;
	[tilespmem:$0x1D000] =	vst v63  }
0x39: {  	s19 =	sadd.s32 $0x200, s19;
	_ =	sdelay $0x1  }
0x3a: {  	_ =	swait.ge [sflag:s14], $0x4000  }
.Ltmp6:
0x3b: {  	_ = 	snop;
	(pc) =	sbr.rel .LBB2_7-.Ltmp6, $1  }
0x3c: {  	_ =	sdelay $0x3  }
.LBB2_9:
0x3d: {  	_ =	sfence.sel $0x180000  }
0x3e: {  	[bflag:$0x0] =	sbarrier.arrive $0xFFFF  }
0x3f: {  	p0 =	sne.s32 s1, $0x0;
	_ =	strace $0x9000004A  }
0x40: {  	s0 =	sadd.s32 @!p0 $0x100000, s0;
	[bflag:$0x2] =	sbarrier.arrive $0xFFFF  }
0x41: {  	[sflag:s0] =	ssyncadd.tile.s32 @!p0 $0x1;
	_ =	shalt  }
.Lfunc_end2:
_tile_overlayer_lowered:
.L_overlay_start_2:
0x42: {  	(tag) =	ssettag $0x2  }
0x43: {  	s0 =	rddreg [dreg:$0x0];
	s2 =	stileid.u32  }
0x44: {  	s1 =	rddreg [dreg:$0x1];
	p0 =	sne.s32 s2, $0x0  }
0x45: {  	s3 =	rddreg [dreg:$0x2];
	[bflag:$0x3] =	sbarrier.arrive $0xFFFF;
	s2 =	simm.s32 @!p0 $0x1C01  }
0x46: {  	[timem:s3], [sflag:s2] =	dma.local @!p0 [hbm:s0], s1  }
0x47: {  	s0 =	simm.s32 @!p0 $0x1  }
0x48: {  	_ =	swait.ge @!p0 [sflag:s0], s1  }
0x49: {  	s1 =	ssub.s32 @!p0 $0x0, s1;
	[sflag:s0] =	ssyncset.done @!p0 $0x0  }
0x4a: {  	[sflag:s0] =	ssyncadd.s32 @!p0 s1  }
0x4b: {  	[bflag:$0x3] =	sbarrier.arrive $0xFFFF  }
0x4c: {  	_ =	shalt  }

</sc_bundles>
